<compile_context>
chip_gen: v7x
topology: tpu7x:2x2x1
jax: 0.10.2.dev20260603
libtpu: 0.0.44.dev20260713+nightly
codegen_flags: <defaults>
</compile_context>

<pallas_src>
import functools

import jax
import jax.numpy as jnp
from jax import lax
from jax.experimental import pallas as pl
from jax.experimental.pallas import tpu as pltpu
from jax.experimental.pallas import tpu_sc as plsc

N = 10000
E = 160000
IN_DIM = 256
HID1 = 256
HALF = 128
OUT_DIM = 128
NUM_GRAPHS = 64

NUM_SC = 2
NUM_TILES = 16

CHUNK = 128
EROWS = E // CHUNK
NPAD = 10240
ROWS_PER_TILE = NPAD // NUM_TILES


K3_ROWS = EROWS // NUM_TILES
K3_EXTRA = EROWS - K3_ROWS * NUM_TILES
K3_G = 6
K3_NG = K3_ROWS // K3_G

EROWS_SC = EROWS // NUM_SC
K1_ROWS = EROWS_SC // NUM_TILES
K1_EXTRA = EROWS_SC - K1_ROWS * NUM_TILES

_mesh = plsc.VectorSubcoreMesh(core_axis_name="c", subcore_axis_name="s")


@functools.partial(
    pl.kernel,
    out_type=jax.ShapeDtypeStruct((NUM_SC, NPAD, HALF), jnp.float32),
    mesh=_mesh,
    scratch_types=[
        pltpu.VMEM((K1_ROWS + 1, 1, CHUNK), jnp.int32),
        pltpu.VMEM((CHUNK, HALF), jnp.float32),
        pltpu.VMEM_SHARED((NPAD, HALF), jnp.float32),
        pltpu.SemaphoreType.DMA,
    ],
)
def _sc_degree(dst2_hbm, zeros_hbm, out_hbm, dstI, ones_v, acc, sem):
    cc = lax.axis_index("c")
    ss = lax.axis_index("s")

    def fill(i, _):
        def fill_j(j, _):
            ones_v[i, pl.ds(j * 16, 16)] = jnp.full((16,), 1.0, jnp.float32)
            return 0
        lax.fori_loop(0, HALF // 16, fill_j, 0)
        return 0
    lax.fori_loop(0, CHUNK, fill, 0)

    row0 = ss * ROWS_PER_TILE
    pltpu.sync_copy(zeros_hbm.at[pl.ds(row0, ROWS_PER_TILE)],
                    acc.at[pl.ds(row0, ROWS_PER_TILE)])

    erow0 = cc * EROWS_SC + ss * K1_ROWS
    nck = jnp.where(ss < K1_EXTRA, K1_ROWS + 1, K1_ROWS)
    pltpu.sync_copy(dst2_hbm.at[pl.ds(erow0, K1_ROWS)],
                    dstI.at[pl.ds(0, K1_ROWS)])

    @pl.when(ss < K1_EXTRA)
    def _():
        pltpu.sync_copy(
            dst2_hbm.at[pl.ds(cc * EROWS_SC + NUM_TILES * K1_ROWS + ss, 1)],
            dstI.at[pl.ds(K1_ROWS, 1)])

    plsc.subcore_barrier()

    def body(i, _):
        pltpu.async_copy(ones_v, acc.at[dstI.at[i, 0]], sem, add=True)
        return 0
    lax.fori_loop(0, nck, body, 0)

    def drain(i, _):
        pltpu.make_async_copy(ones_v, acc.at[dstI.at[i, 0]], sem).wait()
        return 0
    lax.fori_loop(0, nck, drain, 0)

    plsc.subcore_barrier()
    pltpu.sync_copy(acc.at[pl.ds(row0, ROWS_PER_TILE)],
                    out_hbm.at[cc, pl.ds(row0, ROWS_PER_TILE)])


@functools.partial(
    pl.kernel,
    out_type=jax.ShapeDtypeStruct((NUM_SC, NPAD, HALF), jnp.float32),
    mesh=_mesh,
    scratch_types=[
        pltpu.VMEM((2, K3_G, 1, CHUNK), jnp.int32),
        pltpu.VMEM((2, K3_G, 1, CHUNK), jnp.int32),
        pltpu.VMEM((CHUNK, HALF), jnp.float32),
        pltpu.VMEM((CHUNK, HALF), jnp.float32),
        pltpu.VMEM_SHARED((NPAD, HALF), jnp.float32),
        pltpu.SemaphoreType.DMA,
        pltpu.SemaphoreType.DMA,
        pltpu.SemaphoreType.DMA,
    ],
)
def _sc_scatter(src2_hbm, dst2_hbm, tlo_hbm, thi_hbm, zeros_hbm, out_hbm,
                srcI, dstI, rows0, rows1, acc, sem0, sem1, semI):
    cc = lax.axis_index("c")
    ss = lax.axis_index("s")

    row0 = ss * ROWS_PER_TILE
    pltpu.sync_copy(zeros_hbm.at[pl.ds(row0, ROWS_PER_TILE)],
                    acc.at[pl.ds(row0, ROWS_PER_TILE)])

    erow0 = ss * K3_ROWS

    def load_group(g, sl, sync):
        if sync:
            pltpu.sync_copy(src2_hbm.at[pl.ds(erow0 + g * K3_G, K3_G)],
                            srcI.at[sl])
            pltpu.sync_copy(dst2_hbm.at[pl.ds(erow0 + g * K3_G, K3_G)],
                            dstI.at[sl])
        else:
            pltpu.async_copy(src2_hbm.at[pl.ds(erow0 + g * K3_G, K3_G)],
                             srcI.at[sl], semI)
            pltpu.async_copy(dst2_hbm.at[pl.ds(erow0 + g * K3_G, K3_G)],
                             dstI.at[sl], semI)

    def wait_group(g, sl):
        pltpu.make_async_copy(src2_hbm.at[pl.ds(erow0 + g * K3_G, K3_G)],
                              srcI.at[sl], semI).wait()
        pltpu.make_async_copy(dst2_hbm.at[pl.ds(erow0 + g * K3_G, K3_G)],
                              dstI.at[sl], semI).wait()

    plsc.subcore_barrier()

    def run(table):
        load_group(0, 0, True)
        load_group(1, 1, False)
        pltpu.async_copy(table.at[srcI.at[0, 0, 0]], rows0, sem0)

        def group(g, _):
            sl = lax.rem(g, 2)

            def pair(j, _):
                a = 2 * j
                pltpu.async_copy(table.at[srcI.at[sl, a + 1, 0]], rows1, sem1)
                pltpu.make_async_copy(table.at[srcI.at[sl, a, 0]],
                                      rows0, sem0).wait()
                pltpu.sync_copy(rows0, acc.at[dstI.at[sl, a, 0]], add=True)

                @pl.when(a + 2 < K3_G)
                def _():
                    pltpu.async_copy(table.at[srcI.at[sl, a + 2, 0]],
                                     rows0, sem0)

                @pl.when((a + 2 >= K3_G) & (g + 1 < K3_NG))
                def _():
                    wait_group(g + 1, 1 - sl)
                    pltpu.async_copy(table.at[srcI.at[1 - sl, 0, 0]],
                                     rows0, sem0)
                pltpu.make_async_copy(table.at[srcI.at[sl, a + 1, 0]],
                                      rows1, sem1).wait()
                pltpu.sync_copy(rows1, acc.at[dstI.at[sl, a + 1, 0]],
                                add=True)
                return 0
            lax.fori_loop(0, K3_G // 2, pair, 0)

            @pl.when(g + 2 < K3_NG)
            def _():
                load_group(g + 2, sl, False)
            return 0
        lax.fori_loop(0, K3_NG, group, 0)

        @pl.when(ss < K3_EXTRA)
        def _():
            er = NUM_TILES * K3_ROWS + ss
            pltpu.sync_copy(src2_hbm.at[pl.ds(er, 1)], srcI.at[0, pl.ds(0, 1)])
            pltpu.sync_copy(dst2_hbm.at[pl.ds(er, 1)], dstI.at[0, pl.ds(0, 1)])
            pltpu.async_copy(table.at[srcI.at[0, 0, 0]], rows0, sem0).wait()
            pltpu.sync_copy(rows0, acc.at[dstI.at[0, 0, 0]], add=True)

    @pl.when(cc == 0)
    def _():
        run(tlo_hbm)

    @pl.when(cc == 1)
    def _():
        run(thi_hbm)

    plsc.subcore_barrier()
    pltpu.sync_copy(acc.at[pl.ds(row0, ROWS_PER_TILE)],
                    out_hbm.at[cc, pl.ds(row0, ROWS_PER_TILE)])


_RB = 1000


def _k2_body(x_ref, w_ref, degp_ref, out_ref):
    xw = jnp.dot(x_ref[...], w_ref[...], preferred_element_type=jnp.float32)
    deg = degp_ref[0, :, 0:1] + degp_ref[1, :, 0:1] + 1.0
    dis = lax.rsqrt(deg)
    out_ref[0] = dis * xw[:, :HALF]
    out_ref[1] = dis * xw[:, HALF:]


def _tc_matmul_prescale(x, w, degp):
    return pl.pallas_call(
        _k2_body,
        grid=(N // _RB,),
        in_specs=[
            pl.BlockSpec((_RB, IN_DIM), lambda i: (i, 0)),
            pl.BlockSpec((IN_DIM, HID1), lambda i: (0, 0)),
            pl.BlockSpec((NUM_SC, _RB, HALF), lambda i: (0, i, 0)),
        ],
        out_specs=pl.BlockSpec((NUM_SC, _RB, HALF), lambda i: (0, i, 0)),
        out_shape=jax.ShapeDtypeStruct((NUM_SC, N, HALF), jnp.float32),
    )(x, w, degp)


def _k4_body(part_ref, xwp_ref, degp_ref, gb_ref, batch_s_ref, batch_v_ref,
             wlin_ref, blin_ref, out_ref, stats, pmax, pmin):
    i = pl.program_id(0)
    nb = pl.num_programs(0)

    deg = degp_ref[0, :, 0:1] + degp_ref[1, :, 0:1] + 1.0
    dis = lax.rsqrt(deg)
    h_lo = dis * (part_ref[0] + xwp_ref[0])
    h_hi = dis * (part_ref[1] + xwp_ref[1])
    h = jnp.concatenate([h_lo, h_hi], axis=1)

    @pl.when(i == 0)
    def _():
        stats[...] = jnp.zeros_like(stats)
        pmax[...] = jnp.full_like(pmax, -1e30)
        pmin[...] = jnp.full_like(pmin, 1e30)

    stats[0:1, :] += jnp.sum(h, axis=0, keepdims=True)
    stats[1:2, :] += jnp.sum(h * h, axis=0, keepdims=True)

    g_lo = batch_s_ref[0, 0]
    g_hi = batch_s_ref[_RB - 1, 0]
    bcol = batch_v_ref[...]

    def seg(g, _):
        m = bcol == g
        bm = jnp.max(jnp.where(m, h, -1e30), axis=0, keepdims=True)
        bn = jnp.min(jnp.where(m, h, 1e30), axis=0, keepdims=True)
        pmax[pl.ds(g, 1), :] = jnp.maximum(pmax[pl.ds(g, 1), :], bm)
        pmin[pl.ds(g, 1), :] = jnp.minimum(pmin[pl.ds(g, 1), :], bn)
        return 0
    lax.fori_loop(g_lo, g_hi + 1, seg, 0)

    @pl.when(i == nb - 1)
    def _():
        mean = stats[0:1, :] / float(N)
        var = stats[1:2, :] / float(N) - mean * mean
        scale = gb_ref[0:1, :] * lax.rsqrt(var + 1e-5)
        shift = gb_ref[1:2, :] - mean * scale
        pooled = jnp.where(scale >= 0.0, pmax[...] * scale, pmin[...] * scale)
        pooled = jnp.maximum(pooled + shift, 0.0)
        out_ref[...] = (
            jnp.dot(pooled, wlin_ref[...],
                    preferred_element_type=jnp.float32) + blin_ref[...])


def _tc_final(part, xwp, degp, gb, batch, wlin, blin):
    batch2 = batch.reshape(N, 1)
    return pl.pallas_call(
        _k4_body,
        grid=(N // _RB,),
        in_specs=[
            pl.BlockSpec((NUM_SC, _RB, HALF), lambda i: (0, i, 0)),
            pl.BlockSpec((NUM_SC, _RB, HALF), lambda i: (0, i, 0)),
            pl.BlockSpec((NUM_SC, _RB, HALF), lambda i: (0, i, 0)),
            pl.BlockSpec((2, HID1), lambda i: (0, 0)),
            pl.BlockSpec((_RB, 1), lambda i: (i, 0),
                         memory_space=pltpu.SMEM),
            pl.BlockSpec((_RB, 1), lambda i: (i, 0)),
            pl.BlockSpec((HID1, OUT_DIM), lambda i: (0, 0)),
            pl.BlockSpec((1, OUT_DIM), lambda i: (0, 0)),
        ],
        out_specs=pl.BlockSpec((NUM_GRAPHS, OUT_DIM), lambda i: (0, 0)),
        out_shape=jax.ShapeDtypeStruct((NUM_GRAPHS, OUT_DIM), jnp.float32),
        scratch_shapes=[
            pltpu.VMEM((8, HID1), jnp.float32),
            pltpu.VMEM((NUM_GRAPHS, HID1), jnp.float32),
            pltpu.VMEM((NUM_GRAPHS, HID1), jnp.float32),
        ],
    )(part, xwp, degp, gb, batch2, batch2, wlin, blin)


def kernel(x, edge_index, batch, W_gcn, b_gcn, gamma, beta, W_lin, b_lin):
    src2 = edge_index[0].reshape(EROWS, 1, CHUNK)
    dst2 = edge_index[1].reshape(EROWS, 1, CHUNK)
    zeros128 = jnp.zeros((NPAD, HALF), jnp.float32)

    degp = _sc_degree(dst2, zeros128)
    xwp = _tc_matmul_prescale(x, W_gcn, degp)
    part = _sc_scatter(src2, dst2, xwp[0], xwp[1], zeros128)
    gb = jnp.stack([gamma, beta])
    out = _tc_final(part, xwp, degp, gb, batch, W_lin,
                    b_lin.reshape(1, OUT_DIM))
    return out

# --- scband reference (transcript-rebuilt; emitter-appended) ---
"""Pipeline reference for scband-simple-gcn-68547678045057 (READ-ONLY COPY).

The authoritative reference and input builder live on the scoring server;
editing this copy changes nothing except your own understanding.
"""

import jax, jax.numpy as jnp
import numpy as np

N = 10000
E = 160000
IN_DIM = 256
HID1 = 256
OUT_DIM = 128
NUM_GRAPHS = 64


def setup_inputs(seed: int = 0) -> dict:
    key = jax.random.key(seed)
    ks = jax.random.split(key, 8)
    x = jax.random.normal(ks[0], (N, IN_DIM), dtype=jnp.float32)
    edge_index = jax.random.randint(ks[1], (2, E), 0, N, dtype=jnp.int32)
    batch = jnp.sort(jax.random.randint(ks[2], (N,), 0, NUM_GRAPHS, dtype=jnp.int32))
    # GCNConv params (glorot-ish init)
    W_gcn = jax.random.normal(ks[3], (IN_DIM, HID1), dtype=jnp.float32) * (1.0 / np.sqrt(IN_DIM))
    b_gcn = jnp.zeros((HID1,), dtype=jnp.float32)
    # BatchNorm params
    gamma = jnp.ones((HID1,), dtype=jnp.float32)
    beta = jnp.zeros((HID1,), dtype=jnp.float32)
    # Linear params (kaiming uniform fan_in=HID1)
    bound = np.sqrt(6.0 / HID1)
    W_lin = jax.random.uniform(ks[4], (HID1, OUT_DIM), dtype=jnp.float32, minval=-bound, maxval=bound)
    b_lin = jnp.zeros((OUT_DIM,), dtype=jnp.float32)
    return {"x": x, "edge_index": edge_index, "batch": batch, "W_gcn": W_gcn,
            "b_gcn": b_gcn, "gamma": gamma, "beta": beta, "W_lin": W_lin, "b_lin": b_lin}


def reference(x, edge_index, batch, W_gcn, b_gcn, gamma, beta, W_lin, b_lin):
    # --- GCNConv: D^{-1/2} (A + I) D^{-1/2} X W + b ---
    src = edge_index[0]
    dst = edge_index[1]
    loops = jnp.arange(N, dtype=edge_index.dtype)
    src = jnp.concatenate([src, loops])
    dst = jnp.concatenate([dst, loops])
    xw = x @ W_gcn
    deg = jnp.zeros((N,), dtype=x.dtype).at[dst].add(1.0)
    deg_inv_sqrt = jax.lax.rsqrt(jnp.where(deg > 0, deg, 1.0))
    norm = deg_inv_sqrt[src] * deg_inv_sqrt[dst]
    msgs = norm[:, None] * jnp.take(xw, src, axis=0)
    h = jax.ops.segment_sum(msgs, dst, num_segments=N) + b_gcn
    # --- BatchNorm (training-mode batch statistics) ---
    mean = jnp.mean(h, axis=0)
    var = jnp.var(h, axis=0)
    h = (h - mean) * jax.lax.rsqrt(var + 1e-5) * gamma + beta
    # --- ReLU ---
    h = jax.nn.relu(h)
    # --- Dropout: identity in eval mode ---
    # --- global_max_pool over graph assignment ---
    pooled = jax.ops.segment_max(h, batch, num_segments=NUM_GRAPHS)
    # --- final Linear ---
    out = pooled @ W_lin + b_lin
    return out

if __name__ == "__main__":
    import jax
    _d = setup_inputs()
    print(jax.jit(kernel)(*tuple(_d.values())))

</pallas_src>

<mosaic_0001>
#map = affine_map<(d0, d1) -> (0, 0, 0)>
#map1 = affine_map<(d0, d1) -> (0, 0)>
module attributes {stable_mosaic.version = 14 : i64} {
  func.func @_sc_scatter(%arg0: i32, %arg1: i32, %arg2: memref<1250x1x128xi32, #tpu.memory_space<hbm>>, %arg3: memref<1250x1x128xi32, #tpu.memory_space<hbm>>, %arg4: memref<10000x128xf32, #tpu.memory_space<hbm>>, %arg5: memref<10000x128xf32, #tpu.memory_space<hbm>>, %arg6: memref<10240x128xf32, #tpu.memory_space<hbm>>, %arg7: memref<2x10240x128xf32, #tpu.memory_space<hbm>>, %arg8: memref<2x6x1x128xi32, #tpu.memory_space<vmem>>, %arg9: memref<2x6x1x128xi32, #tpu.memory_space<vmem>>, %arg10: memref<128x128xf32, #tpu.memory_space<vmem>>, %arg11: memref<128x128xf32, #tpu.memory_space<vmem>>, %arg12: memref<10240x128xf32, #tpu.memory_space<vmem_shared>>, %arg13: memref<!tpu.dma_semaphore, #tpu.memory_space<semaphore_mem>>, %arg14: memref<!tpu.dma_semaphore, #tpu.memory_space<semaphore_mem>>, %arg15: memref<!tpu.dma_semaphore, #tpu.memory_space<semaphore_mem>>) attributes {dimension_semantics = [#tpu.dimension_semantics<core_parallel>, #tpu.dimension_semantics<subcore_parallel>], iteration_bounds = array<i64: 2, 16>, scalar_prefetch = 0 : i64, scratch_operands = 8 : i64, tpu.core_type = #tpu.core_type<sc_vector_subcore>, window_params = [{transform_indices = #map}, {transform_indices = #map}, {transform_indices = #map1}, {transform_indices = #map1}, {transform_indices = #map1}, {transform_indices = #map}]} {
    %mul3A = arith.constant 640 : i32
    %mul3A_0 = arith.muli %arg1, %mul3A : i32
    "tpu.region"() ({
      %run_scoped3A = tpu.sem_alloc : memref<!tpu.dma_semaphore, #tpu.memory_space<semaphore_mem>>
      %dma_start3A = arith.constant 0 : i32
      %dma_start3A_11 = tpu.memref_slice %arg12[%mul3A_0, %dma_start3A] : memref<10240x128xf32, #tpu.memory_space<vmem_shared>> -> memref<640x128xf32, #tpu.memory_space<vmem_shared>>
      %dma_start3A_12 = arith.constant 0 : i32
      %dma_start3A_13 = tpu.memref_slice %arg6[%mul3A_0, %dma_start3A_12] : memref<10240x128xf32, #tpu.memory_space<hbm>> -> memref<640x128xf32, #tpu.memory_space<hbm>>
      tpu.enqueue_dma source(%dma_start3A_13 : memref<640x128xf32, #tpu.memory_space<hbm>>) target(%dma_start3A_11 : memref<640x128xf32, #tpu.memory_space<vmem_shared>>) target_semaphore(%run_scoped3A : memref<!tpu.dma_semaphore, #tpu.memory_space<semaphore_mem>>)
      %dma_wait3A = arith.constant 0 : i32
      %dma_wait3A_14 = tpu.memref_slice %arg12[%mul3A_0, %dma_wait3A] : memref<10240x128xf32, #tpu.memory_space<vmem_shared>> -> memref<640x128xf32, #tpu.memory_space<vmem_shared>>
      %dma_wait3A_15 = arith.constant 0 : i32
      %dma_wait3A_16 = tpu.memref_slice %arg6[%mul3A_0, %dma_wait3A_15] : memref<10240x128xf32, #tpu.memory_space<hbm>> -> memref<640x128xf32, #tpu.memory_space<hbm>>
      tpu.wait_dma2 semaphore(%run_scoped3A : memref<!tpu.dma_semaphore, #tpu.memory_space<semaphore_mem>>) src(%dma_wait3A_16 : memref<640x128xf32, #tpu.memory_space<hbm>>) dst(%dma_wait3A_14 : memref<640x128xf32, #tpu.memory_space<vmem_shared>>)
      tpu.yield
    }) : () -> ()
    %mul3A_1 = arith.constant 78 : i32
    %mul3A_2 = arith.muli %arg1, %mul3A_1 : i32
    %barrier3A = arith.constant 0 : index
    tpu.barrier barrier_id(%barrier3A)
    %eq3A = arith.constant 0 : i32
    %eq3A_3 = arith.cmpi eq, %arg0, %eq3A : i32
    %convert_element_type3A = arith.extui %eq3A_3 : i1 to i32
    %cond3A = arith.constant 0 : i32
    %cond3A_4 = arith.cmpi ne, %convert_element_type3A, %cond3A : i32
    scf.if %cond3A_4 {
      %add3A = arith.constant 0 : i32
      %add3A_11 = arith.addi %mul3A_2, %add3A : i32
      %run_scoped3A = arith.constant 0 : i32
      "tpu.region"() ({
        %run_scoped3A_71 = tpu.sem_alloc : memref<!tpu.dma_semaphore, #tpu.memory_space<semaphore_mem>>
        %dma_start3A_72 = arith.constant 0 : i32
        %dma_start3A_73 = arith.constant 0 : i32
        %dma_start3A_74 = arith.constant 0 : i32
        %dma_start3A_75 = tpu.memref_slice %arg8[%run_scoped3A, %dma_start3A_72, %dma_start3A_73, %dma_start3A_74] : memref<2x6x1x128xi32, #tpu.memory_space<vmem>> -> memref<1x6x1x128xi32, #tpu.memory_space<vmem>>
        %dma_start3A_76 = tpu.memref_squeeze %dma_start3A_75 : memref<1x6x1x128xi32, #tpu.memory_space<vmem>> -> memref<6x1x128xi32, #tpu.memory_space<vmem>>
        %dma_start3A_77 = arith.constant 0 : i32
        %dma_start3A_78 = arith.constant 0 : i32
        %dma_start3A_79 = tpu.memref_slice %arg2[%add3A_11, %dma_start3A_77, %dma_start3A_78] : memref<1250x1x128xi32, #tpu.memory_space<hbm>> -> memref<6x1x128xi32, #tpu.memory_space<hbm>>
        %dma_start3A_80 = arith.constant 0 : i32
        %dma_start3A_81 = arith.constant 0 : i32
        %dma_start3A_82 = arith.constant 0 : i32
        %dma_start3A_83 = tpu.memref_slice %arg8[%run_scoped3A, %dma_start3A_80, %dma_start3A_81, %dma_start3A_82] : memref<2x6x1x128xi32, #tpu.memory_space<vmem>> -> memref<1x6x1x128xi32, #tpu.memory_space<vmem>>
        %dma_start3A_84 = tpu.memref_squeeze %dma_start3A_83 : memref<1x6x1x128xi32, #tpu.memory_space<vmem>> -> memref<6x1x128xi32, #tpu.memory_space<vmem>>
        %dma_start3A_85 = arith.constant 0 : i32
        %dma_start3A_86 = arith.constant 0 : i32
        %dma_start3A_87 = tpu.memref_slice %arg2[%add3A_11, %dma_start3A_85, %dma_start3A_86] : memref<1250x1x128xi32, #tpu.memory_space<hbm>> -> memref<6x1x128xi32, #tpu.memory_space<hbm>>
        tpu.enqueue_dma source(%dma_start3A_87 : memref<6x1x128xi32, #tpu.memory_space<hbm>>) target(%dma_start3A_84 : memref<6x1x128xi32, #tpu.memory_space<vmem>>) target_semaphore(%run_scoped3A_71 : memref<!tpu.dma_semaphore, #tpu.memory_space<semaphore_mem>>)
        %dma_wait3A = arith.constant 0 : i32
        %dma_wait3A_88 = arith.constant 0 : i32
        %dma_wait3A_89 = arith.constant 0 : i32
        %dma_wait3A_90 = tpu.memref_slice %arg8[%run_scoped3A, %dma_wait3A, %dma_wait3A_88, %dma_wait3A_89] : memref<2x6x1x128xi32, #tpu.memory_space<vmem>> -> memref<1x6x1x128xi32, #tpu.memory_space<vmem>>
        %dma_wait3A_91 = tpu.memref_squeeze %dma_wait3A_90 : memref<1x6x1x128xi32, #tpu.memory_space<vmem>> -> memref<6x1x128xi32, #tpu.memory_space<vmem>>
        %dma_wait3A_92 = arith.constant 0 : i32
        %dma_wait3A_93 = arith.constant 0 : i32
        %dma_wait3A_94 = tpu.memref_slice %arg2[%add3A_11, %dma_wait3A_92, %dma_wait3A_93] : memref<1250x1x128xi32, #tpu.memory_space<hbm>> -> memref<6x1x128xi32, #tpu.memory_space<hbm>>
        %dma_wait3A_95 = arith.constant 0 : i32
        %dma_wait3A_96 = arith.constant 0 : i32
        %dma_wait3A_97 = arith.constant 0 : i32
        %dma_wait3A_98 = tpu.memref_slice %arg8[%run_scoped3A, %dma_wait3A_95, %dma_wait3A_96, %dma_wait3A_97] : memref<2x6x1x128xi32, #tpu.memory_space<vmem>> -> memref<1x6x1x128xi32, #tpu.memory_space<vmem>>
        %dma_wait3A_99 = tpu.memref_squeeze %dma_wait3A_98 : memref<1x6x1x128xi32, #tpu.memory_space<vmem>> -> memref<6x1x128xi32, #tpu.memory_space<vmem>>
        %dma_wait3A_100 = arith.constant 0 : i32
        %dma_wait3A_101 = arith.constant 0 : i32
        %dma_wait3A_102 = tpu.memref_slice %arg2[%add3A_11, %dma_wait3A_100, %dma_wait3A_101] : memref<1250x1x128xi32, #tpu.memory_space<hbm>> -> memref<6x1x128xi32, #tpu.memory_space<hbm>>
        tpu.wait_dma2 semaphore(%run_scoped3A_71 : memref<!tpu.dma_semaphore, #tpu.memory_space<semaphore_mem>>) src(%dma_wait3A_102 : memref<6x1x128xi32, #tpu.memory_space<hbm>>) dst(%dma_wait3A_99 : memref<6x1x128xi32, #tpu.memory_space<vmem>>)
        tpu.yield
      }) : () -> ()
      %add3A_12 = arith.constant 0 : i32
      %add3A_13 = arith.addi %mul3A_2, %add3A_12 : i32
      %run_scoped3A_14 = arith.constant 0 : i32
      "tpu.region"() ({
        %run_scoped3A_71 = tpu.sem_alloc : memref<!tpu.dma_semaphore, #tpu.memory_space<semaphore_mem>>
        %dma_start3A_72 = arith.constant 0 : i32
        %dma_start3A_73 = arith.constant 0 : i32
        %dma_start3A_74 = arith.constant 0 : i32
        %dma_start3A_75 = tpu.memref_slice %arg9[%run_scoped3A_14, %dma_start3A_72, %dma_start3A_73, %dma_start3A_74] : memref<2x6x1x128xi32, #tpu.memory_space<vmem>> -> memref<1x6x1x128xi32, #tpu.memory_space<vmem>>
        %dma_start3A_76 = tpu.memref_squeeze %dma_start3A_75 : memref<1x6x1x128xi32, #tpu.memory_space<vmem>> -> memref<6x1x128xi32, #tpu.memory_space<vmem>>
        %dma_start3A_77 = arith.constant 0 : i32
        %dma_start3A_78 = arith.constant 0 : i32
        %dma_start3A_79 = tpu.memref_slice %arg3[%add3A_13, %dma_start3A_77, %dma_start3A_78] : memref<1250x1x128xi32, #tpu.memory_space<hbm>> -> memref<6x1x128xi32, #tpu.memory_space<hbm>>
        %dma_start3A_80 = arith.constant 0 : i32
        %dma_start3A_81 = arith.constant 0 : i32
        %dma_start3A_82 = arith.constant 0 : i32
        %dma_start3A_83 = tpu.memref_slice %arg9[%run_scoped3A_14, %dma_start3A_80, %dma_start3A_81, %dma_start3A_82] : memref<2x6x1x128xi32, #tpu.memory_space<vmem>> -> memref<1x6x1x128xi32, #tpu.memory_space<vmem>>
        %dma_start3A_84 = tpu.memref_squeeze %dma_start3A_83 : memref<1x6x1x128xi32, #tpu.memory_space<vmem>> -> memref<6x1x128xi32, #tpu.memory_space<vmem>>
        %dma_start3A_85 = arith.constant 0 : i32
        %dma_start3A_86 = arith.constant 0 : i32
        %dma_start3A_87 = tpu.memref_slice %arg3[%add3A_13, %dma_start3A_85, %dma_start3A_86] : memref<1250x1x128xi32, #tpu.memory_space<hbm>> -> memref<6x1x128xi32, #tpu.memory_space<hbm>>
        tpu.enqueue_dma source(%dma_start3A_87 : memref<6x1x128xi32, #tpu.memory_space<hbm>>) target(%dma_start3A_84 : memref<6x1x128xi32, #tpu.memory_space<vmem>>) target_semaphore(%run_scoped3A_71 : memref<!tpu.dma_semaphore, #tpu.memory_space<semaphore_mem>>)
        %dma_wait3A = arith.constant 0 : i32
        %dma_wait3A_88 = arith.constant 0 : i32
        %dma_wait3A_89 = arith.constant 0 : i32
        %dma_wait3A_90 = tpu.memref_slice %arg9[%run_scoped3A_14, %dma_wait3A, %dma_wait3A_88, %dma_wait3A_89] : memref<2x6x1x128xi32, #tpu.memory_space<vmem>> -> memref<1x6x1x128xi32, #tpu.memory_space<vmem>>
        %dma_wait3A_91 = tpu.memref_squeeze %dma_wait3A_90 : memref<1x6x1x128xi32, #tpu.memory_space<vmem>> -> memref<6x1x128xi32, #tpu.memory_space<vmem>>
        %dma_wait3A_92 = arith.constant 0 : i32
        %dma_wait3A_93 = arith.constant 0 : i32
        %dma_wait3A_94 = tpu.memref_slice %arg3[%add3A_13, %dma_wait3A_92, %dma_wait3A_93] : memref<1250x1x128xi32, #tpu.memory_space<hbm>> -> memref<6x1x128xi32, #tpu.memory_space<hbm>>
        %dma_wait3A_95 = arith.constant 0 : i32
        %dma_wait3A_96 = arith.constant 0 : i32
        %dma_wait3A_97 = arith.constant 0 : i32
        %dma_wait3A_98 = tpu.memref_slice %arg9[%run_scoped3A_14, %dma_wait3A_95, %dma_wait3A_96, %dma_wait3A_97] : memref<2x6x1x128xi32, #tpu.memory_space<vmem>> -> memref<1x6x1x128xi32, #tpu.memory_space<vmem>>
        %dma_wait3A_99 = tpu.memref_squeeze %dma_wait3A_98 : memref<1x6x1x128xi32, #tpu.memory_space<vmem>> -> memref<6x1x128xi32, #tpu.memory_space<vmem>>
        %dma_wait3A_100 = arith.constant 0 : i32
        %dma_wait3A_101 = arith.constant 0 : i32
        %dma_wait3A_102 = tpu.memref_slice %arg3[%add3A_13, %dma_wait3A_100, %dma_wait3A_101] : memref<1250x1x128xi32, #tpu.memory_space<hbm>> -> memref<6x1x128xi32, #tpu.memory_space<hbm>>
        tpu.wait_dma2 semaphore(%run_scoped3A_71 : memref<!tpu.dma_semaphore, #tpu.memory_space<semaphore_mem>>) src(%dma_wait3A_102 : memref<6x1x128xi32, #tpu.memory_space<hbm>>) dst(%dma_wait3A_99 : memref<6x1x128xi32, #tpu.memory_space<vmem>>)
        tpu.yield
      }) : () -> ()
      %add3A_15 = arith.constant 6 : i32
      %add3A_16 = arith.addi %mul3A_2, %add3A_15 : i32
      %dma_start3A = arith.constant 1 : i32
      %dma_start3A_17 = arith.constant 0 : i32
      %dma_start3A_18 = arith.constant 0 : i32
      %dma_start3A_19 = arith.constant 0 : i32
      %dma_start3A_20 = tpu.memref_slice %arg8[%dma_start3A, %dma_start3A_17, %dma_start3A_18, %dma_start3A_19] : memref<2x6x1x128xi32, #tpu.memory_space<vmem>> -> memref<1x6x1x128xi32, #tpu.memory_space<vmem>>
      %dma_start3A_21 = tpu.memref_squeeze %dma_start3A_20 : memref<1x6x1x128xi32, #tpu.memory_space<vmem>> -> memref<6x1x128xi32, #tpu.memory_space<vmem>>
      %dma_start3A_22 = arith.constant 0 : i32
      %dma_start3A_23 = arith.constant 0 : i32
      %dma_start3A_24 = tpu.memref_slice %arg2[%add3A_16, %dma_start3A_22, %dma_start3A_23] : memref<1250x1x128xi32, #tpu.memory_space<hbm>> -> memref<6x1x128xi32, #tpu.memory_space<hbm>>
      %dma_start3A_25 = arith.constant 0 : i32
      %dma_start3A_26 = arith.constant 0 : i32
      %dma_start3A_27 = arith.constant 0 : i32
      %dma_start3A_28 = tpu.memref_slice %arg8[%dma_start3A, %dma_start3A_25, %dma_start3A_26, %dma_start3A_27] : memref<2x6x1x128xi32, #tpu.memory_space<vmem>> -> memref<1x6x1x128xi32, #tpu.memory_space<vmem>>
      %dma_start3A_29 = tpu.memref_squeeze %dma_start3A_28 : memref<1x6x1x128xi32, #tpu.memory_space<vmem>> -> memref<6x1x128xi32, #tpu.memory_space<vmem>>
      %dma_start3A_30 = arith.constant 0 : i32
      %dma_start3A_31 = arith.constant 0 : i32
      %dma_start3A_32 = tpu.memref_slice %arg2[%add3A_16, %dma_start3A_30, %dma_start3A_31] : memref<1250x1x128xi32, #tpu.memory_space<hbm>> -> memref<6x1x128xi32, #tpu.memory_space<hbm>>
      tpu.enqueue_dma source(%dma_start3A_32 : memref<6x1x128xi32, #tpu.memory_space<hbm>>) target(%dma_start3A_29 : memref<6x1x128xi32, #tpu.memory_space<vmem>>) target_semaphore(%arg15 : memref<!tpu.dma_semaphore, #tpu.memory_space<semaphore_mem>>)
      %add3A_33 = arith.constant 6 : i32
      %add3A_34 = arith.addi %mul3A_2, %add3A_33 : i32
      %dma_start3A_35 = arith.constant 1 : i32
      %dma_start3A_36 = arith.constant 0 : i32
      %dma_start3A_37 = arith.constant 0 : i32
      %dma_start3A_38 = arith.constant 0 : i32
      %dma_start3A_39 = tpu.memref_slice %arg9[%dma_start3A_35, %dma_start3A_36, %dma_start3A_37, %dma_start3A_38] : memref<2x6x1x128xi32, #tpu.memory_space<vmem>> -> memref<1x6x1x128xi32, #tpu.memory_space<vmem>>
      %dma_start3A_40 = tpu.memref_squeeze %dma_start3A_39 : memref<1x6x1x128xi32, #tpu.memory_space<vmem>> -> memref<6x1x128xi32, #tpu.memory_space<vmem>>
      %dma_start3A_41 = arith.constant 0 : i32
      %dma_start3A_42 = arith.constant 0 : i32
      %dma_start3A_43 = tpu.memref_slice %arg3[%add3A_34, %dma_start3A_41, %dma_start3A_42] : memref<1250x1x128xi32, #tpu.memory_space<hbm>> -> memref<6x1x128xi32, #tpu.memory_space<hbm>>
      %dma_start3A_44 = arith.constant 0 : i32
      %dma_start3A_45 = arith.constant 0 : i32
      %dma_start3A_46 = arith.constant 0 : i32
      %dma_start3A_47 = tpu.memref_slice %arg9[%dma_start3A_35, %dma_start3A_44, %dma_start3A_45, %dma_start3A_46] : memref<2x6x1x128xi32, #tpu.memory_space<vmem>> -> memref<1x6x1x128xi32, #tpu.memory_space<vmem>>
      %dma_start3A_48 = tpu.memref_squeeze %dma_start3A_47 : memref<1x6x1x128xi32, #tpu.memory_space<vmem>> -> memref<6x1x128xi32, #tpu.memory_space<vmem>>
      %dma_start3A_49 = arith.constant 0 : i32
      %dma_start3A_50 = arith.constant 0 : i32
      %dma_start3A_51 = tpu.memref_slice %arg3[%add3A_34, %dma_start3A_49, %dma_start3A_50] : memref<1250x1x128xi32, #tpu.memory_space<hbm>> -> memref<6x1x128xi32, #tpu.memory_space<hbm>>
      tpu.enqueue_dma source(%dma_start3A_51 : memref<6x1x128xi32, #tpu.memory_space<hbm>>) target(%dma_start3A_48 : memref<6x1x128xi32, #tpu.memory_space<vmem>>) target_semaphore(%arg15 : memref<!tpu.dma_semaphore, #tpu.memory_space<semaphore_mem>>)
      %dma_start3A_52 = arith.constant 0 : i32
      %dma_start3A_53 = arith.constant 0 : i32
      %dma_start3A_54 = arith.constant 0 : i32
      %dma_start3A_55 = arith.constant 0 : i32
      %dma_start3A_56 = tpu.memref_slice %arg8[%dma_start3A_52, %dma_start3A_53, %dma_start3A_54, %dma_start3A_55] : memref<2x6x1x128xi32, #tpu.memory_space<vmem>> -> memref<1x1x1x128xi32, #tpu.memory_space<vmem>>
      %dma_start3A_57 = tpu.memref_squeeze %dma_start3A_56 : memref<1x1x1x128xi32, #tpu.memory_space<vmem>> -> memref<128xi32, #tpu.memory_space<vmem>>
      %dma_start3A_58 = arith.constant 0 : i32
      %dma_start3A_59 = arith.constant 0 : i32
      %dma_start3A_60 = tpu.memref_slice %arg4[%dma_start3A_58, %dma_start3A_59] : memref<10000x128xf32, #tpu.memory_space<hbm>> -> memref<10000x128xf32, #tpu.memory_space<hbm>>
      tpu.enqueue_indirect_dma source(%dma_start3A_60 : memref<10000x128xf32, #tpu.memory_space<hbm>>) target(%arg10 : memref<128x128xf32, #tpu.memory_space<vmem>>) offsets(%dma_start3A_57 : memref<128xi32, #tpu.memory_space<vmem>>) semaphore(%arg13 : memref<!tpu.dma_semaphore, #tpu.memory_space<semaphore_mem>>)
      %scan3A = arith.constant 0 : i32
      %scan3A_61 = arith.constant 0 : i32
      %scan3A_62 = arith.constant 13 : i32
      %scan3A_63 = arith.addi %scan3A_61, %scan3A_62 : i32
      %scan3A_64 = arith.constant 1 : i32
      %scan3A_65 = scf.for %scan3A_71 = %scan3A_61 to %scan3A_63 step %scan3A_64 iter_args(%scan3A_72 = %scan3A) -> (i32)  : i32 {
        %rem3A = arith.constant 2 : i32
        %rem3A_73 = arith.remsi %scan3A_71, %rem3A : i32
        %scan3A_74 = arith.constant 0 : i32
        %scan3A_75 = arith.constant 0 : i32
        %scan3A_76 = arith.constant 3 : i32
        %scan3A_77 = arith.addi %scan3A_75, %scan3A_76 : i32
        %scan3A_78 = arith.constant 1 : i32
        %scan3A_79 = scf.for %scan3A_89 = %scan3A_75 to %scan3A_77 step %scan3A_78 iter_args(%scan3A_90 = %scan3A_74) -> (i32)  : i32 {
          %mul3A_91 = arith.constant 2 : i32
          %mul3A_92 = arith.muli %mul3A_91, %scan3A_89 : i32
          %add3A_93 = arith.constant 1 : i32
          %add3A_94 = arith.addi %mul3A_92, %add3A_93 : i32
          %dma_start3A_95 = arith.constant 0 : i32
          %dma_start3A_96 = arith.constant 0 : i32
          %dma_start3A_97 = tpu.memref_slice %arg8[%rem3A_73, %add3A_94, %dma_start3A_95, %dma_start3A_96] : memref<2x6x1x128xi32, #tpu.memory_space<vmem>> -> memref<1x1x1x128xi32, #tpu.memory_space<vmem>>
          %dma_start3A_98 = tpu.memref_squeeze %dma_start3A_97 : memref<1x1x1x128xi32, #tpu.memory_space<vmem>> -> memref<128xi32, #tpu.memory_space<vmem>>
          %dma_start3A_99 = arith.constant 0 : i32
          %dma_start3A_100 = arith.constant 0 : i32
          %dma_start3A_101 = tpu.memref_slice %arg4[%dma_start3A_99, %dma_start3A_100] : memref<10000x128xf32, #tpu.memory_space<hbm>> -> memref<10000x128xf32, #tpu.memory_space<hbm>>
          tpu.enqueue_indirect_dma source(%dma_start3A_101 : memref<10000x128xf32, #tpu.memory_space<hbm>>) target(%arg11 : memref<128x128xf32, #tpu.memory_space<vmem>>) offsets(%dma_start3A_98 : memref<128xi32, #tpu.memory_space<vmem>>) semaphore(%arg14 : memref<!tpu.dma_semaphore, #tpu.memory_space<semaphore_mem>>)
          %dma_wait3A = arith.constant 0 : i32
          %dma_wait3A_102 = arith.constant 0 : i32
          %dma_wait3A_103 = tpu.memref_slice %arg8[%rem3A_73, %mul3A_92, %dma_wait3A, %dma_wait3A_102] : memref<2x6x1x128xi32, #tpu.memory_space<vmem>> -> memref<1x1x1x128xi32, #tpu.memory_space<vmem>>
          %dma_wait3A_104 = tpu.memref_squeeze %dma_wait3A_103 : memref<1x1x1x128xi32, #tpu.memory_space<vmem>> -> memref<128xi32, #tpu.memory_space<vmem>>
          %dma_wait3A_105 = arith.constant 0 : i32
          %dma_wait3A_106 = arith.constant 0 : i32
          %dma_wait3A_107 = tpu.memref_slice %arg4[%dma_wait3A_105, %dma_wait3A_106] : memref<10000x128xf32, #tpu.memory_space<hbm>> -> memref<10000x128xf32, #tpu.memory_space<hbm>>
          tpu.wait_indirect_dma semaphore(%arg13 : memref<!tpu.dma_semaphore, #tpu.memory_space<semaphore_mem>>) src(%dma_wait3A_107 : memref<10000x128xf32, #tpu.memory_space<hbm>>) dst(%arg10 : memref<128x128xf32, #tpu.memory_space<vmem>>)
          %run_scoped3A_108 = arith.constant 0 : i32
          "tpu.region"() ({
            %run_scoped3A_139 = tpu.sem_alloc : memref<!tpu.dma_semaphore, #tpu.memory_space<semaphore_mem>>
            %dma_start3A_140 = arith.constant 0 : i32
            %dma_start3A_141 = tpu.memref_slice %arg9[%rem3A_73, %mul3A_92, %run_scoped3A_108, %dma_start3A_140] : memref<2x6x1x128xi32, #tpu.memory_space<vmem>> -> memref<1x1x1x128xi32, #tpu.memory_space<vmem>>
            %dma_start3A_142 = tpu.memref_squeeze %dma_start3A_141 : memref<1x1x1x128xi32, #tpu.memory_space<vmem>> -> memref<128xi32, #tpu.memory_space<vmem>>
            %dma_start3A_143 = arith.constant 0 : i32
            %dma_start3A_144 = arith.constant 0 : i32
            %dma_start3A_145 = tpu.memref_slice %arg12[%dma_start3A_143, %dma_start3A_144] : memref<10240x128xf32, #tpu.memory_space<vmem_shared>> -> memref<10240x128xf32, #tpu.memory_space<vmem_shared>>
            tpu.enqueue_indirect_dma source(%arg10 : memref<128x128xf32, #tpu.memory_space<vmem>>) target(%dma_start3A_145 : memref<10240x128xf32, #tpu.memory_space<vmem_shared>>) offsets(%dma_start3A_142 : memref<128xi32, #tpu.memory_space<vmem>>) semaphore(%run_scoped3A_139 : memref<!tpu.dma_semaphore, #tpu.memory_space<semaphore_mem>>) {add = true}
            %dma_wait3A_146 = arith.constant 0 : i32
            %dma_wait3A_147 = tpu.memref_slice %arg9[%rem3A_73, %mul3A_92, %run_scoped3A_108, %dma_wait3A_146] : memref<2x6x1x128xi32, #tpu.memory_space<vmem>> -> memref<1x1x1x128xi32, #tpu.memory_space<vmem>>
            %dma_wait3A_148 = tpu.memref_squeeze %dma_wait3A_147 : memref<1x1x1x128xi32, #tpu.memory_space<vmem>> -> memref<128xi32, #tpu.memory_space<vmem>>
            %dma_wait3A_149 = arith.constant 0 : i32
            %dma_wait3A_150 = arith.constant 0 : i32
            %dma_wait3A_151 = tpu.memref_slice %arg12[%dma_wait3A_149, %dma_wait3A_150] : memref<10240x128xf32, #tpu.memory_space<vmem_shared>> -> memref<10240x128xf32, #tpu.memory_space<vmem_shared>>
            tpu.wait_indirect_dma semaphore(%run_scoped3A_139 : memref<!tpu.dma_semaphore, #tpu.memory_space<semaphore_mem>>) src(%arg10 : memref<128x128xf32, #tpu.memory_space<vmem>>) dst(%dma_wait3A_151 : memref<10240x128xf32, #tpu.memory_space<vmem_shared>>)
            tpu.yield
          }) : () -> ()
          %add3A_109 = arith.constant 2 : i32
          %add3A_110 = arith.addi %mul3A_92, %add3A_109 : i32
          %lt3A_111 = arith.constant 6 : i32
          %lt3A_112 = arith.cmpi slt, %add3A_110, %lt3A_111 : i32
          %convert_element_type3A_113 = arith.extui %lt3A_112 : i1 to i32
          %cond3A_114 = arith.constant 0 : i32
          %cond3A_115 = arith.cmpi ne, %convert_element_type3A_113, %cond3A_114 : i32
          scf.if %cond3A_115 {
            %add3A_139 = arith.constant 2 : i32
            %add3A_140 = arith.addi %mul3A_92, %add3A_139 : i32
            %dma_start3A_141 = arith.constant 0 : i32
            %dma_start3A_142 = arith.constant 0 : i32
            %dma_start3A_143 = tpu.memref_slice %arg8[%rem3A_73, %add3A_140, %dma_start3A_141, %dma_start3A_142] : memref<2x6x1x128xi32, #tpu.memory_space<vmem>> -> memref<1x1x1x128xi32, #tpu.memory_space<vmem>>
            %dma_start3A_144 = tpu.memref_squeeze %dma_start3A_143 : memref<1x1x1x128xi32, #tpu.memory_space<vmem>> -> memref<128xi32, #tpu.memory_space<vmem>>
            %dma_start3A_145 = arith.constant 0 : i32
            %dma_start3A_146 = arith.constant 0 : i32
            %dma_start3A_147 = tpu.memref_slice %arg4[%dma_start3A_145, %dma_start3A_146] : memref<10000x128xf32, #tpu.memory_space<hbm>> -> memref<10000x128xf32, #tpu.memory_space<hbm>>
            tpu.enqueue_indirect_dma source(%dma_start3A_147 : memref<10000x128xf32, #tpu.memory_space<hbm>>) target(%arg10 : memref<128x128xf32, #tpu.memory_space<vmem>>) offsets(%dma_start3A_144 : memref<128xi32, #tpu.memory_space<vmem>>) semaphore(%arg13 : memref<!tpu.dma_semaphore, #tpu.memory_space<semaphore_mem>>)
          } else {
          }
          %add3A_116 = arith.constant 2 : i32
          %add3A_117 = arith.addi %mul3A_92, %add3A_116 : i32
          %ge3A = arith.constant 6 : i32
          %ge3A_118 = arith.cmpi sge, %add3A_117, %ge3A : i32
          %add3A_119 = arith.constant 1 : i32
          %add3A_120 = arith.addi %scan3A_71, %add3A_119 : i32
          %lt3A_121 = arith.constant 13 : i32
          %lt3A_122 = arith.cmpi slt, %add3A_120, %lt3A_121 : i32
          %and3A = arith.andi %ge3A_118, %lt3A_122 : i1
          %convert_element_type3A_123 = arith.extui %and3A : i1 to i32
          %cond3A_124 = arith.constant 0 : i32
          %cond3A_125 = arith.cmpi ne, %convert_element_type3A_123, %cond3A_124 : i32
          scf.if %cond3A_125 {
            %add3A_139 = arith.constant 1 : i32
            %add3A_140 = arith.addi %scan3A_71, %add3A_139 : i32
            %sub3A = arith.constant 1 : i32
            %sub3A_141 = arith.subi %sub3A, %rem3A_73 : i32
            %mul3A_142 = arith.constant 6 : i32
            %mul3A_143 = arith.muli %add3A_140, %mul3A_142 : i32
            %add3A_144 = arith.addi %mul3A_2, %mul3A_143 : i32
            %dma_wait3A_145 = arith.constant 0 : i32
            %dma_wait3A_146 = arith.constant 0 : i32
            %dma_wait3A_147 = arith.constant 0 : i32
            %dma_wait3A_148 = tpu.memref_slice %arg8[%sub3A_141, %dma_wait3A_145, %dma_wait3A_146, %dma_wait3A_147] : memref<2x6x1x128xi32, #tpu.memory_space<vmem>> -> memref<1x6x1x128xi32, #tpu.memory_space<vmem>>
            %dma_wait3A_149 = tpu.memref_squeeze %dma_wait3A_148 : memref<1x6x1x128xi32, #tpu.memory_space<vmem>> -> memref<6x1x128xi32, #tpu.memory_space<vmem>>
            %dma_wait3A_150 = arith.constant 0 : i32
            %dma_wait3A_151 = arith.constant 0 : i32
            %dma_wait3A_152 = tpu.memref_slice %arg2[%add3A_144, %dma_wait3A_150, %dma_wait3A_151] : memref<1250x1x128xi32, #tpu.memory_space<hbm>> -> memref<6x1x128xi32, #tpu.memory_space<hbm>>
            %dma_wait3A_153 = arith.constant 0 : i32
            %dma_wait3A_154 = arith.constant 0 : i32
            %dma_wait3A_155 = arith.constant 0 : i32
            %dma_wait3A_156 = tpu.memref_slice %arg8[%sub3A_141, %dma_wait3A_153, %dma_wait3A_154, %dma_wait3A_155] : memref<2x6x1x128xi32, #tpu.memory_space<vmem>> -> memref<1x6x1x128xi32, #tpu.memory_space<vmem>>
            %dma_wait3A_157 = tpu.memref_squeeze %dma_wait3A_156 : memref<1x6x1x128xi32, #tpu.memory_space<vmem>> -> memref<6x1x128xi32, #tpu.memory_space<vmem>>
            %dma_wait3A_158 = arith.constant 0 : i32
            %dma_wait3A_159 = arith.constant 0 : i32
            %dma_wait3A_160 = tpu.memref_slice %arg2[%add3A_144, %dma_wait3A_158, %dma_wait3A_159] : memref<1250x1x128xi32, #tpu.memory_space<hbm>> -> memref<6x1x128xi32, #tpu.memory_space<hbm>>
            tpu.wait_dma2 semaphore(%arg15 : memref<!tpu.dma_semaphore, #tpu.memory_space<semaphore_mem>>) src(%dma_wait3A_160 : memref<6x1x128xi32, #tpu.memory_space<hbm>>) dst(%dma_wait3A_157 : memref<6x1x128xi32, #tpu.memory_space<vmem>>)
            %mul3A_161 = arith.constant 6 : i32
            %mul3A_162 = arith.muli %add3A_140, %mul3A_161 : i32
            %add3A_163 = arith.addi %mul3A_2, %mul3A_162 : i32
            %dma_wait3A_164 = arith.constant 0 : i32
            %dma_wait3A_165 = arith.constant 0 : i32
            %dma_wait3A_166 = arith.constant 0 : i32
            %dma_wait3A_167 = tpu.memref_slice %arg9[%sub3A_141, %dma_wait3A_164, %dma_wait3A_165, %dma_wait3A_166] : memref<2x6x1x128xi32, #tpu.memory_space<vmem>> -> memref<1x6x1x128xi32, #tpu.memory_space<vmem>>
            %dma_wait3A_168 = tpu.memref_squeeze %dma_wait3A_167 : memref<1x6x1x128xi32, #tpu.memory_space<vmem>> -> memref<6x1x128xi32, #tpu.memory_space<vmem>>
            %dma_wait3A_169 = arith.constant 0 : i32
            %dma_wait3A_170 = arith.constant 0 : i32
            %dma_wait3A_171 = tpu.memref_slice %arg3[%add3A_163, %dma_wait3A_169, %dma_wait3A_170] : memref<1250x1x128xi32, #tpu.memory_space<hbm>> -> memref<6x1x128xi32, #tpu.memory_space<hbm>>
            %dma_wait3A_172 = arith.constant 0 : i32
            %dma_wait3A_173 = arith.constant 0 : i32
            %dma_wait3A_174 = arith.constant 0 : i32
            %dma_wait3A_175 = tpu.memref_slice %arg9[%sub3A_141, %dma_wait3A_172, %dma_wait3A_173, %dma_wait3A_174] : memref<2x6x1x128xi32, #tpu.memory_space<vmem>> -> memref<1x6x1x128xi32, #tpu.memory_space<vmem>>
            %dma_wait3A_176 = tpu.memref_squeeze %dma_wait3A_175 : memref<1x6x1x128xi32, #tpu.memory_space<vmem>> -> memref<6x1x128xi32, #tpu.memory_space<vmem>>
            %dma_wait3A_177 = arith.constant 0 : i32
            %dma_wait3A_178 = arith.constant 0 : i32
            %dma_wait3A_179 = tpu.memref_slice %arg3[%add3A_163, %dma_wait3A_177, %dma_wait3A_178] : memref<1250x1x128xi32, #tpu.memory_space<hbm>> -> memref<6x1x128xi32, #tpu.memory_space<hbm>>
            tpu.wait_dma2 semaphore(%arg15 : memref<!tpu.dma_semaphore, #tpu.memory_space<semaphore_mem>>) src(%dma_wait3A_179 : memref<6x1x128xi32, #tpu.memory_space<hbm>>) dst(%dma_wait3A_176 : memref<6x1x128xi32, #tpu.memory_space<vmem>>)
            %sub3A_180 = arith.constant 1 : i32
            %sub3A_181 = arith.subi %sub3A_180, %rem3A_73 : i32
            %dma_start3A_182 = arith.constant 0 : i32
            %dma_start3A_183 = arith.constant 0 : i32
            %dma_start3A_184 = arith.constant 0 : i32
            %dma_start3A_185 = tpu.memref_slice %arg8[%sub3A_181, %dma_start3A_182, %dma_start3A_183, %dma_start3A_184] : memref<2x6x1x128xi32, #tpu.memory_space<vmem>> -> memref<1x1x1x128xi32, #tpu.memory_space<vmem>>
            %dma_start3A_186 = tpu.memref_squeeze %dma_start3A_185 : memref<1x1x1x128xi32, #tpu.memory_space<vmem>> -> memref<128xi32, #tpu.memory_space<vmem>>
            %dma_start3A_187 = arith.constant 0 : i32
            %dma_start3A_188 = arith.constant 0 : i32
            %dma_start3A_189 = tpu.memref_slice %arg4[%dma_start3A_187, %dma_start3A_188] : memref<10000x128xf32, #tpu.memory_space<hbm>> -> memref<10000x128xf32, #tpu.memory_space<hbm>>
            tpu.enqueue_indirect_dma source(%dma_start3A_189 : memref<10000x128xf32, #tpu.memory_space<hbm>>) target(%arg10 : memref<128x128xf32, #tpu.memory_space<vmem>>) offsets(%dma_start3A_186 : memref<128xi32, #tpu.memory_space<vmem>>) semaphore(%arg13 : memref<!tpu.dma_semaphore, #tpu.memory_space<semaphore_mem>>)
          } else {
          }
          %add3A_126 = arith.constant 1 : i32
          %add3A_127 = arith.addi %mul3A_92, %add3A_126 : i32
          %dma_wait3A_128 = arith.constant 0 : i32
          %dma_wait3A_129 = arith.constant 0 : i32
          %dma_wait3A_130 = tpu.memref_slice %arg8[%rem3A_73, %add3A_127, %dma_wait3A_128, %dma_wait3A_129] : memref<2x6x1x128xi32, #tpu.memory_space<vmem>> -> memref<1x1x1x128xi32, #tpu.memory_space<vmem>>
          %dma_wait3A_131 = tpu.memref_squeeze %dma_wait3A_130 : memref<1x1x1x128xi32, #tpu.memory_space<vmem>> -> memref<128xi32, #tpu.memory_space<vmem>>
          %dma_wait3A_132 = arith.constant 0 : i32
          %dma_wait3A_133 = arith.constant 0 : i32
          %dma_wait3A_134 = tpu.memref_slice %arg4[%dma_wait3A_132, %dma_wait3A_133] : memref<10000x128xf32, #tpu.memory_space<hbm>> -> memref<10000x128xf32, #tpu.memory_space<hbm>>
          tpu.wait_indirect_dma semaphore(%arg14 : memref<!tpu.dma_semaphore, #tpu.memory_space<semaphore_mem>>) src(%dma_wait3A_134 : memref<10000x128xf32, #tpu.memory_space<hbm>>) dst(%arg11 : memref<128x128xf32, #tpu.memory_space<vmem>>)
          %add3A_135 = arith.constant 1 : i32
          %add3A_136 = arith.addi %mul3A_92, %add3A_135 : i32
          %run_scoped3A_137 = arith.constant 0 : i32
          "tpu.region"() ({
            %run_scoped3A_139 = tpu.sem_alloc : memref<!tpu.dma_semaphore, #tpu.memory_space<semaphore_mem>>
            %dma_start3A_140 = arith.constant 0 : i32
            %dma_start3A_141 = tpu.memref_slice %arg9[%rem3A_73, %add3A_136, %run_scoped3A_137, %dma_start3A_140] : memref<2x6x1x128xi32, #tpu.memory_space<vmem>> -> memref<1x1x1x128xi32, #tpu.memory_space<vmem>>
            %dma_start3A_142 = tpu.memref_squeeze %dma_start3A_141 : memref<1x1x1x128xi32, #tpu.memory_space<vmem>> -> memref<128xi32, #tpu.memory_space<vmem>>
            %dma_start3A_143 = arith.constant 0 : i32
            %dma_start3A_144 = arith.constant 0 : i32
            %dma_start3A_145 = tpu.memref_slice %arg12[%dma_start3A_143, %dma_start3A_144] : memref<10240x128xf32, #tpu.memory_space<vmem_shared>> -> memref<10240x128xf32, #tpu.memory_space<vmem_shared>>
            tpu.enqueue_indirect_dma source(%arg11 : memref<128x128xf32, #tpu.memory_space<vmem>>) target(%dma_start3A_145 : memref<10240x128xf32, #tpu.memory_space<vmem_shared>>) offsets(%dma_start3A_142 : memref<128xi32, #tpu.memory_space<vmem>>) semaphore(%run_scoped3A_139 : memref<!tpu.dma_semaphore, #tpu.memory_space<semaphore_mem>>) {add = true}
            %dma_wait3A_146 = arith.constant 0 : i32
            %dma_wait3A_147 = tpu.memref_slice %arg9[%rem3A_73, %add3A_136, %run_scoped3A_137, %dma_wait3A_146] : memref<2x6x1x128xi32, #tpu.memory_space<vmem>> -> memref<1x1x1x128xi32, #tpu.memory_space<vmem>>
            %dma_wait3A_148 = tpu.memref_squeeze %dma_wait3A_147 : memref<1x1x1x128xi32, #tpu.memory_space<vmem>> -> memref<128xi32, #tpu.memory_space<vmem>>
            %dma_wait3A_149 = arith.constant 0 : i32
            %dma_wait3A_150 = arith.constant 0 : i32
            %dma_wait3A_151 = tpu.memref_slice %arg12[%dma_wait3A_149, %dma_wait3A_150] : memref<10240x128xf32, #tpu.memory_space<vmem_shared>> -> memref<10240x128xf32, #tpu.memory_space<vmem_shared>>
            tpu.wait_indirect_dma semaphore(%run_scoped3A_139 : memref<!tpu.dma_semaphore, #tpu.memory_space<semaphore_mem>>) src(%arg11 : memref<128x128xf32, #tpu.memory_space<vmem>>) dst(%dma_wait3A_151 : memref<10240x128xf32, #tpu.memory_space<vmem_shared>>)
            tpu.yield
          }) : () -> ()
          %scan3A_138 = arith.constant 0 : i32
          scf.yield %scan3A_138 : i32
        }
        %scan3A_80 = arith.constant 3 : i32
        %add3A_81 = arith.constant 2 : i32
        %add3A_82 = arith.addi %scan3A_71, %add3A_81 : i32
        %lt3A_83 = arith.constant 13 : i32
        %lt3A_84 = arith.cmpi slt, %add3A_82, %lt3A_83 : i32
        %convert_element_type3A_85 = arith.extui %lt3A_84 : i1 to i32
        %cond3A_86 = arith.constant 0 : i32
        %cond3A_87 = arith.cmpi ne, %convert_element_type3A_85, %cond3A_86 : i32
        scf.if %cond3A_87 {
          %add3A_89 = arith.constant 2 : i32
          %add3A_90 = arith.addi %scan3A_71, %add3A_89 : i32
          %mul3A_91 = arith.constant 6 : i32
          %mul3A_92 = arith.muli %add3A_90, %mul3A_91 : i32
          %add3A_93 = arith.addi %mul3A_2, %mul3A_92 : i32
          %dma_start3A_94 = arith.constant 0 : i32
          %dma_start3A_95 = arith.constant 0 : i32
          %dma_start3A_96 = arith.constant 0 : i32
          %dma_start3A_97 = tpu.memref_slice %arg8[%rem3A_73, %dma_start3A_94, %dma_start3A_95, %dma_start3A_96] : memref<2x6x1x128xi32, #tpu.memory_space<vmem>> -> memref<1x6x1x128xi32, #tpu.memory_space<vmem>>
          %dma_start3A_98 = tpu.memref_squeeze %dma_start3A_97 : memref<1x6x1x128xi32, #tpu.memory_space<vmem>> -> memref<6x1x128xi32, #tpu.memory_space<vmem>>
          %dma_start3A_99 = arith.constant 0 : i32
          %dma_start3A_100 = arith.constant 0 : i32
          %dma_start3A_101 = tpu.memref_slice %arg2[%add3A_93, %dma_start3A_99, %dma_start3A_100] : memref<1250x1x128xi32, #tpu.memory_space<hbm>> -> memref<6x1x128xi32, #tpu.memory_space<hbm>>
          %dma_start3A_102 = arith.constant 0 : i32
          %dma_start3A_103 = arith.constant 0 : i32
          %dma_start3A_104 = arith.constant 0 : i32
          %dma_start3A_105 = tpu.memref_slice %arg8[%rem3A_73, %dma_start3A_102, %dma_start3A_103, %dma_start3A_104] : memref<2x6x1x128xi32, #tpu.memory_space<vmem>> -> memref<1x6x1x128xi32, #tpu.memory_space<vmem>>
          %dma_start3A_106 = tpu.memref_squeeze %dma_start3A_105 : memref<1x6x1x128xi32, #tpu.memory_space<vmem>> -> memref<6x1x128xi32, #tpu.memory_space<vmem>>
          %dma_start3A_107 = arith.constant 0 : i32
          %dma_start3A_108 = arith.constant 0 : i32
          %dma_start3A_109 = tpu.memref_slice %arg2[%add3A_93, %dma_start3A_107, %dma_start3A_108] : memref<1250x1x128xi32, #tpu.memory_space<hbm>> -> memref<6x1x128xi32, #tpu.memory_space<hbm>>
          tpu.enqueue_dma source(%dma_start3A_109 : memref<6x1x128xi32, #tpu.memory_space<hbm>>) target(%dma_start3A_106 : memref<6x1x128xi32, #tpu.memory_space<vmem>>) target_semaphore(%arg15 : memref<!tpu.dma_semaphore, #tpu.memory_space<semaphore_mem>>)
          %mul3A_110 = arith.constant 6 : i32
          %mul3A_111 = arith.muli %add3A_90, %mul3A_110 : i32
          %add3A_112 = arith.addi %mul3A_2, %mul3A_111 : i32
          %dma_start3A_113 = arith.constant 0 : i32
          %dma_start3A_114 = arith.constant 0 : i32
          %dma_start3A_115 = arith.constant 0 : i32
          %dma_start3A_116 = tpu.memref_slice %arg9[%rem3A_73, %dma_start3A_113, %dma_start3A_114, %dma_start3A_115] : memref<2x6x1x128xi32, #tpu.memory_space<vmem>> -> memref<1x6x1x128xi32, #tpu.memory_space<vmem>>
          %dma_start3A_117 = tpu.memref_squeeze %dma_start3A_116 : memref<1x6x1x128xi32, #tpu.memory_space<vmem>> -> memref<6x1x128xi32, #tpu.memory_space<vmem>>
          %dma_start3A_118 = arith.constant 0 : i32
          %dma_start3A_119 = arith.constant 0 : i32
          %dma_start3A_120 = tpu.memref_slice %arg3[%add3A_112, %dma_start3A_118, %dma_start3A_119] : memref<1250x1x128xi32, #tpu.memory_space<hbm>> -> memref<6x1x128xi32, #tpu.memory_space<hbm>>
          %dma_start3A_121 = arith.constant 0 : i32
          %dma_start3A_122 = arith.constant 0 : i32
          %dma_start3A_123 = arith.constant 0 : i32
          %dma_start3A_124 = tpu.memref_slice %arg9[%rem3A_73, %dma_start3A_121, %dma_start3A_122, %dma_start3A_123] : memref<2x6x1x128xi32, #tpu.memory_space<vmem>> -> memref<1x6x1x128xi32, #tpu.memory_space<vmem>>
          %dma_start3A_125 = tpu.memref_squeeze %dma_start3A_124 : memref<1x6x1x128xi32, #tpu.memory_space<vmem>> -> memref<6x1x128xi32, #tpu.memory_space<vmem>>
          %dma_start3A_126 = arith.constant 0 : i32
          %dma_start3A_127 = arith.constant 0 : i32
          %dma_start3A_128 = tpu.memref_slice %arg3[%add3A_112, %dma_start3A_126, %dma_start3A_127] : memref<1250x1x128xi32, #tpu.memory_space<hbm>> -> memref<6x1x128xi32, #tpu.memory_space<hbm>>
          tpu.enqueue_dma source(%dma_start3A_128 : memref<6x1x128xi32, #tpu.memory_space<hbm>>) target(%dma_start3A_125 : memref<6x1x128xi32, #tpu.memory_space<vmem>>) target_semaphore(%arg15 : memref<!tpu.dma_semaphore, #tpu.memory_space<semaphore_mem>>)
        } else {
        }
        %scan3A_88 = arith.constant 0 : i32
        scf.yield %scan3A_88 : i32
      }
      %scan3A_66 = arith.constant 13 : i32
      %lt3A = arith.constant 2 : i32
      %lt3A_67 = arith.cmpi slt, %arg1, %lt3A : i32
      %convert_element_type3A_68 = arith.extui %lt3A_67 : i1 to i32
      %cond3A_69 = arith.constant 0 : i32
      %cond3A_70 = arith.cmpi ne, %convert_element_type3A_68, %cond3A_69 : i32
      scf.if %cond3A_70 {
        %add3A_71 = arith.constant 1248 : i32
        %add3A_72 = arith.addi %add3A_71, %arg1 : i32
        %run_scoped3A_73 = arith.constant 0 : i32
        "tpu.region"() ({
          %run_scoped3A_95 = tpu.sem_alloc : memref<!tpu.dma_semaphore, #tpu.memory_space<semaphore_mem>>
          %dma_start3A_96 = arith.constant 0 : i32
          %dma_start3A_97 = arith.constant 0 : i32
          %dma_start3A_98 = arith.constant 0 : i32
          %dma_start3A_99 = tpu.memref_slice %arg8[%run_scoped3A_73, %dma_start3A_96, %dma_start3A_97, %dma_start3A_98] : memref<2x6x1x128xi32, #tpu.memory_space<vmem>> -> memref<1x1x1x128xi32, #tpu.memory_space<vmem>>
          %dma_start3A_100 = tpu.memref_squeeze %dma_start3A_99 : memref<1x1x1x128xi32, #tpu.memory_space<vmem>> -> memref<1x1x128xi32, #tpu.memory_space<vmem>>
          %dma_start3A_101 = arith.constant 0 : i32
          %dma_start3A_102 = arith.constant 0 : i32
          %dma_start3A_103 = tpu.memref_slice %arg2[%add3A_72, %dma_start3A_101, %dma_start3A_102] : memref<1250x1x128xi32, #tpu.memory_space<hbm>> -> memref<1x1x128xi32, #tpu.memory_space<hbm>>
          %dma_start3A_104 = arith.constant 0 : i32
          %dma_start3A_105 = arith.constant 0 : i32
          %dma_start3A_106 = arith.constant 0 : i32
          %dma_start3A_107 = tpu.memref_slice %arg8[%run_scoped3A_73, %dma_start3A_104, %dma_start3A_105, %dma_start3A_106] : memref<2x6x1x128xi32, #tpu.memory_space<vmem>> -> memref<1x1x1x128xi32, #tpu.memory_space<vmem>>
          %dma_start3A_108 = tpu.memref_squeeze %dma_start3A_107 : memref<1x1x1x128xi32, #tpu.memory_space<vmem>> -> memref<1x1x128xi32, #tpu.memory_space<vmem>>
          %dma_start3A_109 = arith.constant 0 : i32
          %dma_start3A_110 = arith.constant 0 : i32
          %dma_start3A_111 = tpu.memref_slice %arg2[%add3A_72, %dma_start3A_109, %dma_start3A_110] : memref<1250x1x128xi32, #tpu.memory_space<hbm>> -> memref<1x1x128xi32, #tpu.memory_space<hbm>>
          tpu.enqueue_dma source(%dma_start3A_111 : memref<1x1x128xi32, #tpu.memory_space<hbm>>) target(%dma_start3A_108 : memref<1x1x128xi32, #tpu.memory_space<vmem>>) target_semaphore(%run_scoped3A_95 : memref<!tpu.dma_semaphore, #tpu.memory_space<semaphore_mem>>)
          %dma_wait3A_112 = arith.constant 0 : i32
          %dma_wait3A_113 = arith.constant 0 : i32
          %dma_wait3A_114 = arith.constant 0 : i32
          %dma_wait3A_115 = tpu.memref_slice %arg8[%run_scoped3A_73, %dma_wait3A_112, %dma_wait3A_113, %dma_wait3A_114] : memref<2x6x1x128xi32, #tpu.memory_space<vmem>> -> memref<1x1x1x128xi32, #tpu.memory_space<vmem>>
          %dma_wait3A_116 = tpu.memref_squeeze %dma_wait3A_115 : memref<1x1x1x128xi32, #tpu.memory_space<vmem>> -> memref<1x1x128xi32, #tpu.memory_space<vmem>>
          %dma_wait3A_117 = arith.constant 0 : i32
          %dma_wait3A_118 = arith.constant 0 : i32
          %dma_wait3A_119 = tpu.memref_slice %arg2[%add3A_72, %dma_wait3A_117, %dma_wait3A_118] : memref<1250x1x128xi32, #tpu.memory_space<hbm>> -> memref<1x1x128xi32, #tpu.memory_space<hbm>>
          %dma_wait3A_120 = arith.constant 0 : i32
          %dma_wait3A_121 = arith.constant 0 : i32
          %dma_wait3A_122 = arith.constant 0 : i32
          %dma_wait3A_123 = tpu.memref_slice %arg8[%run_scoped3A_73, %dma_wait3A_120, %dma_wait3A_121, %dma_wait3A_122] : memref<2x6x1x128xi32, #tpu.memory_space<vmem>> -> memref<1x1x1x128xi32, #tpu.memory_space<vmem>>
          %dma_wait3A_124 = tpu.memref_squeeze %dma_wait3A_123 : memref<1x1x1x128xi32, #tpu.memory_space<vmem>> -> memref<1x1x128xi32, #tpu.memory_space<vmem>>
          %dma_wait3A_125 = arith.constant 0 : i32
          %dma_wait3A_126 = arith.constant 0 : i32
          %dma_wait3A_127 = tpu.memref_slice %arg2[%add3A_72, %dma_wait3A_125, %dma_wait3A_126] : memref<1250x1x128xi32, #tpu.memory_space<hbm>> -> memref<1x1x128xi32, #tpu.memory_space<hbm>>
          tpu.wait_dma2 semaphore(%run_scoped3A_95 : memref<!tpu.dma_semaphore, #tpu.memory_space<semaphore_mem>>) src(%dma_wait3A_127 : memref<1x1x128xi32, #tpu.memory_space<hbm>>) dst(%dma_wait3A_124 : memref<1x1x128xi32, #tpu.memory_space<vmem>>)
          tpu.yield
        }) : () -> ()
        %run_scoped3A_74 = arith.constant 0 : i32
        "tpu.region"() ({
          %run_scoped3A_95 = tpu.sem_alloc : memref<!tpu.dma_semaphore, #tpu.memory_space<semaphore_mem>>
          %dma_start3A_96 = arith.constant 0 : i32
          %dma_start3A_97 = arith.constant 0 : i32
          %dma_start3A_98 = arith.constant 0 : i32
          %dma_start3A_99 = tpu.memref_slice %arg9[%run_scoped3A_74, %dma_start3A_96, %dma_start3A_97, %dma_start3A_98] : memref<2x6x1x128xi32, #tpu.memory_space<vmem>> -> memref<1x1x1x128xi32, #tpu.memory_space<vmem>>
          %dma_start3A_100 = tpu.memref_squeeze %dma_start3A_99 : memref<1x1x1x128xi32, #tpu.memory_space<vmem>> -> memref<1x1x128xi32, #tpu.memory_space<vmem>>
          %dma_start3A_101 = arith.constant 0 : i32
          %dma_start3A_102 = arith.constant 0 : i32
          %dma_start3A_103 = tpu.memref_slice %arg3[%add3A_72, %dma_start3A_101, %dma_start3A_102] : memref<1250x1x128xi32, #tpu.memory_space<hbm>> -> memref<1x1x128xi32, #tpu.memory_space<hbm>>
          %dma_start3A_104 = arith.constant 0 : i32
          %dma_start3A_105 = arith.constant 0 : i32
          %dma_start3A_106 = arith.constant 0 : i32
          %dma_start3A_107 = tpu.memref_slice %arg9[%run_scoped3A_74, %dma_start3A_104, %dma_start3A_105, %dma_start3A_106] : memref<2x6x1x128xi32, #tpu.memory_space<vmem>> -> memref<1x1x1x128xi32, #tpu.memory_space<vmem>>
          %dma_start3A_108 = tpu.memref_squeeze %dma_start3A_107 : memref<1x1x1x128xi32, #tpu.memory_space<vmem>> -> memref<1x1x128xi32, #tpu.memory_space<vmem>>
          %dma_start3A_109 = arith.constant 0 : i32
          %dma_start3A_110 = arith.constant 0 : i32
          %dma_start3A_111 = tpu.memref_slice %arg3[%add3A_72, %dma_start3A_109, %dma_start3A_110] : memref<1250x1x128xi32, #tpu.memory_space<hbm>> -> memref<1x1x128xi32, #tpu.memory_space<hbm>>
          tpu.enqueue_dma source(%dma_start3A_111 : memref<1x1x128xi32, #tpu.memory_space<hbm>>) target(%dma_start3A_108 : memref<1x1x128xi32, #tpu.memory_space<vmem>>) target_semaphore(%run_scoped3A_95 : memref<!tpu.dma_semaphore, #tpu.memory_space<semaphore_mem>>)
          %dma_wait3A_112 = arith.constant 0 : i32
          %dma_wait3A_113 = arith.constant 0 : i32
          %dma_wait3A_114 = arith.constant 0 : i32
          %dma_wait3A_115 = tpu.memref_slice %arg9[%run_scoped3A_74, %dma_wait3A_112, %dma_wait3A_113, %dma_wait3A_114] : memref<2x6x1x128xi32, #tpu.memory_space<vmem>> -> memref<1x1x1x128xi32, #tpu.memory_space<vmem>>
          %dma_wait3A_116 = tpu.memref_squeeze %dma_wait3A_115 : memref<1x1x1x128xi32, #tpu.memory_space<vmem>> -> memref<1x1x128xi32, #tpu.memory_space<vmem>>
          %dma_wait3A_117 = arith.constant 0 : i32
          %dma_wait3A_118 = arith.constant 0 : i32
          %dma_wait3A_119 = tpu.memref_slice %arg3[%add3A_72, %dma_wait3A_117, %dma_wait3A_118] : memref<1250x1x128xi32, #tpu.memory_space<hbm>> -> memref<1x1x128xi32, #tpu.memory_space<hbm>>
          %dma_wait3A_120 = arith.constant 0 : i32
          %dma_wait3A_121 = arith.constant 0 : i32
          %dma_wait3A_122 = arith.constant 0 : i32
          %dma_wait3A_123 = tpu.memref_slice %arg9[%run_scoped3A_74, %dma_wait3A_120, %dma_wait3A_121, %dma_wait3A_122] : memref<2x6x1x128xi32, #tpu.memory_space<vmem>> -> memref<1x1x1x128xi32, #tpu.memory_space<vmem>>
          %dma_wait3A_124 = tpu.memref_squeeze %dma_wait3A_123 : memref<1x1x1x128xi32, #tpu.memory_space<vmem>> -> memref<1x1x128xi32, #tpu.memory_space<vmem>>
          %dma_wait3A_125 = arith.constant 0 : i32
          %dma_wait3A_126 = arith.constant 0 : i32
          %dma_wait3A_127 = tpu.memref_slice %arg3[%add3A_72, %dma_wait3A_125, %dma_wait3A_126] : memref<1250x1x128xi32, #tpu.memory_space<hbm>> -> memref<1x1x128xi32, #tpu.memory_space<hbm>>
          tpu.wait_dma2 semaphore(%run_scoped3A_95 : memref<!tpu.dma_semaphore, #tpu.memory_space<semaphore_mem>>) src(%dma_wait3A_127 : memref<1x1x128xi32, #tpu.memory_space<hbm>>) dst(%dma_wait3A_124 : memref<1x1x128xi32, #tpu.memory_space<vmem>>)
          tpu.yield
        }) : () -> ()
        %dma_start3A_75 = arith.constant 0 : i32
        %dma_start3A_76 = arith.constant 0 : i32
        %dma_start3A_77 = arith.constant 0 : i32
        %dma_start3A_78 = arith.constant 0 : i32
        %dma_start3A_79 = tpu.memref_slice %arg8[%dma_start3A_75, %dma_start3A_76, %dma_start3A_77, %dma_start3A_78] : memref<2x6x1x128xi32, #tpu.memory_space<vmem>> -> memref<1x1x1x128xi32, #tpu.memory_space<vmem>>
        %dma_start3A_80 = tpu.memref_squeeze %dma_start3A_79 : memref<1x1x1x128xi32, #tpu.memory_space<vmem>> -> memref<128xi32, #tpu.memory_space<vmem>>
        %dma_start3A_81 = arith.constant 0 : i32
        %dma_start3A_82 = arith.constant 0 : i32
        %dma_start3A_83 = tpu.memref_slice %arg4[%dma_start3A_81, %dma_start3A_82] : memref<10000x128xf32, #tpu.memory_space<hbm>> -> memref<10000x128xf32, #tpu.memory_space<hbm>>
        tpu.enqueue_indirect_dma source(%dma_start3A_83 : memref<10000x128xf32, #tpu.memory_space<hbm>>) target(%arg10 : memref<128x128xf32, #tpu.memory_space<vmem>>) offsets(%dma_start3A_80 : memref<128xi32, #tpu.memory_space<vmem>>) semaphore(%arg13 : memref<!tpu.dma_semaphore, #tpu.memory_space<semaphore_mem>>)
        %dma_wait3A = arith.constant 0 : i32
        %dma_wait3A_84 = arith.constant 0 : i32
        %dma_wait3A_85 = arith.constant 0 : i32
        %dma_wait3A_86 = arith.constant 0 : i32
        %dma_wait3A_87 = tpu.memref_slice %arg8[%dma_wait3A, %dma_wait3A_84, %dma_wait3A_85, %dma_wait3A_86] : memref<2x6x1x128xi32, #tpu.memory_space<vmem>> -> memref<1x1x1x128xi32, #tpu.memory_space<vmem>>
        %dma_wait3A_88 = tpu.memref_squeeze %dma_wait3A_87 : memref<1x1x1x128xi32, #tpu.memory_space<vmem>> -> memref<128xi32, #tpu.memory_space<vmem>>
        %dma_wait3A_89 = arith.constant 0 : i32
        %dma_wait3A_90 = arith.constant 0 : i32
        %dma_wait3A_91 = tpu.memref_slice %arg4[%dma_wait3A_89, %dma_wait3A_90] : memref<10000x128xf32, #tpu.memory_space<hbm>> -> memref<10000x128xf32, #tpu.memory_space<hbm>>
        tpu.wait_indirect_dma semaphore(%arg13 : memref<!tpu.dma_semaphore, #tpu.memory_space<semaphore_mem>>) src(%dma_wait3A_91 : memref<10000x128xf32, #tpu.memory_space<hbm>>) dst(%arg10 : memref<128x128xf32, #tpu.memory_space<vmem>>)
        %run_scoped3A_92 = arith.constant 0 : i32
        %run_scoped3A_93 = arith.constant 0 : i32
        %run_scoped3A_94 = arith.constant 0 : i32
        "tpu.region"() ({
          %run_scoped3A_95 = tpu.sem_alloc : memref<!tpu.dma_semaphore, #tpu.memory_space<semaphore_mem>>
          %dma_start3A_96 = arith.constant 0 : i32
          %dma_start3A_97 = tpu.memref_slice %arg9[%run_scoped3A_92, %run_scoped3A_93, %run_scoped3A_94, %dma_start3A_96] : memref<2x6x1x128xi32, #tpu.memory_space<vmem>> -> memref<1x1x1x128xi32, #tpu.memory_space<vmem>>
          %dma_start3A_98 = tpu.memref_squeeze %dma_start3A_97 : memref<1x1x1x128xi32, #tpu.memory_space<vmem>> -> memref<128xi32, #tpu.memory_space<vmem>>
          %dma_start3A_99 = arith.constant 0 : i32
          %dma_start3A_100 = arith.constant 0 : i32
          %dma_start3A_101 = tpu.memref_slice %arg12[%dma_start3A_99, %dma_start3A_100] : memref<10240x128xf32, #tpu.memory_space<vmem_shared>> -> memref<10240x128xf32, #tpu.memory_space<vmem_shared>>
          tpu.enqueue_indirect_dma source(%arg10 : memref<128x128xf32, #tpu.memory_space<vmem>>) target(%dma_start3A_101 : memref<10240x128xf32, #tpu.memory_space<vmem_shared>>) offsets(%dma_start3A_98 : memref<128xi32, #tpu.memory_space<vmem>>) semaphore(%run_scoped3A_95 : memref<!tpu.dma_semaphore, #tpu.memory_space<semaphore_mem>>) {add = true}
          %dma_wait3A_102 = arith.constant 0 : i32
          %dma_wait3A_103 = tpu.memref_slice %arg9[%run_scoped3A_92, %run_scoped3A_93, %run_scoped3A_94, %dma_wait3A_102] : memref<2x6x1x128xi32, #tpu.memory_space<vmem>> -> memref<1x1x1x128xi32, #tpu.memory_space<vmem>>
          %dma_wait3A_104 = tpu.memref_squeeze %dma_wait3A_103 : memref<1x1x1x128xi32, #tpu.memory_space<vmem>> -> memref<128xi32, #tpu.memory_space<vmem>>
          %dma_wait3A_105 = arith.constant 0 : i32
          %dma_wait3A_106 = arith.constant 0 : i32
          %dma_wait3A_107 = tpu.memref_slice %arg12[%dma_wait3A_105, %dma_wait3A_106] : memref<10240x128xf32, #tpu.memory_space<vmem_shared>> -> memref<10240x128xf32, #tpu.memory_space<vmem_shared>>
          tpu.wait_indirect_dma semaphore(%run_scoped3A_95 : memref<!tpu.dma_semaphore, #tpu.memory_space<semaphore_mem>>) src(%arg10 : memref<128x128xf32, #tpu.memory_space<vmem>>) dst(%dma_wait3A_107 : memref<10240x128xf32, #tpu.memory_space<vmem_shared>>)
          tpu.yield
        }) : () -> ()
      } else {
      }
    } else {
    }
    %eq3A_5 = arith.constant 1 : i32
    %eq3A_6 = arith.cmpi eq, %arg0, %eq3A_5 : i32
    %convert_element_type3A_7 = arith.extui %eq3A_6 : i1 to i32
    %cond3A_8 = arith.constant 0 : i32
    %cond3A_9 = arith.cmpi ne, %convert_element_type3A_7, %cond3A_8 : i32
    scf.if %cond3A_9 {
      %add3A = arith.constant 0 : i32
      %add3A_11 = arith.addi %mul3A_2, %add3A : i32
      %run_scoped3A = arith.constant 0 : i32
      "tpu.region"() ({
        %run_scoped3A_71 = tpu.sem_alloc : memref<!tpu.dma_semaphore, #tpu.memory_space<semaphore_mem>>
        %dma_start3A_72 = arith.constant 0 : i32
        %dma_start3A_73 = arith.constant 0 : i32
        %dma_start3A_74 = arith.constant 0 : i32
        %dma_start3A_75 = tpu.memref_slice %arg8[%run_scoped3A, %dma_start3A_72, %dma_start3A_73, %dma_start3A_74] : memref<2x6x1x128xi32, #tpu.memory_space<vmem>> -> memref<1x6x1x128xi32, #tpu.memory_space<vmem>>
        %dma_start3A_76 = tpu.memref_squeeze %dma_start3A_75 : memref<1x6x1x128xi32, #tpu.memory_space<vmem>> -> memref<6x1x128xi32, #tpu.memory_space<vmem>>
        %dma_start3A_77 = arith.constant 0 : i32
        %dma_start3A_78 = arith.constant 0 : i32
        %dma_start3A_79 = tpu.memref_slice %arg2[%add3A_11, %dma_start3A_77, %dma_start3A_78] : memref<1250x1x128xi32, #tpu.memory_space<hbm>> -> memref<6x1x128xi32, #tpu.memory_space<hbm>>
        %dma_start3A_80 = arith.constant 0 : i32
        %dma_start3A_81 = arith.constant 0 : i32
        %dma_start3A_82 = arith.constant 0 : i32
        %dma_start3A_83 = tpu.memref_slice %arg8[%run_scoped3A, %dma_start3A_80, %dma_start3A_81, %dma_start3A_82] : memref<2x6x1x128xi32, #tpu.memory_space<vmem>> -> memref<1x6x1x128xi32, #tpu.memory_space<vmem>>
        %dma_start3A_84 = tpu.memref_squeeze %dma_start3A_83 : memref<1x6x1x128xi32, #tpu.memory_space<vmem>> -> memref<6x1x128xi32, #tpu.memory_space<vmem>>
        %dma_start3A_85 = arith.constant 0 : i32
        %dma_start3A_86 = arith.constant 0 : i32
        %dma_start3A_87 = tpu.memref_slice %arg2[%add3A_11, %dma_start3A_85, %dma_start3A_86] : memref<1250x1x128xi32, #tpu.memory_space<hbm>> -> memref<6x1x128xi32, #tpu.memory_space<hbm>>
        tpu.enqueue_dma source(%dma_start3A_87 : memref<6x1x128xi32, #tpu.memory_space<hbm>>) target(%dma_start3A_84 : memref<6x1x128xi32, #tpu.memory_space<vmem>>) target_semaphore(%run_scoped3A_71 : memref<!tpu.dma_semaphore, #tpu.memory_space<semaphore_mem>>)
        %dma_wait3A = arith.constant 0 : i32
        %dma_wait3A_88 = arith.constant 0 : i32
        %dma_wait3A_89 = arith.constant 0 : i32
        %dma_wait3A_90 = tpu.memref_slice %arg8[%run_scoped3A, %dma_wait3A, %dma_wait3A_88, %dma_wait3A_89] : memref<2x6x1x128xi32, #tpu.memory_space<vmem>> -> memref<1x6x1x128xi32, #tpu.memory_space<vmem>>
        %dma_wait3A_91 = tpu.memref_squeeze %dma_wait3A_90 : memref<1x6x1x128xi32, #tpu.memory_space<vmem>> -> memref<6x1x128xi32, #tpu.memory_space<vmem>>
        %dma_wait3A_92 = arith.constant 0 : i32
        %dma_wait3A_93 = arith.constant 0 : i32
        %dma_wait3A_94 = tpu.memref_slice %arg2[%add3A_11, %dma_wait3A_92, %dma_wait3A_93] : memref<1250x1x128xi32, #tpu.memory_space<hbm>> -> memref<6x1x128xi32, #tpu.memory_space<hbm>>
        %dma_wait3A_95 = arith.constant 0 : i32
        %dma_wait3A_96 = arith.constant 0 : i32
        %dma_wait3A_97 = arith.constant 0 : i32
        %dma_wait3A_98 = tpu.memref_slice %arg8[%run_scoped3A, %dma_wait3A_95, %dma_wait3A_96, %dma_wait3A_97] : memref<2x6x1x128xi32, #tpu.memory_space<vmem>> -> memref<1x6x1x128xi32, #tpu.memory_space<vmem>>
        %dma_wait3A_99 = tpu.memref_squeeze %dma_wait3A_98 : memref<1x6x1x128xi32, #tpu.memory_space<vmem>> -> memref<6x1x128xi32, #tpu.memory_space<vmem>>
        %dma_wait3A_100 = arith.constant 0 : i32
        %dma_wait3A_101 = arith.constant 0 : i32
        %dma_wait3A_102 = tpu.memref_slice %arg2[%add3A_11, %dma_wait3A_100, %dma_wait3A_101] : memref<1250x1x128xi32, #tpu.memory_space<hbm>> -> memref<6x1x128xi32, #tpu.memory_space<hbm>>
        tpu.wait_dma2 semaphore(%run_scoped3A_71 : memref<!tpu.dma_semaphore, #tpu.memory_space<semaphore_mem>>) src(%dma_wait3A_102 : memref<6x1x128xi32, #tpu.memory_space<hbm>>) dst(%dma_wait3A_99 : memref<6x1x128xi32, #tpu.memory_space<vmem>>)
        tpu.yield
      }) : () -> ()
      %add3A_12 = arith.constant 0 : i32
      %add3A_13 = arith.addi %mul3A_2, %add3A_12 : i32
      %run_scoped3A_14 = arith.constant 0 : i32
      "tpu.region"() ({
        %run_scoped3A_71 = tpu.sem_alloc : memref<!tpu.dma_semaphore, #tpu.memory_space<semaphore_mem>>
        %dma_start3A_72 = arith.constant 0 : i32
        %dma_start3A_73 = arith.constant 0 : i32
        %dma_start3A_74 = arith.constant 0 : i32
        %dma_start3A_75 = tpu.memref_slice %arg9[%run_scoped3A_14, %dma_start3A_72, %dma_start3A_73, %dma_start3A_74] : memref<2x6x1x128xi32, #tpu.memory_space<vmem>> -> memref<1x6x1x128xi32, #tpu.memory_space<vmem>>
        %dma_start3A_76 = tpu.memref_squeeze %dma_start3A_75 : memref<1x6x1x128xi32, #tpu.memory_space<vmem>> -> memref<6x1x128xi32, #tpu.memory_space<vmem>>
        %dma_start3A_77 = arith.constant 0 : i32
        %dma_start3A_78 = arith.constant 0 : i32
        %dma_start3A_79 = tpu.memref_slice %arg3[%add3A_13, %dma_start3A_77, %dma_start3A_78] : memref<1250x1x128xi32, #tpu.memory_space<hbm>> -> memref<6x1x128xi32, #tpu.memory_space<hbm>>
        %dma_start3A_80 = arith.constant 0 : i32
        %dma_start3A_81 = arith.constant 0 : i32
        %dma_start3A_82 = arith.constant 0 : i32
        %dma_start3A_83 = tpu.memref_slice %arg9[%run_scoped3A_14, %dma_start3A_80, %dma_start3A_81, %dma_start3A_82] : memref<2x6x1x128xi32, #tpu.memory_space<vmem>> -> memref<1x6x1x128xi32, #tpu.memory_space<vmem>>
        %dma_start3A_84 = tpu.memref_squeeze %dma_start3A_83 : memref<1x6x1x128xi32, #tpu.memory_space<vmem>> -> memref<6x1x128xi32, #tpu.memory_space<vmem>>
        %dma_start3A_85 = arith.constant 0 : i32
        %dma_start3A_86 = arith.constant 0 : i32
        %dma_start3A_87 = tpu.memref_slice %arg3[%add3A_13, %dma_start3A_85, %dma_start3A_86] : memref<1250x1x128xi32, #tpu.memory_space<hbm>> -> memref<6x1x128xi32, #tpu.memory_space<hbm>>
        tpu.enqueue_dma source(%dma_start3A_87 : memref<6x1x128xi32, #tpu.memory_space<hbm>>) target(%dma_start3A_84 : memref<6x1x128xi32, #tpu.memory_space<vmem>>) target_semaphore(%run_scoped3A_71 : memref<!tpu.dma_semaphore, #tpu.memory_space<semaphore_mem>>)
        %dma_wait3A = arith.constant 0 : i32
        %dma_wait3A_88 = arith.constant 0 : i32
        %dma_wait3A_89 = arith.constant 0 : i32
        %dma_wait3A_90 = tpu.memref_slice %arg9[%run_scoped3A_14, %dma_wait3A, %dma_wait3A_88, %dma_wait3A_89] : memref<2x6x1x128xi32, #tpu.memory_space<vmem>> -> memref<1x6x1x128xi32, #tpu.memory_space<vmem>>
        %dma_wait3A_91 = tpu.memref_squeeze %dma_wait3A_90 : memref<1x6x1x128xi32, #tpu.memory_space<vmem>> -> memref<6x1x128xi32, #tpu.memory_space<vmem>>
        %dma_wait3A_92 = arith.constant 0 : i32
        %dma_wait3A_93 = arith.constant 0 : i32
        %dma_wait3A_94 = tpu.memref_slice %arg3[%add3A_13, %dma_wait3A_92, %dma_wait3A_93] : memref<1250x1x128xi32, #tpu.memory_space<hbm>> -> memref<6x1x128xi32, #tpu.memory_space<hbm>>
        %dma_wait3A_95 = arith.constant 0 : i32
        %dma_wait3A_96 = arith.constant 0 : i32
        %dma_wait3A_97 = arith.constant 0 : i32
        %dma_wait3A_98 = tpu.memref_slice %arg9[%run_scoped3A_14, %dma_wait3A_95, %dma_wait3A_96, %dma_wait3A_97] : memref<2x6x1x128xi32, #tpu.memory_space<vmem>> -> memref<1x6x1x128xi32, #tpu.memory_space<vmem>>
        %dma_wait3A_99 = tpu.memref_squeeze %dma_wait3A_98 : memref<1x6x1x128xi32, #tpu.memory_space<vmem>> -> memref<6x1x128xi32, #tpu.memory_space<vmem>>
        %dma_wait3A_100 = arith.constant 0 : i32
        %dma_wait3A_101 = arith.constant 0 : i32
        %dma_wait3A_102 = tpu.memref_slice %arg3[%add3A_13, %dma_wait3A_100, %dma_wait3A_101] : memref<1250x1x128xi32, #tpu.memory_space<hbm>> -> memref<6x1x128xi32, #tpu.memory_space<hbm>>
        tpu.wait_dma2 semaphore(%run_scoped3A_71 : memref<!tpu.dma_semaphore, #tpu.memory_space<semaphore_mem>>) src(%dma_wait3A_102 : memref<6x1x128xi32, #tpu.memory_space<hbm>>) dst(%dma_wait3A_99 : memref<6x1x128xi32, #tpu.memory_space<vmem>>)
        tpu.yield
      }) : () -> ()
      %add3A_15 = arith.constant 6 : i32
      %add3A_16 = arith.addi %mul3A_2, %add3A_15 : i32
      %dma_start3A = arith.constant 1 : i32
      %dma_start3A_17 = arith.constant 0 : i32
      %dma_start3A_18 = arith.constant 0 : i32
      %dma_start3A_19 = arith.constant 0 : i32
      %dma_start3A_20 = tpu.memref_slice %arg8[%dma_start3A, %dma_start3A_17, %dma_start3A_18, %dma_start3A_19] : memref<2x6x1x128xi32, #tpu.memory_space<vmem>> -> memref<1x6x1x128xi32, #tpu.memory_space<vmem>>
      %dma_start3A_21 = tpu.memref_squeeze %dma_start3A_20 : memref<1x6x1x128xi32, #tpu.memory_space<vmem>> -> memref<6x1x128xi32, #tpu.memory_space<vmem>>
      %dma_start3A_22 = arith.constant 0 : i32
      %dma_start3A_23 = arith.constant 0 : i32
      %dma_start3A_24 = tpu.memref_slice %arg2[%add3A_16, %dma_start3A_22, %dma_start3A_23] : memref<1250x1x128xi32, #tpu.memory_space<hbm>> -> memref<6x1x128xi32, #tpu.memory_space<hbm>>
      %dma_start3A_25 = arith.constant 0 : i32
      %dma_start3A_26 = arith.constant 0 : i32
      %dma_start3A_27 = arith.constant 0 : i32
      %dma_start3A_28 = tpu.memref_slice %arg8[%dma_start3A, %dma_start3A_25, %dma_start3A_26, %dma_start3A_27] : memref<2x6x1x128xi32, #tpu.memory_space<vmem>> -> memref<1x6x1x128xi32, #tpu.memory_space<vmem>>
      %dma_start3A_29 = tpu.memref_squeeze %dma_start3A_28 : memref<1x6x1x128xi32, #tpu.memory_space<vmem>> -> memref<6x1x128xi32, #tpu.memory_space<vmem>>
      %dma_start3A_30 = arith.constant 0 : i32
      %dma_start3A_31 = arith.constant 0 : i32
      %dma_start3A_32 = tpu.memref_slice %arg2[%add3A_16, %dma_start3A_30, %dma_start3A_31] : memref<1250x1x128xi32, #tpu.memory_space<hbm>> -> memref<6x1x128xi32, #tpu.memory_space<hbm>>
      tpu.enqueue_dma source(%dma_start3A_32 : memref<6x1x128xi32, #tpu.memory_space<hbm>>) target(%dma_start3A_29 : memref<6x1x128xi32, #tpu.memory_space<vmem>>) target_semaphore(%arg15 : memref<!tpu.dma_semaphore, #tpu.memory_space<semaphore_mem>>)
      %add3A_33 = arith.constant 6 : i32
      %add3A_34 = arith.addi %mul3A_2, %add3A_33 : i32
      %dma_start3A_35 = arith.constant 1 : i32
      %dma_start3A_36 = arith.constant 0 : i32
      %dma_start3A_37 = arith.constant 0 : i32
      %dma_start3A_38 = arith.constant 0 : i32
      %dma_start3A_39 = tpu.memref_slice %arg9[%dma_start3A_35, %dma_start3A_36, %dma_start3A_37, %dma_start3A_38] : memref<2x6x1x128xi32, #tpu.memory_space<vmem>> -> memref<1x6x1x128xi32, #tpu.memory_space<vmem>>
      %dma_start3A_40 = tpu.memref_squeeze %dma_start3A_39 : memref<1x6x1x128xi32, #tpu.memory_space<vmem>> -> memref<6x1x128xi32, #tpu.memory_space<vmem>>
      %dma_start3A_41 = arith.constant 0 : i32
      %dma_start3A_42 = arith.constant 0 : i32
      %dma_start3A_43 = tpu.memref_slice %arg3[%add3A_34, %dma_start3A_41, %dma_start3A_42] : memref<1250x1x128xi32, #tpu.memory_space<hbm>> -> memref<6x1x128xi32, #tpu.memory_space<hbm>>
      %dma_start3A_44 = arith.constant 0 : i32
      %dma_start3A_45 = arith.constant 0 : i32
      %dma_start3A_46 = arith.constant 0 : i32
      %dma_start3A_47 = tpu.memref_slice %arg9[%dma_start3A_35, %dma_start3A_44, %dma_start3A_45, %dma_start3A_46] : memref<2x6x1x128xi32, #tpu.memory_space<vmem>> -> memref<1x6x1x128xi32, #tpu.memory_space<vmem>>
      %dma_start3A_48 = tpu.memref_squeeze %dma_start3A_47 : memref<1x6x1x128xi32, #tpu.memory_space<vmem>> -> memref<6x1x128xi32, #tpu.memory_space<vmem>>
      %dma_start3A_49 = arith.constant 0 : i32
      %dma_start3A_50 = arith.constant 0 : i32
      %dma_start3A_51 = tpu.memref_slice %arg3[%add3A_34, %dma_start3A_49, %dma_start3A_50] : memref<1250x1x128xi32, #tpu.memory_space<hbm>> -> memref<6x1x128xi32, #tpu.memory_space<hbm>>
      tpu.enqueue_dma source(%dma_start3A_51 : memref<6x1x128xi32, #tpu.memory_space<hbm>>) target(%dma_start3A_48 : memref<6x1x128xi32, #tpu.memory_space<vmem>>) target_semaphore(%arg15 : memref<!tpu.dma_semaphore, #tpu.memory_space<semaphore_mem>>)
      %dma_start3A_52 = arith.constant 0 : i32
      %dma_start3A_53 = arith.constant 0 : i32
      %dma_start3A_54 = arith.constant 0 : i32
      %dma_start3A_55 = arith.constant 0 : i32
      %dma_start3A_56 = tpu.memref_slice %arg8[%dma_start3A_52, %dma_start3A_53, %dma_start3A_54, %dma_start3A_55] : memref<2x6x1x128xi32, #tpu.memory_space<vmem>> -> memref<1x1x1x128xi32, #tpu.memory_space<vmem>>
      %dma_start3A_57 = tpu.memref_squeeze %dma_start3A_56 : memref<1x1x1x128xi32, #tpu.memory_space<vmem>> -> memref<128xi32, #tpu.memory_space<vmem>>
      %dma_start3A_58 = arith.constant 0 : i32
      %dma_start3A_59 = arith.constant 0 : i32
      %dma_start3A_60 = tpu.memref_slice %arg5[%dma_start3A_58, %dma_start3A_59] : memref<10000x128xf32, #tpu.memory_space<hbm>> -> memref<10000x128xf32, #tpu.memory_space<hbm>>
      tpu.enqueue_indirect_dma source(%dma_start3A_60 : memref<10000x128xf32, #tpu.memory_space<hbm>>) target(%arg10 : memref<128x128xf32, #tpu.memory_space<vmem>>) offsets(%dma_start3A_57 : memref<128xi32, #tpu.memory_space<vmem>>) semaphore(%arg13 : memref<!tpu.dma_semaphore, #tpu.memory_space<semaphore_mem>>)
      %scan3A = arith.constant 0 : i32
      %scan3A_61 = arith.constant 0 : i32
      %scan3A_62 = arith.constant 13 : i32
      %scan3A_63 = arith.addi %scan3A_61, %scan3A_62 : i32
      %scan3A_64 = arith.constant 1 : i32
      %scan3A_65 = scf.for %scan3A_71 = %scan3A_61 to %scan3A_63 step %scan3A_64 iter_args(%scan3A_72 = %scan3A) -> (i32)  : i32 {
        %rem3A = arith.constant 2 : i32
        %rem3A_73 = arith.remsi %scan3A_71, %rem3A : i32
        %scan3A_74 = arith.constant 0 : i32
        %scan3A_75 = arith.constant 0 : i32
        %scan3A_76 = arith.constant 3 : i32
        %scan3A_77 = arith.addi %scan3A_75, %scan3A_76 : i32
        %scan3A_78 = arith.constant 1 : i32
        %scan3A_79 = scf.for %scan3A_89 = %scan3A_75 to %scan3A_77 step %scan3A_78 iter_args(%scan3A_90 = %scan3A_74) -> (i32)  : i32 {
          %mul3A_91 = arith.constant 2 : i32
          %mul3A_92 = arith.muli %mul3A_91, %scan3A_89 : i32
          %add3A_93 = arith.constant 1 : i32
          %add3A_94 = arith.addi %mul3A_92, %add3A_93 : i32
          %dma_start3A_95 = arith.constant 0 : i32
          %dma_start3A_96 = arith.constant 0 : i32
          %dma_start3A_97 = tpu.memref_slice %arg8[%rem3A_73, %add3A_94, %dma_start3A_95, %dma_start3A_96] : memref<2x6x1x128xi32, #tpu.memory_space<vmem>> -> memref<1x1x1x128xi32, #tpu.memory_space<vmem>>
          %dma_start3A_98 = tpu.memref_squeeze %dma_start3A_97 : memref<1x1x1x128xi32, #tpu.memory_space<vmem>> -> memref<128xi32, #tpu.memory_space<vmem>>
          %dma_start3A_99 = arith.constant 0 : i32
          %dma_start3A_100 = arith.constant 0 : i32
          %dma_start3A_101 = tpu.memref_slice %arg5[%dma_start3A_99, %dma_start3A_100] : memref<10000x128xf32, #tpu.memory_space<hbm>> -> memref<10000x128xf32, #tpu.memory_space<hbm>>
          tpu.enqueue_indirect_dma source(%dma_start3A_101 : memref<10000x128xf32, #tpu.memory_space<hbm>>) target(%arg11 : memref<128x128xf32, #tpu.memory_space<vmem>>) offsets(%dma_start3A_98 : memref<128xi32, #tpu.memory_space<vmem>>) semaphore(%arg14 : memref<!tpu.dma_semaphore, #tpu.memory_space<semaphore_mem>>)
          %dma_wait3A = arith.constant 0 : i32
          %dma_wait3A_102 = arith.constant 0 : i32
          %dma_wait3A_103 = tpu.memref_slice %arg8[%rem3A_73, %mul3A_92, %dma_wait3A, %dma_wait3A_102] : memref<2x6x1x128xi32, #tpu.memory_space<vmem>> -> memref<1x1x1x128xi32, #tpu.memory_space<vmem>>
          %dma_wait3A_104 = tpu.memref_squeeze %dma_wait3A_103 : memref<1x1x1x128xi32, #tpu.memory_space<vmem>> -> memref<128xi32, #tpu.memory_space<vmem>>
          %dma_wait3A_105 = arith.constant 0 : i32
          %dma_wait3A_106 = arith.constant 0 : i32
          %dma_wait3A_107 = tpu.memref_slice %arg5[%dma_wait3A_105, %dma_wait3A_106] : memref<10000x128xf32, #tpu.memory_space<hbm>> -> memref<10000x128xf32, #tpu.memory_space<hbm>>
          tpu.wait_indirect_dma semaphore(%arg13 : memref<!tpu.dma_semaphore, #tpu.memory_space<semaphore_mem>>) src(%dma_wait3A_107 : memref<10000x128xf32, #tpu.memory_space<hbm>>) dst(%arg10 : memref<128x128xf32, #tpu.memory_space<vmem>>)
          %run_scoped3A_108 = arith.constant 0 : i32
          "tpu.region"() ({
            %run_scoped3A_139 = tpu.sem_alloc : memref<!tpu.dma_semaphore, #tpu.memory_space<semaphore_mem>>
            %dma_start3A_140 = arith.constant 0 : i32
            %dma_start3A_141 = tpu.memref_slice %arg9[%rem3A_73, %mul3A_92, %run_scoped3A_108, %dma_start3A_140] : memref<2x6x1x128xi32, #tpu.memory_space<vmem>> -> memref<1x1x1x128xi32, #tpu.memory_space<vmem>>
            %dma_start3A_142 = tpu.memref_squeeze %dma_start3A_141 : memref<1x1x1x128xi32, #tpu.memory_space<vmem>> -> memref<128xi32, #tpu.memory_space<vmem>>
            %dma_start3A_143 = arith.constant 0 : i32
            %dma_start3A_144 = arith.constant 0 : i32
            %dma_start3A_145 = tpu.memref_slice %arg12[%dma_start3A_143, %dma_start3A_144] : memref<10240x128xf32, #tpu.memory_space<vmem_shared>> -> memref<10240x128xf32, #tpu.memory_space<vmem_shared>>
            tpu.enqueue_indirect_dma source(%arg10 : memref<128x128xf32, #tpu.memory_space<vmem>>) target(%dma_start3A_145 : memref<10240x128xf32, #tpu.memory_space<vmem_shared>>) offsets(%dma_start3A_142 : memref<128xi32, #tpu.memory_space<vmem>>) semaphore(%run_scoped3A_139 : memref<!tpu.dma_semaphore, #tpu.memory_space<semaphore_mem>>) {add = true}
            %dma_wait3A_146 = arith.constant 0 : i32
            %dma_wait3A_147 = tpu.memref_slice %arg9[%rem3A_73, %mul3A_92, %run_scoped3A_108, %dma_wait3A_146] : memref<2x6x1x128xi32, #tpu.memory_space<vmem>> -> memref<1x1x1x128xi32, #tpu.memory_space<vmem>>
            %dma_wait3A_148 = tpu.memref_squeeze %dma_wait3A_147 : memref<1x1x1x128xi32, #tpu.memory_space<vmem>> -> memref<128xi32, #tpu.memory_space<vmem>>
            %dma_wait3A_149 = arith.constant 0 : i32
            %dma_wait3A_150 = arith.constant 0 : i32
            %dma_wait3A_151 = tpu.memref_slice %arg12[%dma_wait3A_149, %dma_wait3A_150] : memref<10240x128xf32, #tpu.memory_space<vmem_shared>> -> memref<10240x128xf32, #tpu.memory_space<vmem_shared>>
            tpu.wait_indirect_dma semaphore(%run_scoped3A_139 : memref<!tpu.dma_semaphore, #tpu.memory_space<semaphore_mem>>) src(%arg10 : memref<128x128xf32, #tpu.memory_space<vmem>>) dst(%dma_wait3A_151 : memref<10240x128xf32, #tpu.memory_space<vmem_shared>>)
            tpu.yield
          }) : () -> ()
          %add3A_109 = arith.constant 2 : i32
          %add3A_110 = arith.addi %mul3A_92, %add3A_109 : i32
          %lt3A_111 = arith.constant 6 : i32
          %lt3A_112 = arith.cmpi slt, %add3A_110, %lt3A_111 : i32
          %convert_element_type3A_113 = arith.extui %lt3A_112 : i1 to i32
          %cond3A_114 = arith.constant 0 : i32
          %cond3A_115 = arith.cmpi ne, %convert_element_type3A_113, %cond3A_114 : i32
          scf.if %cond3A_115 {
            %add3A_139 = arith.constant 2 : i32
            %add3A_140 = arith.addi %mul3A_92, %add3A_139 : i32
            %dma_start3A_141 = arith.constant 0 : i32
            %dma_start3A_142 = arith.constant 0 : i32
            %dma_start3A_143 = tpu.memref_slice %arg8[%rem3A_73, %add3A_140, %dma_start3A_141, %dma_start3A_142] : memref<2x6x1x128xi32, #tpu.memory_space<vmem>> -> memref<1x1x1x128xi32, #tpu.memory_space<vmem>>
            %dma_start3A_144 = tpu.memref_squeeze %dma_start3A_143 : memref<1x1x1x128xi32, #tpu.memory_space<vmem>> -> memref<128xi32, #tpu.memory_space<vmem>>
            %dma_start3A_145 = arith.constant 0 : i32
            %dma_start3A_146 = arith.constant 0 : i32
            %dma_start3A_147 = tpu.memref_slice %arg5[%dma_start3A_145, %dma_start3A_146] : memref<10000x128xf32, #tpu.memory_space<hbm>> -> memref<10000x128xf32, #tpu.memory_space<hbm>>
            tpu.enqueue_indirect_dma source(%dma_start3A_147 : memref<10000x128xf32, #tpu.memory_space<hbm>>) target(%arg10 : memref<128x128xf32, #tpu.memory_space<vmem>>) offsets(%dma_start3A_144 : memref<128xi32, #tpu.memory_space<vmem>>) semaphore(%arg13 : memref<!tpu.dma_semaphore, #tpu.memory_space<semaphore_mem>>)
          } else {
          }
          %add3A_116 = arith.constant 2 : i32
          %add3A_117 = arith.addi %mul3A_92, %add3A_116 : i32
          %ge3A = arith.constant 6 : i32
          %ge3A_118 = arith.cmpi sge, %add3A_117, %ge3A : i32
          %add3A_119 = arith.constant 1 : i32
          %add3A_120 = arith.addi %scan3A_71, %add3A_119 : i32
          %lt3A_121 = arith.constant 13 : i32
          %lt3A_122 = arith.cmpi slt, %add3A_120, %lt3A_121 : i32
          %and3A = arith.andi %ge3A_118, %lt3A_122 : i1
          %convert_element_type3A_123 = arith.extui %and3A : i1 to i32
          %cond3A_124 = arith.constant 0 : i32
          %cond3A_125 = arith.cmpi ne, %convert_element_type3A_123, %cond3A_124 : i32
          scf.if %cond3A_125 {
            %add3A_139 = arith.constant 1 : i32
            %add3A_140 = arith.addi %scan3A_71, %add3A_139 : i32
            %sub3A = arith.constant 1 : i32
            %sub3A_141 = arith.subi %sub3A, %rem3A_73 : i32
            %mul3A_142 = arith.constant 6 : i32
            %mul3A_143 = arith.muli %add3A_140, %mul3A_142 : i32
            %add3A_144 = arith.addi %mul3A_2, %mul3A_143 : i32
            %dma_wait3A_145 = arith.constant 0 : i32
            %dma_wait3A_146 = arith.constant 0 : i32
            %dma_wait3A_147 = arith.constant 0 : i32
            %dma_wait3A_148 = tpu.memref_slice %arg8[%sub3A_141, %dma_wait3A_145, %dma_wait3A_146, %dma_wait3A_147] : memref<2x6x1x128xi32, #tpu.memory_space<vmem>> -> memref<1x6x1x128xi32, #tpu.memory_space<vmem>>
            %dma_wait3A_149 = tpu.memref_squeeze %dma_wait3A_148 : memref<1x6x1x128xi32, #tpu.memory_space<vmem>> -> memref<6x1x128xi32, #tpu.memory_space<vmem>>
            %dma_wait3A_150 = arith.constant 0 : i32
            %dma_wait3A_151 = arith.constant 0 : i32
            %dma_wait3A_152 = tpu.memref_slice %arg2[%add3A_144, %dma_wait3A_150, %dma_wait3A_151] : memref<1250x1x128xi32, #tpu.memory_space<hbm>> -> memref<6x1x128xi32, #tpu.memory_space<hbm>>
            %dma_wait3A_153 = arith.constant 0 : i32
            %dma_wait3A_154 = arith.constant 0 : i32
            %dma_wait3A_155 = arith.constant 0 : i32
            %dma_wait3A_156 = tpu.memref_slice %arg8[%sub3A_141, %dma_wait3A_153, %dma_wait3A_154, %dma_wait3A_155] : memref<2x6x1x128xi32, #tpu.memory_space<vmem>> -> memref<1x6x1x128xi32, #tpu.memory_space<vmem>>
            %dma_wait3A_157 = tpu.memref_squeeze %dma_wait3A_156 : memref<1x6x1x128xi32, #tpu.memory_space<vmem>> -> memref<6x1x128xi32, #tpu.memory_space<vmem>>
            %dma_wait3A_158 = arith.constant 0 : i32
            %dma_wait3A_159 = arith.constant 0 : i32
            %dma_wait3A_160 = tpu.memref_slice %arg2[%add3A_144, %dma_wait3A_158, %dma_wait3A_159] : memref<1250x1x128xi32, #tpu.memory_space<hbm>> -> memref<6x1x128xi32, #tpu.memory_space<hbm>>
            tpu.wait_dma2 semaphore(%arg15 : memref<!tpu.dma_semaphore, #tpu.memory_space<semaphore_mem>>) src(%dma_wait3A_160 : memref<6x1x128xi32, #tpu.memory_space<hbm>>) dst(%dma_wait3A_157 : memref<6x1x128xi32, #tpu.memory_space<vmem>>)
            %mul3A_161 = arith.constant 6 : i32
            %mul3A_162 = arith.muli %add3A_140, %mul3A_161 : i32
            %add3A_163 = arith.addi %mul3A_2, %mul3A_162 : i32
            %dma_wait3A_164 = arith.constant 0 : i32
            %dma_wait3A_165 = arith.constant 0 : i32
            %dma_wait3A_166 = arith.constant 0 : i32
            %dma_wait3A_167 = tpu.memref_slice %arg9[%sub3A_141, %dma_wait3A_164, %dma_wait3A_165, %dma_wait3A_166] : memref<2x6x1x128xi32, #tpu.memory_space<vmem>> -> memref<1x6x1x128xi32, #tpu.memory_space<vmem>>
            %dma_wait3A_168 = tpu.memref_squeeze %dma_wait3A_167 : memref<1x6x1x128xi32, #tpu.memory_space<vmem>> -> memref<6x1x128xi32, #tpu.memory_space<vmem>>
            %dma_wait3A_169 = arith.constant 0 : i32
            %dma_wait3A_170 = arith.constant 0 : i32
            %dma_wait3A_171 = tpu.memref_slice %arg3[%add3A_163, %dma_wait3A_169, %dma_wait3A_170] : memref<1250x1x128xi32, #tpu.memory_space<hbm>> -> memref<6x1x128xi32, #tpu.memory_space<hbm>>
            %dma_wait3A_172 = arith.constant 0 : i32
            %dma_wait3A_173 = arith.constant 0 : i32
            %dma_wait3A_174 = arith.constant 0 : i32
            %dma_wait3A_175 = tpu.memref_slice %arg9[%sub3A_141, %dma_wait3A_172, %dma_wait3A_173, %dma_wait3A_174] : memref<2x6x1x128xi32, #tpu.memory_space<vmem>> -> memref<1x6x1x128xi32, #tpu.memory_space<vmem>>
            %dma_wait3A_176 = tpu.memref_squeeze %dma_wait3A_175 : memref<1x6x1x128xi32, #tpu.memory_space<vmem>> -> memref<6x1x128xi32, #tpu.memory_space<vmem>>
            %dma_wait3A_177 = arith.constant 0 : i32
            %dma_wait3A_178 = arith.constant 0 : i32
            %dma_wait3A_179 = tpu.memref_slice %arg3[%add3A_163, %dma_wait3A_177, %dma_wait3A_178] : memref<1250x1x128xi32, #tpu.memory_space<hbm>> -> memref<6x1x128xi32, #tpu.memory_space<hbm>>
            tpu.wait_dma2 semaphore(%arg15 : memref<!tpu.dma_semaphore, #tpu.memory_space<semaphore_mem>>) src(%dma_wait3A_179 : memref<6x1x128xi32, #tpu.memory_space<hbm>>) dst(%dma_wait3A_176 : memref<6x1x128xi32, #tpu.memory_space<vmem>>)
            %sub3A_180 = arith.constant 1 : i32
            %sub3A_181 = arith.subi %sub3A_180, %rem3A_73 : i32
            %dma_start3A_182 = arith.constant 0 : i32
            %dma_start3A_183 = arith.constant 0 : i32
            %dma_start3A_184 = arith.constant 0 : i32
            %dma_start3A_185 = tpu.memref_slice %arg8[%sub3A_181, %dma_start3A_182, %dma_start3A_183, %dma_start3A_184] : memref<2x6x1x128xi32, #tpu.memory_space<vmem>> -> memref<1x1x1x128xi32, #tpu.memory_space<vmem>>
            %dma_start3A_186 = tpu.memref_squeeze %dma_start3A_185 : memref<1x1x1x128xi32, #tpu.memory_space<vmem>> -> memref<128xi32, #tpu.memory_space<vmem>>
            %dma_start3A_187 = arith.constant 0 : i32
            %dma_start3A_188 = arith.constant 0 : i32
            %dma_start3A_189 = tpu.memref_slice %arg5[%dma_start3A_187, %dma_start3A_188] : memref<10000x128xf32, #tpu.memory_space<hbm>> -> memref<10000x128xf32, #tpu.memory_space<hbm>>
            tpu.enqueue_indirect_dma source(%dma_start3A_189 : memref<10000x128xf32, #tpu.memory_space<hbm>>) target(%arg10 : memref<128x128xf32, #tpu.memory_space<vmem>>) offsets(%dma_start3A_186 : memref<128xi32, #tpu.memory_space<vmem>>) semaphore(%arg13 : memref<!tpu.dma_semaphore, #tpu.memory_space<semaphore_mem>>)
          } else {
          }
          %add3A_126 = arith.constant 1 : i32
          %add3A_127 = arith.addi %mul3A_92, %add3A_126 : i32
          %dma_wait3A_128 = arith.constant 0 : i32
          %dma_wait3A_129 = arith.constant 0 : i32
          %dma_wait3A_130 = tpu.memref_slice %arg8[%rem3A_73, %add3A_127, %dma_wait3A_128, %dma_wait3A_129] : memref<2x6x1x128xi32, #tpu.memory_space<vmem>> -> memref<1x1x1x128xi32, #tpu.memory_space<vmem>>
          %dma_wait3A_131 = tpu.memref_squeeze %dma_wait3A_130 : memref<1x1x1x128xi32, #tpu.memory_space<vmem>> -> memref<128xi32, #tpu.memory_space<vmem>>
          %dma_wait3A_132 = arith.constant 0 : i32
          %dma_wait3A_133 = arith.constant 0 : i32
          %dma_wait3A_134 = tpu.memref_slice %arg5[%dma_wait3A_132, %dma_wait3A_133] : memref<10000x128xf32, #tpu.memory_space<hbm>> -> memref<10000x128xf32, #tpu.memory_space<hbm>>
          tpu.wait_indirect_dma semaphore(%arg14 : memref<!tpu.dma_semaphore, #tpu.memory_space<semaphore_mem>>) src(%dma_wait3A_134 : memref<10000x128xf32, #tpu.memory_space<hbm>>) dst(%arg11 : memref<128x128xf32, #tpu.memory_space<vmem>>)
          %add3A_135 = arith.constant 1 : i32
          %add3A_136 = arith.addi %mul3A_92, %add3A_135 : i32
          %run_scoped3A_137 = arith.constant 0 : i32
          "tpu.region"() ({
            %run_scoped3A_139 = tpu.sem_alloc : memref<!tpu.dma_semaphore, #tpu.memory_space<semaphore_mem>>
            %dma_start3A_140 = arith.constant 0 : i32
            %dma_start3A_141 = tpu.memref_slice %arg9[%rem3A_73, %add3A_136, %run_scoped3A_137, %dma_start3A_140] : memref<2x6x1x128xi32, #tpu.memory_space<vmem>> -> memref<1x1x1x128xi32, #tpu.memory_space<vmem>>
            %dma_start3A_142 = tpu.memref_squeeze %dma_start3A_141 : memref<1x1x1x128xi32, #tpu.memory_space<vmem>> -> memref<128xi32, #tpu.memory_space<vmem>>
            %dma_start3A_143 = arith.constant 0 : i32
            %dma_start3A_144 = arith.constant 0 : i32
            %dma_start3A_145 = tpu.memref_slice %arg12[%dma_start3A_143, %dma_start3A_144] : memref<10240x128xf32, #tpu.memory_space<vmem_shared>> -> memref<10240x128xf32, #tpu.memory_space<vmem_shared>>
            tpu.enqueue_indirect_dma source(%arg11 : memref<128x128xf32, #tpu.memory_space<vmem>>) target(%dma_start3A_145 : memref<10240x128xf32, #tpu.memory_space<vmem_shared>>) offsets(%dma_start3A_142 : memref<128xi32, #tpu.memory_space<vmem>>) semaphore(%run_scoped3A_139 : memref<!tpu.dma_semaphore, #tpu.memory_space<semaphore_mem>>) {add = true}
            %dma_wait3A_146 = arith.constant 0 : i32
            %dma_wait3A_147 = tpu.memref_slice %arg9[%rem3A_73, %add3A_136, %run_scoped3A_137, %dma_wait3A_146] : memref<2x6x1x128xi32, #tpu.memory_space<vmem>> -> memref<1x1x1x128xi32, #tpu.memory_space<vmem>>
            %dma_wait3A_148 = tpu.memref_squeeze %dma_wait3A_147 : memref<1x1x1x128xi32, #tpu.memory_space<vmem>> -> memref<128xi32, #tpu.memory_space<vmem>>
            %dma_wait3A_149 = arith.constant 0 : i32
            %dma_wait3A_150 = arith.constant 0 : i32
            %dma_wait3A_151 = tpu.memref_slice %arg12[%dma_wait3A_149, %dma_wait3A_150] : memref<10240x128xf32, #tpu.memory_space<vmem_shared>> -> memref<10240x128xf32, #tpu.memory_space<vmem_shared>>
            tpu.wait_indirect_dma semaphore(%run_scoped3A_139 : memref<!tpu.dma_semaphore, #tpu.memory_space<semaphore_mem>>) src(%arg11 : memref<128x128xf32, #tpu.memory_space<vmem>>) dst(%dma_wait3A_151 : memref<10240x128xf32, #tpu.memory_space<vmem_shared>>)
            tpu.yield
          }) : () -> ()
          %scan3A_138 = arith.constant 0 : i32
          scf.yield %scan3A_138 : i32
        }
        %scan3A_80 = arith.constant 3 : i32
        %add3A_81 = arith.constant 2 : i32
        %add3A_82 = arith.addi %scan3A_71, %add3A_81 : i32
        %lt3A_83 = arith.constant 13 : i32
        %lt3A_84 = arith.cmpi slt, %add3A_82, %lt3A_83 : i32
        %convert_element_type3A_85 = arith.extui %lt3A_84 : i1 to i32
        %cond3A_86 = arith.constant 0 : i32
        %cond3A_87 = arith.cmpi ne, %convert_element_type3A_85, %cond3A_86 : i32
        scf.if %cond3A_87 {
          %add3A_89 = arith.constant 2 : i32
          %add3A_90 = arith.addi %scan3A_71, %add3A_89 : i32
          %mul3A_91 = arith.constant 6 : i32
          %mul3A_92 = arith.muli %add3A_90, %mul3A_91 : i32
          %add3A_93 = arith.addi %mul3A_2, %mul3A_92 : i32
          %dma_start3A_94 = arith.constant 0 : i32
          %dma_start3A_95 = arith.constant 0 : i32
          %dma_start3A_96 = arith.constant 0 : i32
          %dma_start3A_97 = tpu.memref_slice %arg8[%rem3A_73, %dma_start3A_94, %dma_start3A_95, %dma_start3A_96] : memref<2x6x1x128xi32, #tpu.memory_space<vmem>> -> memref<1x6x1x128xi32, #tpu.memory_space<vmem>>
          %dma_start3A_98 = tpu.memref_squeeze %dma_start3A_97 : memref<1x6x1x128xi32, #tpu.memory_space<vmem>> -> memref<6x1x128xi32, #tpu.memory_space<vmem>>
          %dma_start3A_99 = arith.constant 0 : i32
          %dma_start3A_100 = arith.constant 0 : i32
          %dma_start3A_101 = tpu.memref_slice %arg2[%add3A_93, %dma_start3A_99, %dma_start3A_100] : memref<1250x1x128xi32, #tpu.memory_space<hbm>> -> memref<6x1x128xi32, #tpu.memory_space<hbm>>
          %dma_start3A_102 = arith.constant 0 : i32
          %dma_start3A_103 = arith.constant 0 : i32
          %dma_start3A_104 = arith.constant 0 : i32
          %dma_start3A_105 = tpu.memref_slice %arg8[%rem3A_73, %dma_start3A_102, %dma_start3A_103, %dma_start3A_104] : memref<2x6x1x128xi32, #tpu.memory_space<vmem>> -> memref<1x6x1x128xi32, #tpu.memory_space<vmem>>
          %dma_start3A_106 = tpu.memref_squeeze %dma_start3A_105 : memref<1x6x1x128xi32, #tpu.memory_space<vmem>> -> memref<6x1x128xi32, #tpu.memory_space<vmem>>
          %dma_start3A_107 = arith.constant 0 : i32
          %dma_start3A_108 = arith.constant 0 : i32
          %dma_start3A_109 = tpu.memref_slice %arg2[%add3A_93, %dma_start3A_107, %dma_start3A_108] : memref<1250x1x128xi32, #tpu.memory_space<hbm>> -> memref<6x1x128xi32, #tpu.memory_space<hbm>>
          tpu.enqueue_dma source(%dma_start3A_109 : memref<6x1x128xi32, #tpu.memory_space<hbm>>) target(%dma_start3A_106 : memref<6x1x128xi32, #tpu.memory_space<vmem>>) target_semaphore(%arg15 : memref<!tpu.dma_semaphore, #tpu.memory_space<semaphore_mem>>)
          %mul3A_110 = arith.constant 6 : i32
          %mul3A_111 = arith.muli %add3A_90, %mul3A_110 : i32
          %add3A_112 = arith.addi %mul3A_2, %mul3A_111 : i32
          %dma_start3A_113 = arith.constant 0 : i32
          %dma_start3A_114 = arith.constant 0 : i32
          %dma_start3A_115 = arith.constant 0 : i32
          %dma_start3A_116 = tpu.memref_slice %arg9[%rem3A_73, %dma_start3A_113, %dma_start3A_114, %dma_start3A_115] : memref<2x6x1x128xi32, #tpu.memory_space<vmem>> -> memref<1x6x1x128xi32, #tpu.memory_space<vmem>>
          %dma_start3A_117 = tpu.memref_squeeze %dma_start3A_116 : memref<1x6x1x128xi32, #tpu.memory_space<vmem>> -> memref<6x1x128xi32, #tpu.memory_space<vmem>>
          %dma_start3A_118 = arith.constant 0 : i32
          %dma_start3A_119 = arith.constant 0 : i32
          %dma_start3A_120 = tpu.memref_slice %arg3[%add3A_112, %dma_start3A_118, %dma_start3A_119] : memref<1250x1x128xi32, #tpu.memory_space<hbm>> -> memref<6x1x128xi32, #tpu.memory_space<hbm>>
          %dma_start3A_121 = arith.constant 0 : i32
          %dma_start3A_122 = arith.constant 0 : i32
          %dma_start3A_123 = arith.constant 0 : i32
          %dma_start3A_124 = tpu.memref_slice %arg9[%rem3A_73, %dma_start3A_121, %dma_start3A_122, %dma_start3A_123] : memref<2x6x1x128xi32, #tpu.memory_space<vmem>> -> memref<1x6x1x128xi32, #tpu.memory_space<vmem>>
          %dma_start3A_125 = tpu.memref_squeeze %dma_start3A_124 : memref<1x6x1x128xi32, #tpu.memory_space<vmem>> -> memref<6x1x128xi32, #tpu.memory_space<vmem>>
          %dma_start3A_126 = arith.constant 0 : i32
          %dma_start3A_127 = arith.constant 0 : i32
          %dma_start3A_128 = tpu.memref_slice %arg3[%add3A_112, %dma_start3A_126, %dma_start3A_127] : memref<1250x1x128xi32, #tpu.memory_space<hbm>> -> memref<6x1x128xi32, #tpu.memory_space<hbm>>
          tpu.enqueue_dma source(%dma_start3A_128 : memref<6x1x128xi32, #tpu.memory_space<hbm>>) target(%dma_start3A_125 : memref<6x1x128xi32, #tpu.memory_space<vmem>>) target_semaphore(%arg15 : memref<!tpu.dma_semaphore, #tpu.memory_space<semaphore_mem>>)
        } else {
        }
        %scan3A_88 = arith.constant 0 : i32
        scf.yield %scan3A_88 : i32
      }
      %scan3A_66 = arith.constant 13 : i32
      %lt3A = arith.constant 2 : i32
      %lt3A_67 = arith.cmpi slt, %arg1, %lt3A : i32
      %convert_element_type3A_68 = arith.extui %lt3A_67 : i1 to i32
      %cond3A_69 = arith.constant 0 : i32
      %cond3A_70 = arith.cmpi ne, %convert_element_type3A_68, %cond3A_69 : i32
      scf.if %cond3A_70 {
        %add3A_71 = arith.constant 1248 : i32
        %add3A_72 = arith.addi %add3A_71, %arg1 : i32
        %run_scoped3A_73 = arith.constant 0 : i32
        "tpu.region"() ({
          %run_scoped3A_95 = tpu.sem_alloc : memref<!tpu.dma_semaphore, #tpu.memory_space<semaphore_mem>>
          %dma_start3A_96 = arith.constant 0 : i32
          %dma_start3A_97 = arith.constant 0 : i32
          %dma_start3A_98 = arith.constant 0 : i32
          %dma_start3A_99 = tpu.memref_slice %arg8[%run_scoped3A_73, %dma_start3A_96, %dma_start3A_97, %dma_start3A_98] : memref<2x6x1x128xi32, #tpu.memory_space<vmem>> -> memref<1x1x1x128xi32, #tpu.memory_space<vmem>>
          %dma_start3A_100 = tpu.memref_squeeze %dma_start3A_99 : memref<1x1x1x128xi32, #tpu.memory_space<vmem>> -> memref<1x1x128xi32, #tpu.memory_space<vmem>>
          %dma_start3A_101 = arith.constant 0 : i32
          %dma_start3A_102 = arith.constant 0 : i32
          %dma_start3A_103 = tpu.memref_slice %arg2[%add3A_72, %dma_start3A_101, %dma_start3A_102] : memref<1250x1x128xi32, #tpu.memory_space<hbm>> -> memref<1x1x128xi32, #tpu.memory_space<hbm>>
          %dma_start3A_104 = arith.constant 0 : i32
          %dma_start3A_105 = arith.constant 0 : i32
          %dma_start3A_106 = arith.constant 0 : i32
          %dma_start3A_107 = tpu.memref_slice %arg8[%run_scoped3A_73, %dma_start3A_104, %dma_start3A_105, %dma_start3A_106] : memref<2x6x1x128xi32, #tpu.memory_space<vmem>> -> memref<1x1x1x128xi32, #tpu.memory_space<vmem>>
          %dma_start3A_108 = tpu.memref_squeeze %dma_start3A_107 : memref<1x1x1x128xi32, #tpu.memory_space<vmem>> -> memref<1x1x128xi32, #tpu.memory_space<vmem>>
          %dma_start3A_109 = arith.constant 0 : i32
          %dma_start3A_110 = arith.constant 0 : i32
          %dma_start3A_111 = tpu.memref_slice %arg2[%add3A_72, %dma_start3A_109, %dma_start3A_110] : memref<1250x1x128xi32, #tpu.memory_space<hbm>> -> memref<1x1x128xi32, #tpu.memory_space<hbm>>
          tpu.enqueue_dma source(%dma_start3A_111 : memref<1x1x128xi32, #tpu.memory_space<hbm>>) target(%dma_start3A_108 : memref<1x1x128xi32, #tpu.memory_space<vmem>>) target_semaphore(%run_scoped3A_95 : memref<!tpu.dma_semaphore, #tpu.memory_space<semaphore_mem>>)
          %dma_wait3A_112 = arith.constant 0 : i32
          %dma_wait3A_113 = arith.constant 0 : i32
          %dma_wait3A_114 = arith.constant 0 : i32
          %dma_wait3A_115 = tpu.memref_slice %arg8[%run_scoped3A_73, %dma_wait3A_112, %dma_wait3A_113, %dma_wait3A_114] : memref<2x6x1x128xi32, #tpu.memory_space<vmem>> -> memref<1x1x1x128xi32, #tpu.memory_space<vmem>>
          %dma_wait3A_116 = tpu.memref_squeeze %dma_wait3A_115 : memref<1x1x1x128xi32, #tpu.memory_space<vmem>> -> memref<1x1x128xi32, #tpu.memory_space<vmem>>
          %dma_wait3A_117 = arith.constant 0 : i32
          %dma_wait3A_118 = arith.constant 0 : i32
          %dma_wait3A_119 = tpu.memref_slice %arg2[%add3A_72, %dma_wait3A_117, %dma_wait3A_118] : memref<1250x1x128xi32, #tpu.memory_space<hbm>> -> memref<1x1x128xi32, #tpu.memory_space<hbm>>
          %dma_wait3A_120 = arith.constant 0 : i32
          %dma_wait3A_121 = arith.constant 0 : i32
          %dma_wait3A_122 = arith.constant 0 : i32
          %dma_wait3A_123 = tpu.memref_slice %arg8[%run_scoped3A_73, %dma_wait3A_120, %dma_wait3A_121, %dma_wait3A_122] : memref<2x6x1x128xi32, #tpu.memory_space<vmem>> -> memref<1x1x1x128xi32, #tpu.memory_space<vmem>>
          %dma_wait3A_124 = tpu.memref_squeeze %dma_wait3A_123 : memref<1x1x1x128xi32, #tpu.memory_space<vmem>> -> memref<1x1x128xi32, #tpu.memory_space<vmem>>
          %dma_wait3A_125 = arith.constant 0 : i32
          %dma_wait3A_126 = arith.constant 0 : i32
          %dma_wait3A_127 = tpu.memref_slice %arg2[%add3A_72, %dma_wait3A_125, %dma_wait3A_126] : memref<1250x1x128xi32, #tpu.memory_space<hbm>> -> memref<1x1x128xi32, #tpu.memory_space<hbm>>
          tpu.wait_dma2 semaphore(%run_scoped3A_95 : memref<!tpu.dma_semaphore, #tpu.memory_space<semaphore_mem>>) src(%dma_wait3A_127 : memref<1x1x128xi32, #tpu.memory_space<hbm>>) dst(%dma_wait3A_124 : memref<1x1x128xi32, #tpu.memory_space<vmem>>)
          tpu.yield
        }) : () -> ()
        %run_scoped3A_74 = arith.constant 0 : i32
        "tpu.region"() ({
          %run_scoped3A_95 = tpu.sem_alloc : memref<!tpu.dma_semaphore, #tpu.memory_space<semaphore_mem>>
          %dma_start3A_96 = arith.constant 0 : i32
          %dma_start3A_97 = arith.constant 0 : i32
          %dma_start3A_98 = arith.constant 0 : i32
          %dma_start3A_99 = tpu.memref_slice %arg9[%run_scoped3A_74, %dma_start3A_96, %dma_start3A_97, %dma_start3A_98] : memref<2x6x1x128xi32, #tpu.memory_space<vmem>> -> memref<1x1x1x128xi32, #tpu.memory_space<vmem>>
          %dma_start3A_100 = tpu.memref_squeeze %dma_start3A_99 : memref<1x1x1x128xi32, #tpu.memory_space<vmem>> -> memref<1x1x128xi32, #tpu.memory_space<vmem>>
          %dma_start3A_101 = arith.constant 0 : i32
          %dma_start3A_102 = arith.constant 0 : i32
          %dma_start3A_103 = tpu.memref_slice %arg3[%add3A_72, %dma_start3A_101, %dma_start3A_102] : memref<1250x1x128xi32, #tpu.memory_space<hbm>> -> memref<1x1x128xi32, #tpu.memory_space<hbm>>
          %dma_start3A_104 = arith.constant 0 : i32
          %dma_start3A_105 = arith.constant 0 : i32
          %dma_start3A_106 = arith.constant 0 : i32
          %dma_start3A_107 = tpu.memref_slice %arg9[%run_scoped3A_74, %dma_start3A_104, %dma_start3A_105, %dma_start3A_106] : memref<2x6x1x128xi32, #tpu.memory_space<vmem>> -> memref<1x1x1x128xi32, #tpu.memory_space<vmem>>
          %dma_start3A_108 = tpu.memref_squeeze %dma_start3A_107 : memref<1x1x1x128xi32, #tpu.memory_space<vmem>> -> memref<1x1x128xi32, #tpu.memory_space<vmem>>
          %dma_start3A_109 = arith.constant 0 : i32
          %dma_start3A_110 = arith.constant 0 : i32
          %dma_start3A_111 = tpu.memref_slice %arg3[%add3A_72, %dma_start3A_109, %dma_start3A_110] : memref<1250x1x128xi32, #tpu.memory_space<hbm>> -> memref<1x1x128xi32, #tpu.memory_space<hbm>>
          tpu.enqueue_dma source(%dma_start3A_111 : memref<1x1x128xi32, #tpu.memory_space<hbm>>) target(%dma_start3A_108 : memref<1x1x128xi32, #tpu.memory_space<vmem>>) target_semaphore(%run_scoped3A_95 : memref<!tpu.dma_semaphore, #tpu.memory_space<semaphore_mem>>)
          %dma_wait3A_112 = arith.constant 0 : i32
          %dma_wait3A_113 = arith.constant 0 : i32
          %dma_wait3A_114 = arith.constant 0 : i32
          %dma_wait3A_115 = tpu.memref_slice %arg9[%run_scoped3A_74, %dma_wait3A_112, %dma_wait3A_113, %dma_wait3A_114] : memref<2x6x1x128xi32, #tpu.memory_space<vmem>> -> memref<1x1x1x128xi32, #tpu.memory_space<vmem>>
          %dma_wait3A_116 = tpu.memref_squeeze %dma_wait3A_115 : memref<1x1x1x128xi32, #tpu.memory_space<vmem>> -> memref<1x1x128xi32, #tpu.memory_space<vmem>>
          %dma_wait3A_117 = arith.constant 0 : i32
          %dma_wait3A_118 = arith.constant 0 : i32
          %dma_wait3A_119 = tpu.memref_slice %arg3[%add3A_72, %dma_wait3A_117, %dma_wait3A_118] : memref<1250x1x128xi32, #tpu.memory_space<hbm>> -> memref<1x1x128xi32, #tpu.memory_space<hbm>>
          %dma_wait3A_120 = arith.constant 0 : i32
          %dma_wait3A_121 = arith.constant 0 : i32
          %dma_wait3A_122 = arith.constant 0 : i32
          %dma_wait3A_123 = tpu.memref_slice %arg9[%run_scoped3A_74, %dma_wait3A_120, %dma_wait3A_121, %dma_wait3A_122] : memref<2x6x1x128xi32, #tpu.memory_space<vmem>> -> memref<1x1x1x128xi32, #tpu.memory_space<vmem>>
          %dma_wait3A_124 = tpu.memref_squeeze %dma_wait3A_123 : memref<1x1x1x128xi32, #tpu.memory_space<vmem>> -> memref<1x1x128xi32, #tpu.memory_space<vmem>>
          %dma_wait3A_125 = arith.constant 0 : i32
          %dma_wait3A_126 = arith.constant 0 : i32
          %dma_wait3A_127 = tpu.memref_slice %arg3[%add3A_72, %dma_wait3A_125, %dma_wait3A_126] : memref<1250x1x128xi32, #tpu.memory_space<hbm>> -> memref<1x1x128xi32, #tpu.memory_space<hbm>>
          tpu.wait_dma2 semaphore(%run_scoped3A_95 : memref<!tpu.dma_semaphore, #tpu.memory_space<semaphore_mem>>) src(%dma_wait3A_127 : memref<1x1x128xi32, #tpu.memory_space<hbm>>) dst(%dma_wait3A_124 : memref<1x1x128xi32, #tpu.memory_space<vmem>>)
          tpu.yield
        }) : () -> ()
        %dma_start3A_75 = arith.constant 0 : i32
        %dma_start3A_76 = arith.constant 0 : i32
        %dma_start3A_77 = arith.constant 0 : i32
        %dma_start3A_78 = arith.constant 0 : i32
        %dma_start3A_79 = tpu.memref_slice %arg8[%dma_start3A_75, %dma_start3A_76, %dma_start3A_77, %dma_start3A_78] : memref<2x6x1x128xi32, #tpu.memory_space<vmem>> -> memref<1x1x1x128xi32, #tpu.memory_space<vmem>>
        %dma_start3A_80 = tpu.memref_squeeze %dma_start3A_79 : memref<1x1x1x128xi32, #tpu.memory_space<vmem>> -> memref<128xi32, #tpu.memory_space<vmem>>
        %dma_start3A_81 = arith.constant 0 : i32
        %dma_start3A_82 = arith.constant 0 : i32
        %dma_start3A_83 = tpu.memref_slice %arg5[%dma_start3A_81, %dma_start3A_82] : memref<10000x128xf32, #tpu.memory_space<hbm>> -> memref<10000x128xf32, #tpu.memory_space<hbm>>
        tpu.enqueue_indirect_dma source(%dma_start3A_83 : memref<10000x128xf32, #tpu.memory_space<hbm>>) target(%arg10 : memref<128x128xf32, #tpu.memory_space<vmem>>) offsets(%dma_start3A_80 : memref<128xi32, #tpu.memory_space<vmem>>) semaphore(%arg13 : memref<!tpu.dma_semaphore, #tpu.memory_space<semaphore_mem>>)
        %dma_wait3A = arith.constant 0 : i32
        %dma_wait3A_84 = arith.constant 0 : i32
        %dma_wait3A_85 = arith.constant 0 : i32
        %dma_wait3A_86 = arith.constant 0 : i32
        %dma_wait3A_87 = tpu.memref_slice %arg8[%dma_wait3A, %dma_wait3A_84, %dma_wait3A_85, %dma_wait3A_86] : memref<2x6x1x128xi32, #tpu.memory_space<vmem>> -> memref<1x1x1x128xi32, #tpu.memory_space<vmem>>
        %dma_wait3A_88 = tpu.memref_squeeze %dma_wait3A_87 : memref<1x1x1x128xi32, #tpu.memory_space<vmem>> -> memref<128xi32, #tpu.memory_space<vmem>>
        %dma_wait3A_89 = arith.constant 0 : i32
        %dma_wait3A_90 = arith.constant 0 : i32
        %dma_wait3A_91 = tpu.memref_slice %arg5[%dma_wait3A_89, %dma_wait3A_90] : memref<10000x128xf32, #tpu.memory_space<hbm>> -> memref<10000x128xf32, #tpu.memory_space<hbm>>
        tpu.wait_indirect_dma semaphore(%arg13 : memref<!tpu.dma_semaphore, #tpu.memory_space<semaphore_mem>>) src(%dma_wait3A_91 : memref<10000x128xf32, #tpu.memory_space<hbm>>) dst(%arg10 : memref<128x128xf32, #tpu.memory_space<vmem>>)
        %run_scoped3A_92 = arith.constant 0 : i32
        %run_scoped3A_93 = arith.constant 0 : i32
        %run_scoped3A_94 = arith.constant 0 : i32
        "tpu.region"() ({
          %run_scoped3A_95 = tpu.sem_alloc : memref<!tpu.dma_semaphore, #tpu.memory_space<semaphore_mem>>
          %dma_start3A_96 = arith.constant 0 : i32
          %dma_start3A_97 = tpu.memref_slice %arg9[%run_scoped3A_92, %run_scoped3A_93, %run_scoped3A_94, %dma_start3A_96] : memref<2x6x1x128xi32, #tpu.memory_space<vmem>> -> memref<1x1x1x128xi32, #tpu.memory_space<vmem>>
          %dma_start3A_98 = tpu.memref_squeeze %dma_start3A_97 : memref<1x1x1x128xi32, #tpu.memory_space<vmem>> -> memref<128xi32, #tpu.memory_space<vmem>>
          %dma_start3A_99 = arith.constant 0 : i32
          %dma_start3A_100 = arith.constant 0 : i32
          %dma_start3A_101 = tpu.memref_slice %arg12[%dma_start3A_99, %dma_start3A_100] : memref<10240x128xf32, #tpu.memory_space<vmem_shared>> -> memref<10240x128xf32, #tpu.memory_space<vmem_shared>>
          tpu.enqueue_indirect_dma source(%arg10 : memref<128x128xf32, #tpu.memory_space<vmem>>) target(%dma_start3A_101 : memref<10240x128xf32, #tpu.memory_space<vmem_shared>>) offsets(%dma_start3A_98 : memref<128xi32, #tpu.memory_space<vmem>>) semaphore(%run_scoped3A_95 : memref<!tpu.dma_semaphore, #tpu.memory_space<semaphore_mem>>) {add = true}
          %dma_wait3A_102 = arith.constant 0 : i32
          %dma_wait3A_103 = tpu.memref_slice %arg9[%run_scoped3A_92, %run_scoped3A_93, %run_scoped3A_94, %dma_wait3A_102] : memref<2x6x1x128xi32, #tpu.memory_space<vmem>> -> memref<1x1x1x128xi32, #tpu.memory_space<vmem>>
          %dma_wait3A_104 = tpu.memref_squeeze %dma_wait3A_103 : memref<1x1x1x128xi32, #tpu.memory_space<vmem>> -> memref<128xi32, #tpu.memory_space<vmem>>
          %dma_wait3A_105 = arith.constant 0 : i32
          %dma_wait3A_106 = arith.constant 0 : i32
          %dma_wait3A_107 = tpu.memref_slice %arg12[%dma_wait3A_105, %dma_wait3A_106] : memref<10240x128xf32, #tpu.memory_space<vmem_shared>> -> memref<10240x128xf32, #tpu.memory_space<vmem_shared>>
          tpu.wait_indirect_dma semaphore(%run_scoped3A_95 : memref<!tpu.dma_semaphore, #tpu.memory_space<semaphore_mem>>) src(%arg10 : memref<128x128xf32, #tpu.memory_space<vmem>>) dst(%dma_wait3A_107 : memref<10240x128xf32, #tpu.memory_space<vmem_shared>>)
          tpu.yield
        }) : () -> ()
      } else {
      }
    } else {
    }
    %barrier3A_10 = arith.constant 0 : index
    tpu.barrier barrier_id(%barrier3A_10)
    "tpu.region"() ({
      %run_scoped3A = tpu.sem_alloc : memref<!tpu.dma_semaphore, #tpu.memory_space<semaphore_mem>>
      %dma_start3A = arith.constant 0 : i32
      %dma_start3A_11 = tpu.memref_slice %arg7[%arg0, %mul3A_0, %dma_start3A] : memref<2x10240x128xf32, #tpu.memory_space<hbm>> -> memref<1x640x128xf32, #tpu.memory_space<hbm>>
      %dma_start3A_12 = tpu.memref_squeeze %dma_start3A_11 : memref<1x640x128xf32, #tpu.memory_space<hbm>> -> memref<640x128xf32, #tpu.memory_space<hbm>>
      %dma_start3A_13 = arith.constant 0 : i32
      %dma_start3A_14 = tpu.memref_slice %arg12[%mul3A_0, %dma_start3A_13] : memref<10240x128xf32, #tpu.memory_space<vmem_shared>> -> memref<640x128xf32, #tpu.memory_space<vmem_shared>>
      tpu.enqueue_dma source(%dma_start3A_14 : memref<640x128xf32, #tpu.memory_space<vmem_shared>>) target(%dma_start3A_12 : memref<640x128xf32, #tpu.memory_space<hbm>>) target_semaphore(%run_scoped3A : memref<!tpu.dma_semaphore, #tpu.memory_space<semaphore_mem>>)
      %dma_wait3A = arith.constant 0 : i32
      %dma_wait3A_15 = tpu.memref_slice %arg7[%arg0, %mul3A_0, %dma_wait3A] : memref<2x10240x128xf32, #tpu.memory_space<hbm>> -> memref<1x640x128xf32, #tpu.memory_space<hbm>>
      %dma_wait3A_16 = tpu.memref_squeeze %dma_wait3A_15 : memref<1x640x128xf32, #tpu.memory_space<hbm>> -> memref<640x128xf32, #tpu.memory_space<hbm>>
      %dma_wait3A_17 = arith.constant 0 : i32
      %dma_wait3A_18 = tpu.memref_slice %arg12[%mul3A_0, %dma_wait3A_17] : memref<10240x128xf32, #tpu.memory_space<vmem_shared>> -> memref<640x128xf32, #tpu.memory_space<vmem_shared>>
      tpu.wait_dma2 semaphore(%run_scoped3A : memref<!tpu.dma_semaphore, #tpu.memory_space<semaphore_mem>>) src(%dma_wait3A_18 : memref<640x128xf32, #tpu.memory_space<vmem_shared>>) dst(%dma_wait3A_16 : memref<640x128xf32, #tpu.memory_space<hbm>>)
      tpu.yield
    }) : () -> ()
    return
  }
}

#map = affine_map<(d0, d1) -> (0, 0, 0)>
#map1 = affine_map<(d0, d1) -> (0, 0)>
module attributes {stable_mosaic.version = 14 : i64} {
  func.func @_sc_degree(%arg0: i32, %arg1: i32, %arg2: memref<1250x1x128xi32, #tpu.memory_space<hbm>>, %arg3: memref<10240x128xf32, #tpu.memory_space<hbm>>, %arg4: memref<2x10240x128xf32, #tpu.memory_space<hbm>>, %arg5: memref<40x1x128xi32, #tpu.memory_space<vmem>>, %arg6: memref<128x128xf32, #tpu.memory_space<vmem>>, %arg7: memref<10240x128xf32, #tpu.memory_space<vmem_shared>>, %arg8: memref<!tpu.dma_semaphore, #tpu.memory_space<semaphore_mem>>) attributes {dimension_semantics = [#tpu.dimension_semantics<core_parallel>, #tpu.dimension_semantics<subcore_parallel>], iteration_bounds = array<i64: 2, 16>, scalar_prefetch = 0 : i64, scratch_operands = 4 : i64, tpu.core_type = #tpu.core_type<sc_vector_subcore>, window_params = [{transform_indices = #map}, {transform_indices = #map1}, {transform_indices = #map}]} {
    %scan3A = arith.constant 0 : i32
    %scan3A_0 = arith.constant 0 : i32
    %scan3A_1 = arith.constant 128 : i32
    %scan3A_2 = arith.addi %scan3A_0, %scan3A_1 : i32
    %scan3A_3 = arith.constant 1 : i32
    %scan3A_4 = scf.for %scan3A_40 = %scan3A_0 to %scan3A_2 step %scan3A_3 iter_args(%scan3A_41 = %scan3A) -> (i32)  : i32 {
      %scan3A_42 = arith.constant 0 : i32
      %scan3A_43 = arith.constant 0 : i32
      %scan3A_44 = arith.constant 8 : i32
      %scan3A_45 = arith.addi %scan3A_43, %scan3A_44 : i32
      %scan3A_46 = arith.constant 1 : i32
      %scan3A_47 = scf.for %scan3A_50 = %scan3A_43 to %scan3A_45 step %scan3A_46 iter_args(%scan3A_51 = %scan3A_42) -> (i32)  : i32 {
        %broadcast_in_dim3A = arith.constant 1.000000e+00 : f32
        %broadcast_in_dim3A_52 = vector.broadcast %broadcast_in_dim3A : f32 to vector<16xf32>
        %mul3A_53 = arith.constant 16 : i32
        %mul3A_54 = arith.muli %scan3A_50, %mul3A_53 : i32
        %swap3A = arith.index_cast %scan3A_40 : i32 to index
        %swap3A_55 = arith.index_cast %mul3A_54 : i32 to index
        %swap3A_56 = tpu.vector_load %arg6[%swap3A, %swap3A_55] {strides = array<i32>} : memref<128x128xf32, #tpu.memory_space<vmem>>, vector<1x16xf32>,
        %swap3A_57 = vector.shape_cast %swap3A_56 : vector<1x16xf32> to vector<16xf32>
        %swap3A_58 = vector.shape_cast %broadcast_in_dim3A_52 : vector<16xf32> to vector<1x16xf32>
        tpu.vector_store %arg6[%swap3A, %swap3A_55], %swap3A_58 {strides = array<i32>} : memref<128x128xf32, #tpu.memory_space<vmem>>, vector<1x16xf32>,
        %scan3A_59 = arith.constant 0 : i32
        scf.yield %scan3A_59 : i32
      }
      %scan3A_48 = arith.constant 8 : i32
      %scan3A_49 = arith.constant 0 : i32
      scf.yield %scan3A_49 : i32
    }
    %scan3A_5 = arith.constant 128 : i32
    %mul3A = arith.constant 640 : i32
    %mul3A_6 = arith.muli %arg1, %mul3A : i32
    "tpu.region"() ({
      %run_scoped3A = tpu.sem_alloc : memref<!tpu.dma_semaphore, #tpu.memory_space<semaphore_mem>>
      %dma_start3A = arith.constant 0 : i32
      %dma_start3A_40 = tpu.memref_slice %arg7[%mul3A_6, %dma_start3A] : memref<10240x128xf32, #tpu.memory_space<vmem_shared>> -> memref<640x128xf32, #tpu.memory_space<vmem_shared>>
      %dma_start3A_41 = arith.constant 0 : i32
      %dma_start3A_42 = tpu.memref_slice %arg3[%mul3A_6, %dma_start3A_41] : memref<10240x128xf32, #tpu.memory_space<hbm>> -> memref<640x128xf32, #tpu.memory_space<hbm>>
      tpu.enqueue_dma source(%dma_start3A_42 : memref<640x128xf32, #tpu.memory_space<hbm>>) target(%dma_start3A_40 : memref<640x128xf32, #tpu.memory_space<vmem_shared>>) target_semaphore(%run_scoped3A : memref<!tpu.dma_semaphore, #tpu.memory_space<semaphore_mem>>)
      %dma_wait3A = arith.constant 0 : i32
      %dma_wait3A_43 = tpu.memref_slice %arg7[%mul3A_6, %dma_wait3A] : memref<10240x128xf32, #tpu.memory_space<vmem_shared>> -> memref<640x128xf32, #tpu.memory_space<vmem_shared>>
      %dma_wait3A_44 = arith.constant 0 : i32
      %dma_wait3A_45 = tpu.memref_slice %arg3[%mul3A_6, %dma_wait3A_44] : memref<10240x128xf32, #tpu.memory_space<hbm>> -> memref<640x128xf32, #tpu.memory_space<hbm>>
      tpu.wait_dma2 semaphore(%run_scoped3A : memref<!tpu.dma_semaphore, #tpu.memory_space<semaphore_mem>>) src(%dma_wait3A_45 : memref<640x128xf32, #tpu.memory_space<hbm>>) dst(%dma_wait3A_43 : memref<640x128xf32, #tpu.memory_space<vmem_shared>>)
      tpu.yield
    }) : () -> ()
    %mul3A_7 = arith.constant 625 : i32
    %mul3A_8 = arith.muli %arg0, %mul3A_7 : i32
    %mul3A_9 = arith.constant 39 : i32
    %mul3A_10 = arith.muli %arg1, %mul3A_9 : i32
    %add3A = arith.addi %mul3A_8, %mul3A_10 : i32
    %lt3A = arith.constant 1 : i32
    %lt3A_11 = arith.cmpi slt, %arg1, %lt3A : i32
    %jit3A = arith.constant 40 : i32
    %jit3A_12 = arith.constant 39 : i32
    %select_n3A = arith.select %lt3A_11, %jit3A, %jit3A_12 : i32
    "tpu.region"() ({
      %run_scoped3A = tpu.sem_alloc : memref<!tpu.dma_semaphore, #tpu.memory_space<semaphore_mem>>
      %dma_start3A = arith.constant 0 : i32
      %dma_start3A_40 = arith.constant 0 : i32
      %dma_start3A_41 = arith.constant 0 : i32
      %dma_start3A_42 = tpu.memref_slice %arg5[%dma_start3A, %dma_start3A_40, %dma_start3A_41] : memref<40x1x128xi32, #tpu.memory_space<vmem>> -> memref<39x1x128xi32, #tpu.memory_space<vmem>>
      %dma_start3A_43 = arith.constant 0 : i32
      %dma_start3A_44 = arith.constant 0 : i32
      %dma_start3A_45 = tpu.memref_slice %arg2[%add3A, %dma_start3A_43, %dma_start3A_44] : memref<1250x1x128xi32, #tpu.memory_space<hbm>> -> memref<39x1x128xi32, #tpu.memory_space<hbm>>
      %dma_start3A_46 = arith.constant 0 : i32
      %dma_start3A_47 = arith.constant 0 : i32
      %dma_start3A_48 = arith.constant 0 : i32
      %dma_start3A_49 = tpu.memref_slice %arg5[%dma_start3A_46, %dma_start3A_47, %dma_start3A_48] : memref<40x1x128xi32, #tpu.memory_space<vmem>> -> memref<39x1x128xi32, #tpu.memory_space<vmem>>
      %dma_start3A_50 = arith.constant 0 : i32
      %dma_start3A_51 = arith.constant 0 : i32
      %dma_start3A_52 = tpu.memref_slice %arg2[%add3A, %dma_start3A_50, %dma_start3A_51] : memref<1250x1x128xi32, #tpu.memory_space<hbm>> -> memref<39x1x128xi32, #tpu.memory_space<hbm>>
      tpu.enqueue_dma source(%dma_start3A_52 : memref<39x1x128xi32, #tpu.memory_space<hbm>>) target(%dma_start3A_49 : memref<39x1x128xi32, #tpu.memory_space<vmem>>) target_semaphore(%run_scoped3A : memref<!tpu.dma_semaphore, #tpu.memory_space<semaphore_mem>>)
      %dma_wait3A = arith.constant 0 : i32
      %dma_wait3A_53 = arith.constant 0 : i32
      %dma_wait3A_54 = arith.constant 0 : i32
      %dma_wait3A_55 = tpu.memref_slice %arg5[%dma_wait3A, %dma_wait3A_53, %dma_wait3A_54] : memref<40x1x128xi32, #tpu.memory_space<vmem>> -> memref<39x1x128xi32, #tpu.memory_space<vmem>>
      %dma_wait3A_56 = arith.constant 0 : i32
      %dma_wait3A_57 = arith.constant 0 : i32
      %dma_wait3A_58 = tpu.memref_slice %arg2[%add3A, %dma_wait3A_56, %dma_wait3A_57] : memref<1250x1x128xi32, #tpu.memory_space<hbm>> -> memref<39x1x128xi32, #tpu.memory_space<hbm>>
      %dma_wait3A_59 = arith.constant 0 : i32
      %dma_wait3A_60 = arith.constant 0 : i32
      %dma_wait3A_61 = arith.constant 0 : i32
      %dma_wait3A_62 = tpu.memref_slice %arg5[%dma_wait3A_59, %dma_wait3A_60, %dma_wait3A_61] : memref<40x1x128xi32, #tpu.memory_space<vmem>> -> memref<39x1x128xi32, #tpu.memory_space<vmem>>
      %dma_wait3A_63 = arith.constant 0 : i32
      %dma_wait3A_64 = arith.constant 0 : i32
      %dma_wait3A_65 = tpu.memref_slice %arg2[%add3A, %dma_wait3A_63, %dma_wait3A_64] : memref<1250x1x128xi32, #tpu.memory_space<hbm>> -> memref<39x1x128xi32, #tpu.memory_space<hbm>>
      tpu.wait_dma2 semaphore(%run_scoped3A : memref<!tpu.dma_semaphore, #tpu.memory_space<semaphore_mem>>) src(%dma_wait3A_65 : memref<39x1x128xi32, #tpu.memory_space<hbm>>) dst(%dma_wait3A_62 : memref<39x1x128xi32, #tpu.memory_space<vmem>>)
      tpu.yield
    }) : () -> ()
    %lt3A_13 = arith.constant 1 : i32
    %lt3A_14 = arith.cmpi slt, %arg1, %lt3A_13 : i32
    %convert_element_type3A = arith.extui %lt3A_14 : i1 to i32
    %cond3A = arith.constant 0 : i32
    %cond3A_15 = arith.cmpi ne, %convert_element_type3A, %cond3A : i32
    scf.if %cond3A_15 {
      %mul3A_40 = arith.constant 625 : i32
      %mul3A_41 = arith.muli %arg0, %mul3A_40 : i32
      %add3A_42 = arith.constant 624 : i32
      %add3A_43 = arith.addi %mul3A_41, %add3A_42 : i32
      %add3A_44 = arith.addi %add3A_43, %arg1 : i32
      "tpu.region"() ({
        %run_scoped3A = tpu.sem_alloc : memref<!tpu.dma_semaphore, #tpu.memory_space<semaphore_mem>>
        %dma_start3A = arith.constant 39 : i32
        %dma_start3A_45 = arith.constant 0 : i32
        %dma_start3A_46 = arith.constant 0 : i32
        %dma_start3A_47 = tpu.memref_slice %arg5[%dma_start3A, %dma_start3A_45, %dma_start3A_46] : memref<40x1x128xi32, #tpu.memory_space<vmem>> -> memref<1x1x128xi32, #tpu.memory_space<vmem>>
        %dma_start3A_48 = arith.constant 0 : i32
        %dma_start3A_49 = arith.constant 0 : i32
        %dma_start3A_50 = tpu.memref_slice %arg2[%add3A_44, %dma_start3A_48, %dma_start3A_49] : memref<1250x1x128xi32, #tpu.memory_space<hbm>> -> memref<1x1x128xi32, #tpu.memory_space<hbm>>
        %dma_start3A_51 = arith.constant 39 : i32
        %dma_start3A_52 = arith.constant 0 : i32
        %dma_start3A_53 = arith.constant 0 : i32
        %dma_start3A_54 = tpu.memref_slice %arg5[%dma_start3A_51, %dma_start3A_52, %dma_start3A_53] : memref<40x1x128xi32, #tpu.memory_space<vmem>> -> memref<1x1x128xi32, #tpu.memory_space<vmem>>
        %dma_start3A_55 = arith.constant 0 : i32
        %dma_start3A_56 = arith.constant 0 : i32
        %dma_start3A_57 = tpu.memref_slice %arg2[%add3A_44, %dma_start3A_55, %dma_start3A_56] : memref<1250x1x128xi32, #tpu.memory_space<hbm>> -> memref<1x1x128xi32, #tpu.memory_space<hbm>>
        tpu.enqueue_dma source(%dma_start3A_57 : memref<1x1x128xi32, #tpu.memory_space<hbm>>) target(%dma_start3A_54 : memref<1x1x128xi32, #tpu.memory_space<vmem>>) target_semaphore(%run_scoped3A : memref<!tpu.dma_semaphore, #tpu.memory_space<semaphore_mem>>)
        %dma_wait3A = arith.constant 39 : i32
        %dma_wait3A_58 = arith.constant 0 : i32
        %dma_wait3A_59 = arith.constant 0 : i32
        %dma_wait3A_60 = tpu.memref_slice %arg5[%dma_wait3A, %dma_wait3A_58, %dma_wait3A_59] : memref<40x1x128xi32, #tpu.memory_space<vmem>> -> memref<1x1x128xi32, #tpu.memory_space<vmem>>
        %dma_wait3A_61 = arith.constant 0 : i32
        %dma_wait3A_62 = arith.constant 0 : i32
        %dma_wait3A_63 = tpu.memref_slice %arg2[%add3A_44, %dma_wait3A_61, %dma_wait3A_62] : memref<1250x1x128xi32, #tpu.memory_space<hbm>> -> memref<1x1x128xi32, #tpu.memory_space<hbm>>
        %dma_wait3A_64 = arith.constant 39 : i32
        %dma_wait3A_65 = arith.constant 0 : i32
        %dma_wait3A_66 = arith.constant 0 : i32
        %dma_wait3A_67 = tpu.memref_slice %arg5[%dma_wait3A_64, %dma_wait3A_65, %dma_wait3A_66] : memref<40x1x128xi32, #tpu.memory_space<vmem>> -> memref<1x1x128xi32, #tpu.memory_space<vmem>>
        %dma_wait3A_68 = arith.constant 0 : i32
        %dma_wait3A_69 = arith.constant 0 : i32
        %dma_wait3A_70 = tpu.memref_slice %arg2[%add3A_44, %dma_wait3A_68, %dma_wait3A_69] : memref<1250x1x128xi32, #tpu.memory_space<hbm>> -> memref<1x1x128xi32, #tpu.memory_space<hbm>>
        tpu.wait_dma2 semaphore(%run_scoped3A : memref<!tpu.dma_semaphore, #tpu.memory_space<semaphore_mem>>) src(%dma_wait3A_70 : memref<1x1x128xi32, #tpu.memory_space<hbm>>) dst(%dma_wait3A_67 : memref<1x1x128xi32, #tpu.memory_space<vmem>>)
        tpu.yield
      }) : () -> ()
    } else {
    }
    %barrier3A = arith.constant 0 : index
    tpu.barrier barrier_id(%barrier3A)
    %while3A = arith.constant 0 : i32
    %while3A_16 = arith.constant 0 : i32
    %while3A_17 = arith.subi %select_n3A, %while3A : i32
    %while3A_18 = arith.addi %while3A, %while3A_17 : i32
    %while3A_19 = arith.constant 1 : i32
    %while3A_20 = arith.divsi %while3A_17, %while3A_19 : i32
    %while3A_21 = arith.muli %while3A_20, %while3A_19 : i32
    %while3A_22 = arith.addi %while3A, %while3A_21 : i32
    %while3A_23 = arith.constant 1 : i32
    %while3A_24 = scf.for %while3A_40 = %while3A to %while3A_22 step %while3A_23 iter_args(%while3A_41 = %while3A_16) -> (i32)  : i32 {
      %dma_start3A = arith.constant 0 : i32
      %dma_start3A_42 = arith.constant 0 : i32
      %dma_start3A_43 = tpu.memref_slice %arg5[%while3A_40, %dma_start3A, %dma_start3A_42] : memref<40x1x128xi32, #tpu.memory_space<vmem>> -> memref<1x1x128xi32, #tpu.memory_space<vmem>>
      %dma_start3A_44 = tpu.memref_squeeze %dma_start3A_43 : memref<1x1x128xi32, #tpu.memory_space<vmem>> -> memref<128xi32, #tpu.memory_space<vmem>>
      %dma_start3A_45 = arith.constant 0 : i32
      %dma_start3A_46 = arith.constant 0 : i32
      %dma_start3A_47 = tpu.memref_slice %arg7[%dma_start3A_45, %dma_start3A_46] : memref<10240x128xf32, #tpu.memory_space<vmem_shared>> -> memref<10240x128xf32, #tpu.memory_space<vmem_shared>>
      tpu.enqueue_indirect_dma source(%arg6 : memref<128x128xf32, #tpu.memory_space<vmem>>) target(%dma_start3A_47 : memref<10240x128xf32, #tpu.memory_space<vmem_shared>>) offsets(%dma_start3A_44 : memref<128xi32, #tpu.memory_space<vmem>>) semaphore(%arg8 : memref<!tpu.dma_semaphore, #tpu.memory_space<semaphore_mem>>) {add = true}
      %while3A_48 = arith.constant 0 : i32
      scf.yield %while3A_48 : i32
    }
    %while3A_25 = arith.constant 1 : i32
    %while3A_26 = scf.for %while3A_40 = %while3A_22 to %while3A_18 step %while3A_25 iter_args(%while3A_41 = %while3A_24) -> (i32)  : i32 {
      %dma_start3A = arith.constant 0 : i32
      %dma_start3A_42 = arith.constant 0 : i32
      %dma_start3A_43 = tpu.memref_slice %arg5[%while3A_40, %dma_start3A, %dma_start3A_42] : memref<40x1x128xi32, #tpu.memory_space<vmem>> -> memref<1x1x128xi32, #tpu.memory_space<vmem>>
      %dma_start3A_44 = tpu.memref_squeeze %dma_start3A_43 : memref<1x1x128xi32, #tpu.memory_space<vmem>> -> memref<128xi32, #tpu.memory_space<vmem>>
      %dma_start3A_45 = arith.constant 0 : i32
      %dma_start3A_46 = arith.constant 0 : i32
      %dma_start3A_47 = tpu.memref_slice %arg7[%dma_start3A_45, %dma_start3A_46] : memref<10240x128xf32, #tpu.memory_space<vmem_shared>> -> memref<10240x128xf32, #tpu.memory_space<vmem_shared>>
      tpu.enqueue_indirect_dma source(%arg6 : memref<128x128xf32, #tpu.memory_space<vmem>>) target(%dma_start3A_47 : memref<10240x128xf32, #tpu.memory_space<vmem_shared>>) offsets(%dma_start3A_44 : memref<128xi32, #tpu.memory_space<vmem>>) semaphore(%arg8 : memref<!tpu.dma_semaphore, #tpu.memory_space<semaphore_mem>>) {add = true}
      %while3A_48 = arith.constant 0 : i32
      scf.yield %while3A_48 : i32
    }
    %while3A_27 = arith.constant 0 : i32
    %while3A_28 = arith.constant 0 : i32
    %while3A_29 = arith.subi %select_n3A, %while3A_27 : i32
    %while3A_30 = arith.addi %while3A_27, %while3A_29 : i32
    %while3A_31 = arith.constant 1 : i32
    %while3A_32 = arith.divsi %while3A_29, %while3A_31 : i32
    %while3A_33 = arith.muli %while3A_32, %while3A_31 : i32
    %while3A_34 = arith.addi %while3A_27, %while3A_33 : i32
    %while3A_35 = arith.constant 1 : i32
    %while3A_36 = scf.for %while3A_40 = %while3A_27 to %while3A_34 step %while3A_35 iter_args(%while3A_41 = %while3A_28) -> (i32)  : i32 {
      %dma_wait3A = arith.constant 0 : i32
      %dma_wait3A_42 = arith.constant 0 : i32
      %dma_wait3A_43 = tpu.memref_slice %arg5[%while3A_40, %dma_wait3A, %dma_wait3A_42] : memref<40x1x128xi32, #tpu.memory_space<vmem>> -> memref<1x1x128xi32, #tpu.memory_space<vmem>>
      %dma_wait3A_44 = tpu.memref_squeeze %dma_wait3A_43 : memref<1x1x128xi32, #tpu.memory_space<vmem>> -> memref<128xi32, #tpu.memory_space<vmem>>
      %dma_wait3A_45 = arith.constant 0 : i32
      %dma_wait3A_46 = arith.constant 0 : i32
      %dma_wait3A_47 = tpu.memref_slice %arg7[%dma_wait3A_45, %dma_wait3A_46] : memref<10240x128xf32, #tpu.memory_space<vmem_shared>> -> memref<10240x128xf32, #tpu.memory_space<vmem_shared>>
      tpu.wait_indirect_dma semaphore(%arg8 : memref<!tpu.dma_semaphore, #tpu.memory_space<semaphore_mem>>) src(%arg6 : memref<128x128xf32, #tpu.memory_space<vmem>>) dst(%dma_wait3A_47 : memref<10240x128xf32, #tpu.memory_space<vmem_shared>>)
      %while3A_48 = arith.constant 0 : i32
      scf.yield %while3A_48 : i32
    }
    %while3A_37 = arith.constant 1 : i32
    %while3A_38 = scf.for %while3A_40 = %while3A_34 to %while3A_30 step %while3A_37 iter_args(%while3A_41 = %while3A_36) -> (i32)  : i32 {
      %dma_wait3A = arith.constant 0 : i32
      %dma_wait3A_42 = arith.constant 0 : i32
      %dma_wait3A_43 = tpu.memref_slice %arg5[%while3A_40, %dma_wait3A, %dma_wait3A_42] : memref<40x1x128xi32, #tpu.memory_space<vmem>> -> memref<1x1x128xi32, #tpu.memory_space<vmem>>
      %dma_wait3A_44 = tpu.memref_squeeze %dma_wait3A_43 : memref<1x1x128xi32, #tpu.memory_space<vmem>> -> memref<128xi32, #tpu.memory_space<vmem>>
      %dma_wait3A_45 = arith.constant 0 : i32
      %dma_wait3A_46 = arith.constant 0 : i32
      %dma_wait3A_47 = tpu.memref_slice %arg7[%dma_wait3A_45, %dma_wait3A_46] : memref<10240x128xf32, #tpu.memory_space<vmem_shared>> -> memref<10240x128xf32, #tpu.memory_space<vmem_shared>>
      tpu.wait_indirect_dma semaphore(%arg8 : memref<!tpu.dma_semaphore, #tpu.memory_space<semaphore_mem>>) src(%arg6 : memref<128x128xf32, #tpu.memory_space<vmem>>) dst(%dma_wait3A_47 : memref<10240x128xf32, #tpu.memory_space<vmem_shared>>)
      %while3A_48 = arith.constant 0 : i32
      scf.yield %while3A_48 : i32
    }
    %barrier3A_39 = arith.constant 0 : index
    tpu.barrier barrier_id(%barrier3A_39)
    "tpu.region"() ({
      %run_scoped3A = tpu.sem_alloc : memref<!tpu.dma_semaphore, #tpu.memory_space<semaphore_mem>>
      %dma_start3A = arith.constant 0 : i32
      %dma_start3A_40 = tpu.memref_slice %arg4[%arg0, %mul3A_6, %dma_start3A] : memref<2x10240x128xf32, #tpu.memory_space<hbm>> -> memref<1x640x128xf32, #tpu.memory_space<hbm>>
      %dma_start3A_41 = tpu.memref_squeeze %dma_start3A_40 : memref<1x640x128xf32, #tpu.memory_space<hbm>> -> memref<640x128xf32, #tpu.memory_space<hbm>>
      %dma_start3A_42 = arith.constant 0 : i32
      %dma_start3A_43 = tpu.memref_slice %arg7[%mul3A_6, %dma_start3A_42] : memref<10240x128xf32, #tpu.memory_space<vmem_shared>> -> memref<640x128xf32, #tpu.memory_space<vmem_shared>>
      tpu.enqueue_dma source(%dma_start3A_43 : memref<640x128xf32, #tpu.memory_space<vmem_shared>>) target(%dma_start3A_41 : memref<640x128xf32, #tpu.memory_space<hbm>>) target_semaphore(%run_scoped3A : memref<!tpu.dma_semaphore, #tpu.memory_space<semaphore_mem>>)
      %dma_wait3A = arith.constant 0 : i32
      %dma_wait3A_44 = tpu.memref_slice %arg4[%arg0, %mul3A_6, %dma_wait3A] : memref<2x10240x128xf32, #tpu.memory_space<hbm>> -> memref<1x640x128xf32, #tpu.memory_space<hbm>>
      %dma_wait3A_45 = tpu.memref_squeeze %dma_wait3A_44 : memref<1x640x128xf32, #tpu.memory_space<hbm>> -> memref<640x128xf32, #tpu.memory_space<hbm>>
      %dma_wait3A_46 = arith.constant 0 : i32
      %dma_wait3A_47 = tpu.memref_slice %arg7[%mul3A_6, %dma_wait3A_46] : memref<10240x128xf32, #tpu.memory_space<vmem_shared>> -> memref<640x128xf32, #tpu.memory_space<vmem_shared>>
      tpu.wait_dma2 semaphore(%run_scoped3A : memref<!tpu.dma_semaphore, #tpu.memory_space<semaphore_mem>>) src(%dma_wait3A_47 : memref<640x128xf32, #tpu.memory_space<vmem_shared>>) dst(%dma_wait3A_45 : memref<640x128xf32, #tpu.memory_space<hbm>>)
      tpu.yield
    }) : () -> ()
    return
  }
}

module attributes {stable_mosaic.version = 14 : i64} {
  func.func @_k2_body(%arg0: i32, %arg1: memref<1000x256xf32, #tpu.memory_space<vmem>>, %arg2: memref<256x256xf32, #tpu.memory_space<vmem>>, %arg3: memref<2x1000x128xf32, #tpu.memory_space<vmem>>, %arg4: memref<2x1000x128xf32, #tpu.memory_space<vmem>>) attributes {dimension_semantics = [#tpu.dimension_semantics<arbitrary>], iteration_bounds = array<i64: 10>, scalar_prefetch = 0 : i64, scratch_operands = 0 : i64, tpu.core_type = #tpu.core_type<tc>, window_params = [{transform_indices = @transform_0, window_bounds = array<i64: 1000, 256>}, {pipeline_mode = #tpu.pipeline_mode<synchronous>, transform_indices = @transform_1, window_bounds = array<i64: 256, 256>}, {transform_indices = @transform_2, window_bounds = array<i64: 2, 1000, 128>}, {transform_indices = @transform_3, window_bounds = array<i64: 2, 1000, 128>}]} {
    %get3A = arith.constant 0 : index
    %get3A_0 = arith.constant 0 : index
    %get3A_1 = vector.load %arg1[%get3A, %get3A_0] : memref<1000x256xf32, #tpu.memory_space<vmem>>, vector<1000x256xf32>
    %get3A_2 = arith.constant 0 : index
    %get3A_3 = arith.constant 0 : index
    %get3A_4 = vector.load %arg2[%get3A_2, %get3A_3] : memref<256x256xf32, #tpu.memory_space<vmem>>, vector<256x256xf32>
    %dot_general3A = arith.constant dense<0.000000e+00> : vector<1000x256xf32>
    %dot_general3A_5 = tpu.matmul %get3A_1, %get3A_4, %dot_general3A {dimension_numbers = #tpu.dot_dimension_numbers<[1], [0], [0], [1], [0, 0, 1, 1], [], []>, transpose_lhs_hint = false} : vector<1000x256xf32>, vector<256x256xf32>, vector<1000x256xf32> -> vector<1000x256xf32>
    %get3A_6 = arith.constant 0 : index
    %get3A_7 = arith.constant 0 : index
    %get3A_8 = arith.constant 0 : index
    %get3A_9 = vector.load %arg3[%get3A_6, %get3A_7, %get3A_8] : memref<2x1000x128xf32, #tpu.memory_space<vmem>>, vector<1x1000x1xf32>
    %get3A_10 = vector.shape_cast %get3A_9 : vector<1x1000x1xf32> to vector<1000x1xf32>
    %get3A_11 = arith.constant 1 : index
    %get3A_12 = arith.constant 0 : index
    %get3A_13 = arith.constant 0 : index
    %get3A_14 = vector.load %arg3[%get3A_11, %get3A_12, %get3A_13] : memref<2x1000x128xf32, #tpu.memory_space<vmem>>, vector<1x1000x1xf32>
    %get3A_15 = vector.shape_cast %get3A_14 : vector<1x1000x1xf32> to vector<1000x1xf32>
    %add3A = arith.addf %get3A_10, %get3A_15 : vector<1000x1xf32>
    %add3A_16 = arith.constant 1.000000e+00 : f32
    %add3A_17 = vector.broadcast %add3A_16 : f32 to vector<1000x1xf32>
    %add3A_18 = arith.addf %add3A, %add3A_17 : vector<1000x1xf32>
    %rsqrt3A = math.rsqrt %add3A_18 : vector<1000x1xf32>
    %slice3A = vector.extract_strided_slice %dot_general3A_5 {offsets = [0, 0], sizes = [1000, 128], strides = [1, 1]} : vector<1000x256xf32> to vector<1000x128xf32>
    %mul3A = vector.broadcast %rsqrt3A : vector<1000x1xf32> to vector<1000x128xf32>
    %mul3A_19 = arith.mulf %mul3A, %slice3A : vector<1000x128xf32>
    %swap3A = arith.constant 0 : index
    %swap3A_20 = arith.constant 0 : index
    %swap3A_21 = arith.constant 0 : index
    %swap3A_22 = vector.load %arg4[%swap3A, %swap3A_20, %swap3A_21] : memref<2x1000x128xf32, #tpu.memory_space<vmem>>, vector<1x1000x128xf32>
    %swap3A_23 = vector.shape_cast %swap3A_22 : vector<1x1000x128xf32> to vector<1000x128xf32>
    %swap3A_24 = vector.shape_cast %mul3A_19 : vector<1000x128xf32> to vector<1x1000x128xf32>
    tpu.vector_store %arg4[%swap3A, %swap3A_20, %swap3A_21], %swap3A_24 {strides = array<i32>} : memref<2x1000x128xf32, #tpu.memory_space<vmem>>, vector<1x1000x128xf32>,
    %slice3A_25 = vector.extract_strided_slice %dot_general3A_5 {offsets = [0, 128], sizes = [1000, 128], strides = [1, 1]} : vector<1000x256xf32> to vector<1000x128xf32>
    %mul3A_26 = vector.broadcast %rsqrt3A : vector<1000x1xf32> to vector<1000x128xf32>
    %mul3A_27 = arith.mulf %mul3A_26, %slice3A_25 : vector<1000x128xf32>
    %swap3A_28 = arith.constant 1 : index
    %swap3A_29 = arith.constant 0 : index
    %swap3A_30 = arith.constant 0 : index
    %swap3A_31 = vector.load %arg4[%swap3A_28, %swap3A_29, %swap3A_30] : memref<2x1000x128xf32, #tpu.memory_space<vmem>>, vector<1x1000x128xf32>
    %swap3A_32 = vector.shape_cast %swap3A_31 : vector<1x1000x128xf32> to vector<1000x128xf32>
    %swap3A_33 = vector.shape_cast %mul3A_27 : vector<1000x128xf32> to vector<1x1000x128xf32>
    tpu.vector_store %arg4[%swap3A_28, %swap3A_29, %swap3A_30], %swap3A_33 {strides = array<i32>} : memref<2x1000x128xf32, #tpu.memory_space<vmem>>, vector<1x1000x128xf32>,
    return
  }
  func.func @transform_0(%arg0: i32) -> (i32, i32) {
    %c0_i32 = arith.constant 0 : i32
    %c0_i32_0 = arith.constant 0 : i32
    return %arg0, %c0_i32 : i32, i32
  }
  func.func @transform_1(%arg0: i32) -> (i32, i32) {
    %c0_i32 = arith.constant 0 : i32
    %c0_i32_0 = arith.constant 0 : i32
    %c0_i32_1 = arith.constant 0 : i32
    return %c0_i32, %c0_i32_0 : i32, i32
  }
  func.func @transform_2(%arg0: i32) -> (i32, i32, i32) {
    %c0_i32 = arith.constant 0 : i32
    %c0_i32_0 = arith.constant 0 : i32
    %c0_i32_1 = arith.constant 0 : i32
    return %c0_i32, %arg0, %c0_i32_0 : i32, i32, i32
  }
  func.func @transform_3(%arg0: i32) -> (i32, i32, i32) {
    %c0_i32 = arith.constant 0 : i32
    %c0_i32_0 = arith.constant 0 : i32
    %c0_i32_1 = arith.constant 0 : i32
    return %c0_i32, %arg0, %c0_i32_0 : i32, i32, i32
  }
}

module attributes {stable_mosaic.version = 14 : i64} {
  func.func @_k4_body(%arg0: i32, %arg1: memref<2x1000x128xf32, #tpu.memory_space<vmem>>, %arg2: memref<2x1000x128xf32, #tpu.memory_space<vmem>>, %arg3: memref<2x1000x128xf32, #tpu.memory_space<vmem>>, %arg4: memref<2x256xf32, #tpu.memory_space<vmem>>, %arg5: memref<1000x1xi32, #tpu.memory_space<smem>>, %arg6: memref<1000x1xi32, #tpu.memory_space<vmem>>, %arg7: memref<256x128xf32, #tpu.memory_space<vmem>>, %arg8: memref<1x128xf32, #tpu.memory_space<vmem>>, %arg9: memref<64x128xf32, #tpu.memory_space<vmem>>, %arg10: memref<8x256xf32, #tpu.memory_space<vmem>>, %arg11: memref<64x256xf32, #tpu.memory_space<vmem>>, %arg12: memref<64x256xf32, #tpu.memory_space<vmem>>) attributes {dimension_semantics = [#tpu.dimension_semantics<arbitrary>], iteration_bounds = array<i64: 10>, scalar_prefetch = 0 : i64, scratch_operands = 3 : i64, tpu.core_type = #tpu.core_type<tc>, window_params = [{transform_indices = @transform_0, window_bounds = array<i64: 2, 1000, 128>}, {transform_indices = @transform_1, window_bounds = array<i64: 2, 1000, 128>}, {transform_indices = @transform_2, window_bounds = array<i64: 2, 1000, 128>}, {pipeline_mode = #tpu.pipeline_mode<synchronous>, transform_indices = @transform_3, window_bounds = array<i64: 2, 256>}, {transform_indices = @transform_4, window_bounds = array<i64: 1000, 1>}, {transform_indices = @transform_5, window_bounds = array<i64: 1000, 1>}, {pipeline_mode = #tpu.pipeline_mode<synchronous>, transform_indices = @transform_6, window_bounds = array<i64: 256, 128>}, {pipeline_mode = #tpu.pipeline_mode<synchronous>, transform_indices = @transform_7, window_bounds = array<i64: 1, 128>}, {pipeline_mode = #tpu.pipeline_mode<synchronous>, transform_indices = @transform_8, window_bounds = array<i64: 64, 128>}]} {
    %get3A = arith.constant 0 : index
    %get3A_0 = arith.constant 0 : index
    %get3A_1 = arith.constant 0 : index
    %get3A_2 = vector.load %arg3[%get3A, %get3A_0, %get3A_1] : memref<2x1000x128xf32, #tpu.memory_space<vmem>>, vector<1x1000x1xf32>
    %get3A_3 = vector.shape_cast %get3A_2 : vector<1x1000x1xf32> to vector<1000x1xf32>
    %get3A_4 = arith.constant 1 : index
    %get3A_5 = arith.constant 0 : index
    %get3A_6 = arith.constant 0 : index
    %get3A_7 = vector.load %arg3[%get3A_4, %get3A_5, %get3A_6] : memref<2x1000x128xf32, #tpu.memory_space<vmem>>, vector<1x1000x1xf32>
    %get3A_8 = vector.shape_cast %get3A_7 : vector<1x1000x1xf32> to vector<1000x1xf32>
    %add3A = arith.addf %get3A_3, %get3A_8 : vector<1000x1xf32>
    %add3A_9 = arith.constant 1.000000e+00 : f32
    %add3A_10 = vector.broadcast %add3A_9 : f32 to vector<1000x1xf32>
    %add3A_11 = arith.addf %add3A, %add3A_10 : vector<1000x1xf32>
    %rsqrt3A = math.rsqrt %add3A_11 : vector<1000x1xf32>
    %get3A_12 = arith.constant 0 : index
    %get3A_13 = arith.constant 0 : index
    %get3A_14 = arith.constant 0 : index
    %get3A_15 = vector.load %arg1[%get3A_12, %get3A_13, %get3A_14] : memref<2x1000x128xf32, #tpu.memory_space<vmem>>, vector<1x1000x128xf32>
    %get3A_16 = vector.shape_cast %get3A_15 : vector<1x1000x128xf32> to vector<1000x128xf32>
    %get3A_17 = arith.constant 0 : index
    %get3A_18 = arith.constant 0 : index
    %get3A_19 = arith.constant 0 : index
    %get3A_20 = vector.load %arg2[%get3A_17, %get3A_18, %get3A_19] : memref<2x1000x128xf32, #tpu.memory_space<vmem>>, vector<1x1000x128xf32>
    %get3A_21 = vector.shape_cast %get3A_20 : vector<1x1000x128xf32> to vector<1000x128xf32>
    %add3A_22 = arith.addf %get3A_16, %get3A_21 : vector<1000x128xf32>
    %mul3A = vector.broadcast %rsqrt3A : vector<1000x1xf32> to vector<1000x128xf32>
    %mul3A_23 = arith.mulf %mul3A, %add3A_22 : vector<1000x128xf32>
    %get3A_24 = arith.constant 1 : index
    %get3A_25 = arith.constant 0 : index
    %get3A_26 = arith.constant 0 : index
    %get3A_27 = vector.load %arg1[%get3A_24, %get3A_25, %get3A_26] : memref<2x1000x128xf32, #tpu.memory_space<vmem>>, vector<1x1000x128xf32>
    %get3A_28 = vector.shape_cast %get3A_27 : vector<1x1000x128xf32> to vector<1000x128xf32>
    %get3A_29 = arith.constant 1 : index
    %get3A_30 = arith.constant 0 : index
    %get3A_31 = arith.constant 0 : index
    %get3A_32 = vector.load %arg2[%get3A_29, %get3A_30, %get3A_31] : memref<2x1000x128xf32, #tpu.memory_space<vmem>>, vector<1x1000x128xf32>
    %get3A_33 = vector.shape_cast %get3A_32 : vector<1x1000x128xf32> to vector<1000x128xf32>
    %add3A_34 = arith.addf %get3A_28, %get3A_33 : vector<1000x128xf32>
    %mul3A_35 = vector.broadcast %rsqrt3A : vector<1000x1xf32> to vector<1000x128xf32>
    %mul3A_36 = arith.mulf %mul3A_35, %add3A_34 : vector<1000x128xf32>
    %concatenate3A = tpu.concatenate %mul3A_23, %mul3A_36 in 1 : vector<1000x128xf32>, vector<1000x128xf32> -> vector<1000x256xf32>
    %eq3A = arith.constant 0 : i32
    %eq3A_37 = arith.cmpi eq, %arg0, %eq3A : i32
    %convert_element_type3A = arith.extui %eq3A_37 : i1 to i32
    %cond3A = arith.constant 0 : i32
    %cond3A_38 = arith.cmpi ne, %convert_element_type3A, %cond3A : i32
    scf.if %cond3A_38 {
      %broadcast_in_dim3A_83 = arith.constant 0.000000e+00 : f32
      %broadcast_in_dim3A_84 = vector.broadcast %broadcast_in_dim3A_83 : f32 to vector<8x256xf32>
      %swap3A_85 = arith.constant 0 : index
      %swap3A_86 = arith.constant 0 : index
      %swap3A_87 = vector.load %arg10[%swap3A_85, %swap3A_86] : memref<8x256xf32, #tpu.memory_space<vmem>>, vector<8x256xf32>
      tpu.vector_store %arg10[%swap3A_85, %swap3A_86], %broadcast_in_dim3A_84 {strides = array<i32>} : memref<8x256xf32, #tpu.memory_space<vmem>>, vector<8x256xf32>,
      %broadcast_in_dim3A_88 = arith.constant -1.000000e+30 : f32
      %broadcast_in_dim3A_89 = vector.broadcast %broadcast_in_dim3A_88 : f32 to vector<64x256xf32>
      %swap3A_90 = arith.constant 0 : index
      %swap3A_91 = arith.constant 0 : index
      %swap3A_92 = vector.load %arg11[%swap3A_90, %swap3A_91] : memref<64x256xf32, #tpu.memory_space<vmem>>, vector<64x256xf32>
      tpu.vector_store %arg11[%swap3A_90, %swap3A_91], %broadcast_in_dim3A_89 {strides = array<i32>} : memref<64x256xf32, #tpu.memory_space<vmem>>, vector<64x256xf32>,
      %broadcast_in_dim3A_93 = arith.constant 1.000000e+30 : f32
      %broadcast_in_dim3A_94 = vector.broadcast %broadcast_in_dim3A_93 : f32 to vector<64x256xf32>
      %swap3A_95 = arith.constant 0 : index
      %swap3A_96 = arith.constant 0 : index
      %swap3A_97 = vector.load %arg12[%swap3A_95, %swap3A_96] : memref<64x256xf32, #tpu.memory_space<vmem>>, vector<64x256xf32>
      tpu.vector_store %arg12[%swap3A_95, %swap3A_96], %broadcast_in_dim3A_94 {strides = array<i32>} : memref<64x256xf32, #tpu.memory_space<vmem>>, vector<64x256xf32>,
    } else {
    }
    %get3A_39 = arith.constant 0 : index
    %get3A_40 = arith.constant 0 : index
    %get3A_41 = vector.load %arg10[%get3A_39, %get3A_40] : memref<8x256xf32, #tpu.memory_space<vmem>>, vector<1x256xf32>
    %reduce_sum3A = arith.constant dense<0.000000e+00> : vector<256xf32>
    %reduce_sum3A_42 = vector.multi_reduction <add>, %concatenate3A, %reduce_sum3A [0] : vector<1000x256xf32> to vector<256xf32>
    %broadcast_in_dim3A = vector.shape_cast %reduce_sum3A_42 : vector<256xf32> to vector<1x256xf32>
    %add3A_43 = arith.addf %get3A_41, %broadcast_in_dim3A : vector<1x256xf32>
    %swap3A = arith.constant 0 : index
    %swap3A_44 = arith.constant 0 : index
    %swap3A_45 = vector.load %arg10[%swap3A, %swap3A_44] : memref<8x256xf32, #tpu.memory_space<vmem>>, vector<1x256xf32>
    tpu.vector_store %arg10[%swap3A, %swap3A_44], %add3A_43 {strides = array<i32>} : memref<8x256xf32, #tpu.memory_space<vmem>>, vector<1x256xf32>,
    %get3A_46 = arith.constant 1 : index
    %get3A_47 = arith.constant 0 : index
    %get3A_48 = vector.load %arg10[%get3A_46, %get3A_47] : memref<8x256xf32, #tpu.memory_space<vmem>>, vector<1x256xf32>
    %mul3A_49 = arith.mulf %concatenate3A, %concatenate3A : vector<1000x256xf32>
    %reduce_sum3A_50 = arith.constant dense<0.000000e+00> : vector<256xf32>
    %reduce_sum3A_51 = vector.multi_reduction <add>, %mul3A_49, %reduce_sum3A_50 [0] : vector<1000x256xf32> to vector<256xf32>
    %broadcast_in_dim3A_52 = vector.shape_cast %reduce_sum3A_51 : vector<256xf32> to vector<1x256xf32>
    %add3A_53 = arith.addf %get3A_48, %broadcast_in_dim3A_52 : vector<1x256xf32>
    %swap3A_54 = arith.constant 1 : index
    %swap3A_55 = arith.constant 0 : index
    %swap3A_56 = vector.load %arg10[%swap3A_54, %swap3A_55] : memref<8x256xf32, #tpu.memory_space<vmem>>, vector<1x256xf32>
    tpu.vector_store %arg10[%swap3A_54, %swap3A_55], %add3A_53 {strides = array<i32>} : memref<8x256xf32, #tpu.memory_space<vmem>>, vector<1x256xf32>,
    %get3A_57 = arith.constant 0 : index
    %get3A_58 = arith.constant 0 : index
    %get3A_59 = memref.load %arg5[%get3A_57, %get3A_58] : memref<1000x1xi32, #tpu.memory_space<smem>>
    %get3A_60 = arith.constant 999 : index
    %get3A_61 = arith.constant 0 : index
    %get3A_62 = memref.load %arg5[%get3A_60, %get3A_61] : memref<1000x1xi32, #tpu.memory_space<smem>>
    %get3A_63 = arith.constant 0 : index
    %get3A_64 = arith.constant 0 : index
    %get3A_65 = vector.load %arg6[%get3A_63, %get3A_64] : memref<1000x1xi32, #tpu.memory_space<vmem>>, vector<1000x1xi32>
    %add3A_66 = arith.constant 1 : i32
    %add3A_67 = arith.addi %get3A_62, %add3A_66 : i32
    %while3A = arith.constant 0 : i32
    %while3A_68 = arith.subi %add3A_67, %get3A_59 : i32
    %while3A_69 = arith.addi %get3A_59, %while3A_68 : i32
    %while3A_70 = arith.constant 1 : i32
    %while3A_71 = arith.divsi %while3A_68, %while3A_70 : i32
    %while3A_72 = arith.muli %while3A_71, %while3A_70 : i32
    %while3A_73 = arith.addi %get3A_59, %while3A_72 : i32
    %while3A_74 = arith.constant 1 : i32
    %while3A_75 = scf.for %while3A_83 = %get3A_59 to %while3A_73 step %while3A_74 iter_args(%while3A_84 = %while3A) -> (i32)  : i32 {
      %eq3A_85 = vector.broadcast %while3A_83 : i32 to vector<1000x1xi32>
      %eq3A_86 = arith.cmpi eq, %get3A_65, %eq3A_85 : vector<1000x1xi32>
      %jit3A = arith.constant -1.000000e+30 : f32
      %broadcast_in_dim3A_87 = vector.shape_cast %eq3A_86 : vector<1000x1xi1> to vector<1000x1xi1>
      %broadcast_in_dim3A_88 = vector.broadcast %broadcast_in_dim3A_87 : vector<1000x1xi1> to vector<1000x256xi1>
      %broadcast_in_dim3A_89 = vector.broadcast %jit3A : f32 to vector<1000x256xf32>
      %select_n3A = arith.select %broadcast_in_dim3A_88, %concatenate3A, %broadcast_in_dim3A_89 : vector<1000x256xi1>, vector<1000x256xf32>
      %reduce_max3A = arith.constant dense<0xFF800000> : vector<256xf32>
      %reduce_max3A_90 = vector.multi_reduction <maximumf>, %select_n3A, %reduce_max3A [0] : vector<1000x256xf32> to vector<256xf32>
      %broadcast_in_dim3A_91 = vector.shape_cast %reduce_max3A_90 : vector<256xf32> to vector<1x256xf32>
      %jit3A_92 = arith.constant 1.000000e+30 : f32
      %broadcast_in_dim3A_93 = vector.shape_cast %eq3A_86 : vector<1000x1xi1> to vector<1000x1xi1>
      %broadcast_in_dim3A_94 = vector.broadcast %broadcast_in_dim3A_93 : vector<1000x1xi1> to vector<1000x256xi1>
      %broadcast_in_dim3A_95 = vector.broadcast %jit3A_92 : f32 to vector<1000x256xf32>
      %select_n3A_96 = arith.select %broadcast_in_dim3A_94, %concatenate3A, %broadcast_in_dim3A_95 : vector<1000x256xi1>, vector<1000x256xf32>
      %reduce_min3A = arith.constant dense<0x7F800000> : vector<256xf32>
      %reduce_min3A_97 = vector.multi_reduction <minimumf>, %select_n3A_96, %reduce_min3A [0] : vector<1000x256xf32> to vector<256xf32>
      %broadcast_in_dim3A_98 = vector.shape_cast %reduce_min3A_97 : vector<256xf32> to vector<1x256xf32>
      %get3A_99 = arith.index_cast %while3A_83 : i32 to index
      %get3A_100 = arith.constant 0 : index
      %get3A_101 = vector.load %arg11[%get3A_99, %get3A_100] : memref<64x256xf32, #tpu.memory_space<vmem>>, vector<1x256xf32>
      %max3A = arith.maximumf %get3A_101, %broadcast_in_dim3A_91 : vector<1x256xf32>
      %swap3A_102 = arith.index_cast %while3A_83 : i32 to index
      %swap3A_103 = arith.constant 0 : index
      %swap3A_104 = vector.load %arg11[%swap3A_102, %swap3A_103] : memref<64x256xf32, #tpu.memory_space<vmem>>, vector<1x256xf32>
      tpu.vector_store %arg11[%swap3A_102, %swap3A_103], %max3A {strides = array<i32>} : memref<64x256xf32, #tpu.memory_space<vmem>>, vector<1x256xf32>,
      %get3A_105 = arith.index_cast %while3A_83 : i32 to index
      %get3A_106 = arith.constant 0 : index
      %get3A_107 = vector.load %arg12[%get3A_105, %get3A_106] : memref<64x256xf32, #tpu.memory_space<vmem>>, vector<1x256xf32>
      %min3A = arith.minimumf %get3A_107, %broadcast_in_dim3A_98 : vector<1x256xf32>
      %swap3A_108 = arith.index_cast %while3A_83 : i32 to index
      %swap3A_109 = arith.constant 0 : index
      %swap3A_110 = vector.load %arg12[%swap3A_108, %swap3A_109] : memref<64x256xf32, #tpu.memory_space<vmem>>, vector<1x256xf32>
      tpu.vector_store %arg12[%swap3A_108, %swap3A_109], %min3A {strides = array<i32>} : memref<64x256xf32, #tpu.memory_space<vmem>>, vector<1x256xf32>,
      %while3A_111 = arith.constant 0 : i32
      scf.yield %while3A_111 : i32
    }
    %while3A_76 = arith.constant 1 : i32
    %while3A_77 = scf.for %while3A_83 = %while3A_73 to %while3A_69 step %while3A_76 iter_args(%while3A_84 = %while3A_75) -> (i32)  : i32 {
      %eq3A_85 = vector.broadcast %while3A_83 : i32 to vector<1000x1xi32>
      %eq3A_86 = arith.cmpi eq, %get3A_65, %eq3A_85 : vector<1000x1xi32>
      %jit3A = arith.constant -1.000000e+30 : f32
      %broadcast_in_dim3A_87 = vector.shape_cast %eq3A_86 : vector<1000x1xi1> to vector<1000x1xi1>
      %broadcast_in_dim3A_88 = vector.broadcast %broadcast_in_dim3A_87 : vector<1000x1xi1> to vector<1000x256xi1>
      %broadcast_in_dim3A_89 = vector.broadcast %jit3A : f32 to vector<1000x256xf32>
      %select_n3A = arith.select %broadcast_in_dim3A_88, %concatenate3A, %broadcast_in_dim3A_89 : vector<1000x256xi1>, vector<1000x256xf32>
      %reduce_max3A = arith.constant dense<0xFF800000> : vector<256xf32>
      %reduce_max3A_90 = vector.multi_reduction <maximumf>, %select_n3A, %reduce_max3A [0] : vector<1000x256xf32> to vector<256xf32>
      %broadcast_in_dim3A_91 = vector.shape_cast %reduce_max3A_90 : vector<256xf32> to vector<1x256xf32>
      %jit3A_92 = arith.constant 1.000000e+30 : f32
      %broadcast_in_dim3A_93 = vector.shape_cast %eq3A_86 : vector<1000x1xi1> to vector<1000x1xi1>
      %broadcast_in_dim3A_94 = vector.broadcast %broadcast_in_dim3A_93 : vector<1000x1xi1> to vector<1000x256xi1>
      %broadcast_in_dim3A_95 = vector.broadcast %jit3A_92 : f32 to vector<1000x256xf32>
      %select_n3A_96 = arith.select %broadcast_in_dim3A_94, %concatenate3A, %broadcast_in_dim3A_95 : vector<1000x256xi1>, vector<1000x256xf32>
      %reduce_min3A = arith.constant dense<0x7F800000> : vector<256xf32>
      %reduce_min3A_97 = vector.multi_reduction <minimumf>, %select_n3A_96, %reduce_min3A [0] : vector<1000x256xf32> to vector<256xf32>
      %broadcast_in_dim3A_98 = vector.shape_cast %reduce_min3A_97 : vector<256xf32> to vector<1x256xf32>
      %get3A_99 = arith.index_cast %while3A_83 : i32 to index
      %get3A_100 = arith.constant 0 : index
      %get3A_101 = vector.load %arg11[%get3A_99, %get3A_100] : memref<64x256xf32, #tpu.memory_space<vmem>>, vector<1x256xf32>
      %max3A = arith.maximumf %get3A_101, %broadcast_in_dim3A_91 : vector<1x256xf32>
      %swap3A_102 = arith.index_cast %while3A_83 : i32 to index
      %swap3A_103 = arith.constant 0 : index
      %swap3A_104 = vector.load %arg11[%swap3A_102, %swap3A_103] : memref<64x256xf32, #tpu.memory_space<vmem>>, vector<1x256xf32>
      tpu.vector_store %arg11[%swap3A_102, %swap3A_103], %max3A {strides = array<i32>} : memref<64x256xf32, #tpu.memory_space<vmem>>, vector<1x256xf32>,
      %get3A_105 = arith.index_cast %while3A_83 : i32 to index
      %get3A_106 = arith.constant 0 : index
      %get3A_107 = vector.load %arg12[%get3A_105, %get3A_106] : memref<64x256xf32, #tpu.memory_space<vmem>>, vector<1x256xf32>
      %min3A = arith.minimumf %get3A_107, %broadcast_in_dim3A_98 : vector<1x256xf32>
      %swap3A_108 = arith.index_cast %while3A_83 : i32 to index
      %swap3A_109 = arith.constant 0 : index
      %swap3A_110 = vector.load %arg12[%swap3A_108, %swap3A_109] : memref<64x256xf32, #tpu.memory_space<vmem>>, vector<1x256xf32>
      tpu.vector_store %arg12[%swap3A_108, %swap3A_109], %min3A {strides = array<i32>} : memref<64x256xf32, #tpu.memory_space<vmem>>, vector<1x256xf32>,
      %while3A_111 = arith.constant 0 : i32
      scf.yield %while3A_111 : i32
    }
    %eq3A_78 = arith.constant 9 : i32
    %eq3A_79 = arith.cmpi eq, %arg0, %eq3A_78 : i32
    %convert_element_type3A_80 = arith.extui %eq3A_79 : i1 to i32
    %cond3A_81 = arith.constant 0 : i32
    %cond3A_82 = arith.cmpi ne, %convert_element_type3A_80, %cond3A_81 : i32
    scf.if %cond3A_82 {
      %get3A_83 = arith.constant 0 : index
      %get3A_84 = arith.constant 0 : index
      %get3A_85 = vector.load %arg10[%get3A_83, %get3A_84] : memref<8x256xf32, #tpu.memory_space<vmem>>, vector<1x256xf32>
      %div3A = arith.constant 1.000000e+04 : f32
      %div3A_86 = vector.broadcast %div3A : f32 to vector<1x256xf32>
      %div3A_87 = arith.divf %get3A_85, %div3A_86 : vector<1x256xf32>
      %get3A_88 = arith.constant 1 : index
      %get3A_89 = arith.constant 0 : index
      %get3A_90 = vector.load %arg10[%get3A_88, %get3A_89] : memref<8x256xf32, #tpu.memory_space<vmem>>, vector<1x256xf32>
      %div3A_91 = arith.constant 1.000000e+04 : f32
      %div3A_92 = vector.broadcast %div3A_91 : f32 to vector<1x256xf32>
      %div3A_93 = arith.divf %get3A_90, %div3A_92 : vector<1x256xf32>
      %mul3A_94 = arith.mulf %div3A_87, %div3A_87 : vector<1x256xf32>
      %sub3A = arith.subf %div3A_93, %mul3A_94 : vector<1x256xf32>
      %get3A_95 = arith.constant 0 : index
      %get3A_96 = arith.constant 0 : index
      %get3A_97 = vector.load %arg4[%get3A_95, %get3A_96] : memref<2x256xf32, #tpu.memory_space<vmem>>, vector<1x256xf32>
      %add3A_98 = arith.constant 9.99999974E-6 : f32
      %add3A_99 = vector.broadcast %add3A_98 : f32 to vector<1x256xf32>
      %add3A_100 = arith.addf %sub3A, %add3A_99 : vector<1x256xf32>
      %rsqrt3A_101 = math.rsqrt %add3A_100 : vector<1x256xf32>
      %mul3A_102 = arith.mulf %get3A_97, %rsqrt3A_101 : vector<1x256xf32>
      %get3A_103 = arith.constant 1 : index
      %get3A_104 = arith.constant 0 : index
      %get3A_105 = vector.load %arg4[%get3A_103, %get3A_104] : memref<2x256xf32, #tpu.memory_space<vmem>>, vector<1x256xf32>
      %mul3A_106 = arith.mulf %div3A_87, %mul3A_102 : vector<1x256xf32>
      %sub3A_107 = arith.subf %get3A_105, %mul3A_106 : vector<1x256xf32>
      %ge3A = arith.constant 0.000000e+00 : f32
      %ge3A_108 = vector.broadcast %ge3A : f32 to vector<1x256xf32>
      %ge3A_109 = arith.cmpf oge, %mul3A_102, %ge3A_108 : vector<1x256xf32>
      %get3A_110 = arith.constant 0 : index
      %get3A_111 = arith.constant 0 : index
      %get3A_112 = vector.load %arg11[%get3A_110, %get3A_111] : memref<64x256xf32, #tpu.memory_space<vmem>>, vector<64x256xf32>
      %mul3A_113 = vector.broadcast %mul3A_102 : vector<1x256xf32> to vector<64x256xf32>
      %mul3A_114 = arith.mulf %get3A_112, %mul3A_113 : vector<64x256xf32>
      %get3A_115 = arith.constant 0 : index
      %get3A_116 = arith.constant 0 : index
      %get3A_117 = vector.load %arg12[%get3A_115, %get3A_116] : memref<64x256xf32, #tpu.memory_space<vmem>>, vector<64x256xf32>
      %mul3A_118 = vector.broadcast %mul3A_102 : vector<1x256xf32> to vector<64x256xf32>
      %mul3A_119 = arith.mulf %get3A_117, %mul3A_118 : vector<64x256xf32>
      %broadcast_in_dim3A_120 = vector.shape_cast %ge3A_109 : vector<1x256xi1> to vector<1x256xi1>
      %broadcast_in_dim3A_121 = vector.broadcast %broadcast_in_dim3A_120 : vector<1x256xi1> to vector<64x256xi1>
      %select_n3A = arith.select %broadcast_in_dim3A_121, %mul3A_114, %mul3A_119 : vector<64x256xi1>, vector<64x256xf32>
      %add3A_122 = vector.broadcast %sub3A_107 : vector<1x256xf32> to vector<64x256xf32>
      %add3A_123 = arith.addf %select_n3A, %add3A_122 : vector<64x256xf32>
      %max3A = arith.constant 0.000000e+00 : f32
      %max3A_124 = vector.broadcast %max3A : f32 to vector<64x256xf32>
      %max3A_125 = arith.maximumf %add3A_123, %max3A_124 : vector<64x256xf32>
      %get3A_126 = arith.constant 0 : index
      %get3A_127 = arith.constant 0 : index
      %get3A_128 = vector.load %arg7[%get3A_126, %get3A_127] : memref<256x128xf32, #tpu.memory_space<vmem>>, vector<256x128xf32>
      %dot_general3A = arith.constant dense<0.000000e+00> : vector<64x128xf32>
      %dot_general3A_129 = tpu.matmul %max3A_125, %get3A_128, %dot_general3A {dimension_numbers = #tpu.dot_dimension_numbers<[1], [0], [0], [1], [0, 0, 1, 1], [], []>, transpose_lhs_hint = false} : vector<64x256xf32>, vector<256x128xf32>, vector<64x128xf32> -> vector<64x128xf32>
      %get3A_130 = arith.constant 0 : index
      %get3A_131 = arith.constant 0 : index
      %get3A_132 = vector.load %arg8[%get3A_130, %get3A_131] : memref<1x128xf32, #tpu.memory_space<vmem>>, vector<1x128xf32>
      %add3A_133 = vector.broadcast %get3A_132 : vector<1x128xf32> to vector<64x128xf32>
      %add3A_134 = arith.addf %dot_general3A_129, %add3A_133 : vector<64x128xf32>
      %swap3A_135 = arith.constant 0 : index
      %swap3A_136 = arith.constant 0 : index
      %swap3A_137 = vector.load %arg9[%swap3A_135, %swap3A_136] : memref<64x128xf32, #tpu.memory_space<vmem>>, vector<64x128xf32>
      tpu.vector_store %arg9[%swap3A_135, %swap3A_136], %add3A_134 {strides = array<i32>} : memref<64x128xf32, #tpu.memory_space<vmem>>, vector<64x128xf32>,
    } else {
    }
    return
  }
  func.func @transform_0(%arg0: i32) -> (i32, i32, i32) {
    %c0_i32 = arith.constant 0 : i32
    %c0_i32_0 = arith.constant 0 : i32
    %c0_i32_1 = arith.constant 0 : i32
    return %c0_i32, %arg0, %c0_i32_0 : i32, i32, i32
  }
  func.func @transform_1(%arg0: i32) -> (i32, i32, i32) {
    %c0_i32 = arith.constant 0 : i32
    %c0_i32_0 = arith.constant 0 : i32
    %c0_i32_1 = arith.constant 0 : i32
    return %c0_i32, %arg0, %c0_i32_0 : i32, i32, i32
  }
  func.func @transform_2(%arg0: i32) -> (i32, i32, i32) {
    %c0_i32 = arith.constant 0 : i32
    %c0_i32_0 = arith.constant 0 : i32
    %c0_i32_1 = arith.constant 0 : i32
    return %c0_i32, %arg0, %c0_i32_0 : i32, i32, i32
  }
  func.func @transform_3(%arg0: i32) -> (i32, i32) {
    %c0_i32 = arith.constant 0 : i32
    %c0_i32_0 = arith.constant 0 : i32
    %c0_i32_1 = arith.constant 0 : i32
    return %c0_i32, %c0_i32_0 : i32, i32
  }
  func.func @transform_4(%arg0: i32) -> (i32, i32) {
    %c0_i32 = arith.constant 0 : i32
    %c0_i32_0 = arith.constant 0 : i32
    return %arg0, %c0_i32 : i32, i32
  }
  func.func @transform_5(%arg0: i32) -> (i32, i32) {
    %c0_i32 = arith.constant 0 : i32
    %c0_i32_0 = arith.constant 0 : i32
    return %arg0, %c0_i32 : i32, i32
  }
  func.func @transform_6(%arg0: i32) -> (i32, i32) {
    %c0_i32 = arith.constant 0 : i32
    %c0_i32_0 = arith.constant 0 : i32
    %c0_i32_1 = arith.constant 0 : i32
    return %c0_i32, %c0_i32_0 : i32, i32
  }
  func.func @transform_7(%arg0: i32) -> (i32, i32) {
    %c0_i32 = arith.constant 0 : i32
    %c0_i32_0 = arith.constant 0 : i32
    %c0_i32_1 = arith.constant 0 : i32
    return %c0_i32, %c0_i32_0 : i32, i32
  }
  func.func @transform_8(%arg0: i32) -> (i32, i32) {
    %c0_i32 = arith.constant 0 : i32
    %c0_i32_0 = arith.constant 0 : i32
    %c0_i32_1 = arith.constant 0 : i32
    return %c0_i32, %c0_i32_0 : i32, i32
  }
}

</mosaic_0001>

<sc_bundles>
// kernel: kernel.6.cloned.1.call-start
scs
__scs_entry_jumppad:
0x0: {  	(pc) =	sbr.rel $0x88, $3  }
0x1: {  	(tag) =	ssettag $0x0;
	lr =	simm.s32 $0x1  }
0x2: {  	[smem:$0x3F99] =	sst lr;
	_ =	strace $0xD0000000  }
0x3: {  	_ = 	snop  }
0x4: {  	_ = 	snop  }
0x5: {  	_ = 	snop  }
0x6: {  	_ = 	snop  }
0x7: {  	_ = 	snop  }
__scs_overlays_trampoline_lowered:
0x8: {  	[smem:$0x3FA8] =	sst s0  }
0x9: {  	[smem:$0x3FA9] =	sst s1  }
0xa: {  	[smem:$0x3FAA] =	sst s2  }
0xb: {  	[smem:$0x3FAB] =	sst s3  }
0xc: {  	[smem:$0x3FAC] =	sst s4  }
0xd: {  	[smem:$0x3FAD] =	sst s5  }
0xe: {  	[smem:$0x3FAE] =	sst s6  }
0xf: {  	[smem:$0x3FAF] =	sst s7  }
0x10: {  	[smem:$0x3FB0] =	sst s8  }
0x11: {  	[smem:$0x3FB1] =	sst s9;
	s0 =	simm.s32 @!p0 $0x0  }
0x12: {  	s1 =	sld [smem:$0x3F97];
	s0 =	simm.s32 @p0 $0x1  }
0x13: {  	[smem:$0x3FB2] =	sst s0;
	s0 =	simm.s32 @!p1 $0x0  }
0x14: {  	s2 =	sld [smem:$0x3F96];
	s0 =	simm.s32 @p1 $0x1  }
0x15: {  	[smem:$0x3FB3] =	sst s0;
	s0 =	simm.s32 @!p2 $0x0  }
0x16: {  	s3 =	sld [smem:$0x3FDB];
	s0 =	simm.s32 @p2 $0x1  }
0x17: {  	s4 =	simm.s32 $0x1BF5;
	[smem:$0x3FB5] =	sst s0  }
0x18: {  	s0 =	sld [smem:$0x3F98];
	_ =	swait.ge [sflag:s4], $0x0  }
0x19: {  	s7 =	sld [smem:$0x3F99]  }
0x1a: {  	s8 =	sadd.s32 $0xFFFFE003, lr  }
0x1b: {  	s9 =	sadd.s32 $0xFFFFFEF7, lr;
	s5 =	simm.s32 $0xFFFFFFFF;
	p2 =	slt.u32 s8, $0xFFFFF086  }
0x1c: {  	p1 =	slt.u32 s9, $0xF7A;
	s5 =	simm.s32 @!p2 $0x0  }
0x1d: {  	s5 =	simm.s32 @p1 $0x1;
	p0 =	seq.s32 s7, s2  }
0x1e: {  	s7 =	smul.u32 @!p0 $0xF7A, s2;
	p2 =	seq.s32 @!p0 s5, $0x0  }
0x1f: {  	s9 =	smul.u32 $0xF7A, s1;
	s8 =	simm.s32 @!p0 $0x1BF5;
	p2 =	por !p2, p0  }
0x20: {  	[sflag:s8] =	ssyncset.s32 @!p0 $0xFFFFF086;
	s6 =	sadd.s32 @!p0 s3, s7;
	s7 =	simm.s32 @!p0 $0x108  }
0x21: {  	s3 =	sadd.s32 s3, s9;
	s6 =	sadd.s32 @!p0 $0x88, s6;
	s7 =	simm.s32 @p2 $0x1082  }
0x22: {  	[simem:s7], [sflag:s8] =	dma.local @!p0 [hbm:s6], $0xF7A  }
0x23: {  	s9 =	sor.u32 $0xD0000000, s2;
	s6 =	simm.s32 $0x108;
	_ =	swait.ge @!p0 [sflag:s8], $0x0  }
0x24: {  	s3 =	sadd.s32 $0x88, s3;
	s6 =	simm.s32 @!p1 $0x1082;
	[sflag:s4] =	ssyncset.s32 $0xFFFFF086  }
0x25: {  	[simem:s6], [sflag:s4] =	dma.local [hbm:s3], $0xF7A  }
0x26: {  	[smem:$0x3F99] =	sst s1;
	(tag) =	ssettag s2;
	_ =	strace s9  }
0x27: {  	s1 =	sld [smem:$0x3FA9]  }
0x28: {  	s2 =	sld [smem:$0x3FAA]  }
0x29: {  	s4 =	sld [smem:$0x3FAC]  }
0x2a: {  	p0 =	seq.s32 s5, $0x0;
	s5 =	sld [smem:$0x3FAD]  }
0x2b: {  	s6 =	sld [smem:$0x3FAE]  }
0x2c: {  	s7 =	sld [smem:$0x3FAF]  }
0x2d: {  	s3 =	simm.s32 $0x108;
	s8 =	sld [smem:$0x3FB0]  }
0x2e: {  	s3 =	simm.s32 @!p0 $0x1082;
	s9 =	sld [smem:$0x3FB1]  }
0x2f: {  	lr =	sadd.s32 s0, s3;
	s0 =	sld [smem:$0x3FA8]  }
0x30: {  	s3 =	sld [smem:$0x3FAB]  }
0x31: {  	[smem:$0x3FB4] =	sst s10  }
0x32: {  	s10 =	sld [smem:$0x3FB2];
	_ =	sdelay $0x3  }
0x33: {  	p0 =	seq.s32 s10, $0x1;
	s10 =	sld [smem:$0x3FB4];
	_ =	sdelay $0x3  }
0x34: {  	[smem:$0x3FB4] =	sst s10  }
0x35: {  	s10 =	sld [smem:$0x3FB3];
	_ =	sdelay $0x3  }
0x36: {  	p1 =	seq.s32 s10, $0x1;
	s10 =	sld [smem:$0x3FB4];
	_ =	sdelay $0x3  }
0x37: {  	[smem:$0x3FB4] =	sst s10  }
0x38: {  	s10 =	sld [smem:$0x3FB5]  }
0x39: {  	_ = 	snop;
	(pc) =	sbr.ind lr, $3  }
0x3a: {  	_ = 	snop  }
0x3b: {  	_ = 	snop  }
0x3c: {  	p2 =	seq.s32 s10, $0x1;
	s10 =	sld [smem:$0x3FB4]  }
0x3d: {  	_ =	shalt  }
0x3e: {  	_ =	shalt  }
0x3f: {  	_ =	shalt  }
0x40: {  	_ =	shalt  }
0x41: {  	_ =	shalt  }
0x42: {  	_ =	shalt  }
0x43: {  	_ =	shalt  }
0x44: {  	_ =	shalt  }
0x45: {  	_ =	shalt  }
0x46: {  	_ =	shalt  }
0x47: {  	_ =	shalt  }
0x48: {  	_ =	shalt  }
0x49: {  	_ =	shalt  }
0x4a: {  	_ =	shalt  }
0x4b: {  	_ =	shalt  }
0x4c: {  	_ =	shalt  }
0x4d: {  	_ =	shalt  }
0x4e: {  	_ =	shalt  }
0x4f: {  	_ =	shalt  }
0x50: {  	_ =	shalt  }
0x51: {  	_ =	shalt  }
0x52: {  	_ =	shalt  }
0x53: {  	_ =	shalt  }
0x54: {  	_ =	shalt  }
0x55: {  	_ =	shalt  }
0x56: {  	_ =	shalt  }
0x57: {  	_ =	shalt  }
0x58: {  	_ =	shalt  }
0x59: {  	_ =	shalt  }
0x5a: {  	_ =	shalt  }
0x5b: {  	_ =	shalt  }
0x5c: {  	_ =	shalt  }
0x5d: {  	_ =	shalt  }
0x5e: {  	_ =	shalt  }
0x5f: {  	_ =	shalt  }
0x60: {  	_ =	shalt  }
0x61: {  	_ =	shalt  }
0x62: {  	_ =	shalt  }
0x63: {  	_ =	shalt  }
0x64: {  	_ =	shalt  }
0x65: {  	_ =	shalt  }
0x66: {  	_ =	shalt  }
0x67: {  	_ =	shalt  }
0x68: {  	_ =	shalt  }
0x69: {  	_ =	shalt  }
0x6a: {  	_ =	shalt  }
0x6b: {  	_ =	shalt  }
0x6c: {  	_ =	shalt  }
0x6d: {  	_ =	shalt  }
0x6e: {  	_ =	shalt  }
0x6f: {  	_ =	shalt  }
0x70: {  	_ =	shalt  }
0x71: {  	_ =	shalt  }
0x72: {  	_ =	shalt  }
0x73: {  	_ =	shalt  }
0x74: {  	_ =	shalt  }
0x75: {  	_ =	shalt  }
0x76: {  	_ =	shalt  }
0x77: {  	_ =	shalt  }
0x78: {  	_ =	shalt  }
0x79: {  	_ =	shalt  }
0x7a: {  	_ =	shalt  }
0x7b: {  	_ =	shalt  }
0x7c: {  	_ =	shalt  }
0x7d: {  	_ =	shalt  }
0x7e: {  	_ =	shalt  }
0x7f: {  	_ =	shalt  }
0x80: {  	_ =	shalt  }
0x81: {  	_ =	shalt  }
0x82: {  	_ =	shalt  }
0x83: {  	_ =	shalt  }
0x84: {  	_ =	shalt  }
0x85: {  	_ =	shalt  }
0x86: {  	_ =	shalt  }
0x87: {  	_ =	shalt  }
.Lfunc_end0:
.L_simem_size_0:
called_computation_lowered:
.L_overlay_start_0:
0x88: {  	s2 =	sld [smem:$0x3FD9]  }
0x89: {  	s3 =	sld [smem:$0x3FFE];
	_ =	sdelay $0x1  }
0x8a: {  	s1 =	srdreg.scid  }
0x8b: {  	s0 =	sand.u32 $0x1, s1  }
0x8c: {  	s16 =	sshll.u32 s0, $0xA;
	s2 =	sadd.s32 s3, s2  }
0x8d: {  	s2 =	sadd.s32 s2, s16  }
0x8e: {  	[smem:$0x3FC0] =	sst s2  }
0x8f: {  	_ = 	snop  }
0x90: {  	(tm) =	ssettm $0x1  }
0x91: {  	s17 =	sld [smem:$0x3FFB];
	_ =	sdelay $0x3  }
0x92: {  	_ =	strace s17  }
0x93: {  	s2 =	sld [smem:$0x3FFC];
	_ =	sdelay $0x3  }
0x94: {  	_ =	strace s2  }
0x95: {  	s2 =	sld [smem:$0x3FFD];
	_ =	sdelay $0x3  }
0x96: {  	_ =	strace s2  }
0x97: {  	_ =	strace $0x8FFFFFFF  }
0x98: {  	s18 =	sld [smem:$0x3FDB];
	_ =	sdelay $0x1  }
0x99: {  	s19 =	simm.s32 $_scs_section_size  }
0x9a: {  	s4 =	simm.s32 $_size__tile_overlayer_lowered;
	s5 =	simm.s32 $_tile_overlayer_lowered  }
0x9b: {  	s22 =	simm.s32 $0x1BFF;
	s21 =	sshll.u32 s5, $0x1;
	s2 =	sadd.s32 s19, s18  }
0x9c: {  	s6 =	simm.s32 $0x0;
	s20 =	sshll.u32 s4, $0x1;
	s4 =	sadd.s32 s21, s2  }
0x9d: {  	[timem:s6], [sflag:s22] =	dma.local [hbm:s4], s20  }
0x9e: {  	_ =	swait.ge [sflag:s22], s20  }
0x9f: {  	s3 =	ssub.s32 $0x0, s20;
	[sflag:s22] =	ssyncset.done $0x0  }
0xa0: {  	[sflag:s22] =	ssyncadd.s32 s3;
	_ =	sdelay $0x1  }
0xa1: {  	s23 =	simm.s32 $0x1B8B  }
0xa2: {  	_ =	swait.ge [sflag:s23], $0x1  }
0xa3: {  	[sflag:s23] =	ssyncset.done $0x0  }
0xa4: {  	s25 =	simm.s32 $0x1B8E;
	s24 =	sld [smem:$0x3FFE];
	[sflag:s23] =	ssyncadd.s32 $0xFFFFFFFF  }
0xa5: {  	s26 =	simm.s32 $execute0_lowered;
	[smem:$0x3FD2] =	sst s25  }
0xa6: {  	s4 =	sshll.u32 s26, $0x1;
	_ =	strace $0x80000046;
	[dreg:$0x1] =	wrdreg $0xFFFFFFFF  }
0xa7: {  	s28 =	simm.s32 $_size_execute0_lowered;
	s2 =	sadd.s32 s2, s4;
	[dreg:$0x0] =	wrdreg $0x0  }
0xa8: {  	s4 =	sshll.u32 s28, $0x1;
	[dreg:$0x2] =	wrdreg s2  }
0xa9: {  	[dreg:$0x3] =	wrdreg s4  }
0xaa: {  	[dreg:$0x4] =	wrdreg $0xC0  }
0xab: {  	_ =	task [dreg:s6], $0x5FFFF  }
0xac: {  	[dreg:$0x1] =	wrdreg $0xFFFFFFFF  }
0xad: {  	[dreg:$0x0] =	wrdreg $0x60  }
0xae: {  	[dreg:$0x2] =	wrdreg s24  }
0xaf: {  	[dreg:$0x3] =	wrdreg $0x54000  }
0xb0: {  	[dreg:$0x4] =	wrdreg $0x9  }
0xb1: {  	_ =	task.clear_ibuf [dreg:s6], $0x5FFFF;
	_ =	strace $0x90000046  }
0xb2: {  	s29 =	simm.s32 $0x9;
	_ =	strace $0x80000048  }
0xb3: {  	_ =	swait.ge [sflag:s29], $0x1  }
0xb4: {  	[sflag:s29] =	ssyncadd.s32 $0xFFFFFFFF  }
0xb5: {  	_ =	strace $0x90000048  }
0xb6: {  	_ =	sfence  }
0xb7: {  	s30 =	sld [smem:$0x0];
	_ =	sdelay $0x2  }
0xb8: {  	s31 =	sshll.u32 s1, $0xD;
	s1 =	sshrl.u32 s1, $0x2  }
0xb9: {  	s3 =	sand.u32 $0x4000, s31;
	s1 =	sadd.s32 s1, s30  }
0xba: {  	s0 =	sor.u32 s3, s0;
	s1 =	sshll.u32 s1, $0x11  }
0xbb: {  	s0 =	sor.u32 s1, s0  }
0xbc: {  	s0 =	sadd.s32 $0x8F2B, s0  }
0xbd: {  	[sflag:s0] =	ssyncadd.remote.s32 $0x1  }
0xbe: {  	_ =	sfence.sel $0xFFFF  }
0xbf: {  	[dreg:$0x0] =	wrdreg $0xFFFFFFFF;
	(pc) =	sbr.abs _section_cstart, $3  }
0xc0: {  	[dreg:$0x1] =	wrdreg $0xFFFFFFFF  }
0xc1: {  	_ =	task.clear_ibuf [dreg:s6], $0x2FFFF;
	_ =	strace $0x9FFFFFFF  }
0xc2: {  	(tm) =	ssettm $0x7FFFFFFF  }
0xc3: {  	_ =	shalt  }
tec
execute0_lowered:
.L_overlay_start_1:
0x0: {  	(tag) =	ssettag $0x1  }
0x1: {  	s3 =	rddreg [dreg:$0x0]  }
0x2: {  	s1 =	rddreg [dreg:$0x1]  }
0x3: {  	s0 =	rddreg [dreg:$0x2]  }
0x4: {  	s10 =	stileid.u32;
	s4 =	srdreg.scid  }
0x5: {  	s2 =	simm.s32 $0x0;
	s14 =	simm.s32 $0x1;
	s5 =	smul.u32 $0x14000, s10  }
0x6: {  	s15 =	simm.s32 $0x0;
	s4 =	sand.u32 $0x1, s4;
	s9 =	smul.u32 $0x50000, s10  }
0x7: {  	[smem:$0x7FF] =	sst s2;
	s7 =	sadd.s32 $0x2400, s3;
	s29 =	smul.u32 $0x270, s10  }
0x8: {  	s28 =	sshll.u32 s10, $0x6;
	p0 =	seq.s32 s10, $0x0;
	s6 =	smul.u32 $0x140000, s4  }
0x9: {  	_ =	strace $0x80000047;
	s23 =	ssub.s32 $0x2, s4;
	s26 =	smul.u32 $0x2710, s4  }
0xa: {  	s4 =	sor.u32 $0x1C02, s28;
	s8 =	sshrl.u32 s5, $0x3;
	s24 =	sshrl.u32 s23, $0x1  }
0xb: {  	s25 =	sshrl.u32 s9, $0x2;
	s5 =	sadd.s32 s5, s6;
	s8 =	sadd.s32 s8, s3  }
0xc: {  	s12 =	ssub.s32 s23, s24;
	s13 =	sadd.s32 s25, s1;
	s30 =	sadd.s32 s29, s26  }
0xd: {  	s31 =	sadd.s32 s26, s7;
	s5 =	sshrl.u32 s5, $0x3;
	s6 =	sadd.s32 s7, s30  }
0xe: {  	s7 =	sadd.s32 $0x2700, s31;
	s9 =	smax.u32 s12, $0x1;
	s12 =	simm.s32 $0x80  }
0xf: {  	s11 =	sadd.s32 s5, s3;
	s3 =	sadd.s32 $0xC400, s8;
	s5 =	simm.s32 $0x28  }
0x10: {  	s5 =	simm.s32 @!p0 $0x27;
	s8 =	sadd.s32 $0x34400, s11;
	p0 =	sne.s32 s10, $0x0  }
0x11: {  	v0 =	vimm.f32 $1.000000000e+00;
	s10 =	sshrl.u32 s13, $0x3;
	s11 =	simm.s32 $0x2;
	s13 =	simm.s32 $0x1400  }
.LBB2_1:
0x12: {  	s16 =	simm.s32 $0x0;
	s17 =	simm.s32 $0x200  }
.LBB2_2:
0x13: {  	p1 =	sne.s32 s17, $0xFE00;
	[tilespmem:s16+$0x1470] =	vst v0  }
0x14: {  	[tilespmem:s16+$0x1400] =	vst v0  }
0x15: {  	[tilespmem:s16+$0x1410] =	vst v0  }
.Ltmp0:
0x16: {  	[tilespmem:s16+$0x1420] =	vst v0;
	(pc) =	sbr.rel @p1 .LBB2_2-.Ltmp0, $4  }
0x17: {  	[tilespmem:s16+$0x1430] =	vst v0  }
0x18: {  	[tilespmem:s16+$0x1440] =	vst v0  }
0x19: {  	[tilespmem:s16+$0x1450] =	vst v0  }
0x1a: {  	[tilespmem:s16+$0x1460] =	vst v0;
	s16 =	sshra.s32 s17, $0x2;
	s17 =	sadd.s32 $0x200, s17  }
0x1b: {  	[tilespmem:s16+$0x1470] =	vst v0  }
0x1c: {  	[tilespmem:s16+$0x1400] =	vst v0  }
0x1d: {  	[tilespmem:s16+$0x1410] =	vst v0  }
0x1e: {  	[tilespmem:s16+$0x1420] =	vst v0  }
0x1f: {  	[tilespmem:s16+$0x1430] =	vst v0  }
0x20: {  	[tilespmem:s16+$0x1440] =	vst v0  }
0x21: {  	[tilespmem:s16+$0x1450] =	vst v0  }
0x22: {  	[tilespmem:s16+$0x1460] =	vst v0  }
0x23: {  	[spmem:s10], [sflag:s4] =	dma.local [hbm:s3], $0x2800  }
0x24: {  	_ =	swait.ge [sflag:s11], $0x2800  }
0x25: {  	[sflag:s11] =	ssyncset.done $0x0  }
0x26: {  	[sflag:s11] =	ssyncadd.s32 $0xFFFFD800  }
0x27: {  	[tilespmem:s2], [sflag:$0x2] =	stream.linear.gather [hbm4b:s6+s2], $0x1380, $0x38;
	[tilespmem:$0x19400] =	vst v63  }
0x28: {  	_ =	swait.ge [sflag:s11], $0x1380  }
0x29: {  	[sflag:s11] =	ssyncset.done $0x0  }
0x2a: {  	s16 =	simm.s32 @!p0 $0x0;
	s17 =	simm.s32 @!p0 $0x1380;
	[sflag:s11] =	ssyncadd.s32 $0xFFFFEC80  }
0x2b: {  	[tilespmem:s17], [sflag:$0x2] =	stream.linear.gather @!p0 [hbm4b:s7+s16], $0x80, $0x38;
	[tilespmem:$0x19400] =	vst v63  }
0x2c: {  	p1 =	sne.s32 s5, $0x1;
	s16 =	simm.s32 @!p0 $0x2  }
.Ltmp1:
0x2d: {  	_ =	swait.ge @!p0 [sflag:s16], $0x80;
	(pc) =	sbr.rel @!p1 .LBB2_5-.Ltmp1, $4  }
0x2e: {  	[sflag:s16] =	ssyncset.done @!p0 $0x0  }
0x2f: {  	[sflag:s16] =	ssyncadd.s32 @!p0 $0xFFFFFF80  }
0x30: {  	s17 =	sadd.s32 $0xFFFFFFFF, s5;
	s16 =	simm.s32 $0x0;
	[bflag:$0x0] =	sbarrier.arrive $0xFFFF  }
0x31: {  	[spmem:s1] =	stream.indirect.scatter.add.f32 [tilespmem:s13], [sflag:$0x1], $0x80, s16, s12, $0xb8;
	[tilespmem:$0x19400] =	vst v63  }
.LBB2_4:
0x32: {  	p2 =	sne.s32 s17, $0x1  }
.Ltmp2:
0x33: {  	_ = 	snop;
	(pc) =	sbr.rel @p2 .LBB2_4-.Ltmp2, $3  }
0x34: {  	_ = 	snop  }
0x35: {  	s17 =	sadd.s32 $0xFFFFFFFF, s17;
	s16 =	sadd.s32 $0x80, s16;
	_ =	sdelay $0x1  }
0x36: {  	[spmem:s1] =	stream.indirect.scatter.add.f32 [tilespmem:s13], [sflag:$0x1], $0x80, s16, s12, $0xb8;
	[tilespmem:$0x19400] =	vst v63  }
.LBB2_5:
.Ltmp3:
0x37: {  	(pc) =	sbr.rel @!p1 .LBB2_7-.Ltmp3, $3  }
0x38: {  	_ =	sdelay $0x1  }
0x39: {  	_ =	swait.ge [sflag:s14], $0x4000  }
0x3a: {  	s16 =	sadd.s32 $0xFFFFFFFF, s5;
	[sflag:s14] =	ssyncset.done $0x0  }
.LBB2_6:
0x3b: {  	p1 =	sne.s32 s16, $0x1;
	s16 =	sadd.s32 $0xFFFFFFFF, s16;
	[sflag:s14] =	ssyncadd.s32 $0xFFFFC000  }
.Ltmp4:
0x3c: {  	(pc) =	sbr.rel @p1 .LBB2_6-.Ltmp4, $3  }
0x3d: {  	_ =	sdelay $0x1  }
0x3e: {  	_ =	swait.ge [sflag:s14], $0x4000  }
0x3f: {  	[sflag:s14] =	ssyncset.done $0x0  }
.LBB2_7:
0x40: {  	s15 =	sadd.s32 $0x1, s15  }
0x41: {  	[sflag:s14] =	ssyncadd.s32 $0xFFFFC000;
	p1 =	sne.s32 s15, s9  }
.Ltmp5:
0x42: {  	[bflag:$0x0] =	sbarrier.arrive $0xFFFF;
	(pc) =	sbr.rel @p1 .LBB2_1-.Ltmp5, $4  }
0x43: {  	[hbm:s8], [sflag:s4] =	dma.local [spmem:s10], $0x2800  }
0x44: {  	_ =	swait.ge [sflag:s11], $0x2800  }
0x45: {  	[sflag:s11] =	ssyncset.done $0x0  }
0x46: {  	[sflag:s11] =	ssyncadd.s32 $0xFFFFD800  }
0x47: {  	_ =	sfence.sel $0x180000  }
0x48: {  	[bflag:$0x0] =	sbarrier.arrive $0xFFFF  }
0x49: {  	_ =	strace $0x90000047  }
0x4a: {  	s0 =	sadd.s32 @!p0 $0x100000, s0;
	[bflag:$0x2] =	sbarrier.arrive $0xFFFF  }
0x4b: {  	[sflag:s0] =	ssyncadd.tile.s32 @!p0 $0x1;
	_ =	shalt  }
.Lfunc_end2:
_tile_overlayer_lowered:
.L_overlay_start_2:
0x4c: {  	(tag) =	ssettag $0x2  }
0x4d: {  	s0 =	rddreg [dreg:$0x0];
	s2 =	stileid.u32  }
0x4e: {  	s1 =	rddreg [dreg:$0x1];
	p0 =	sne.s32 s2, $0x0  }
0x4f: {  	s3 =	rddreg [dreg:$0x2];
	[bflag:$0x3] =	sbarrier.arrive $0xFFFF;
	s2 =	simm.s32 @!p0 $0x1C02  }
0x50: {  	[timem:s3], [sflag:s2] =	dma.local @!p0 [hbm:s0], s1  }
0x51: {  	s0 =	simm.s32 @!p0 $0x2  }
0x52: {  	_ =	swait.ge @!p0 [sflag:s0], s1  }
0x53: {  	s1 =	ssub.s32 @!p0 $0x0, s1;
	[sflag:s0] =	ssyncset.done @!p0 $0x0  }
0x54: {  	[sflag:s0] =	ssyncadd.s32 @!p0 s1  }
0x55: {  	[bflag:$0x3] =	sbarrier.arrive $0xFFFF  }
0x56: {  	_ =	shalt  }

// kernel: kernel.9.cloned.1.call-start
scs
__scs_entry_jumppad:
0x0: {  	(pc) =	sbr.rel $0x88, $3  }
0x1: {  	(tag) =	ssettag $0x0;
	lr =	simm.s32 $0x1  }
0x2: {  	[smem:$0x3F99] =	sst lr;
	_ =	strace $0xD0000000  }
0x3: {  	_ = 	snop  }
0x4: {  	_ = 	snop  }
0x5: {  	_ = 	snop  }
0x6: {  	_ = 	snop  }
0x7: {  	_ = 	snop  }
__scs_overlays_trampoline_lowered:
0x8: {  	[smem:$0x3FA8] =	sst s0  }
0x9: {  	[smem:$0x3FA9] =	sst s1  }
0xa: {  	[smem:$0x3FAA] =	sst s2  }
0xb: {  	[smem:$0x3FAB] =	sst s3  }
0xc: {  	[smem:$0x3FAC] =	sst s4  }
0xd: {  	[smem:$0x3FAD] =	sst s5  }
0xe: {  	[smem:$0x3FAE] =	sst s6  }
0xf: {  	[smem:$0x3FAF] =	sst s7  }
0x10: {  	[smem:$0x3FB0] =	sst s8  }
0x11: {  	[smem:$0x3FB1] =	sst s9;
	s0 =	simm.s32 @!p0 $0x0  }
0x12: {  	s1 =	sld [smem:$0x3F97];
	s0 =	simm.s32 @p0 $0x1  }
0x13: {  	[smem:$0x3FB2] =	sst s0;
	s0 =	simm.s32 @!p1 $0x0  }
0x14: {  	s2 =	sld [smem:$0x3F96];
	s0 =	simm.s32 @p1 $0x1  }
0x15: {  	[smem:$0x3FB3] =	sst s0;
	s0 =	simm.s32 @!p2 $0x0  }
0x16: {  	s3 =	sld [smem:$0x3FDB];
	s0 =	simm.s32 @p2 $0x1  }
0x17: {  	s4 =	simm.s32 $0x1BF5;
	[smem:$0x3FB5] =	sst s0  }
0x18: {  	s0 =	sld [smem:$0x3F98];
	_ =	swait.ge [sflag:s4], $0x0  }
0x19: {  	s7 =	sld [smem:$0x3F99]  }
0x1a: {  	s8 =	sadd.s32 $0xFFFFE003, lr  }
0x1b: {  	s9 =	sadd.s32 $0xFFFFFEF7, lr;
	s5 =	simm.s32 $0xFFFFFFFF;
	p2 =	slt.u32 s8, $0xFFFFF086  }
0x1c: {  	p1 =	slt.u32 s9, $0xF7A;
	s5 =	simm.s32 @!p2 $0x0  }
0x1d: {  	s5 =	simm.s32 @p1 $0x1;
	p0 =	seq.s32 s7, s2  }
0x1e: {  	s7 =	smul.u32 @!p0 $0xF7A, s2;
	p2 =	seq.s32 @!p0 s5, $0x0  }
0x1f: {  	s9 =	smul.u32 $0xF7A, s1;
	s8 =	simm.s32 @!p0 $0x1BF5;
	p2 =	por !p2, p0  }
0x20: {  	[sflag:s8] =	ssyncset.s32 @!p0 $0xFFFFF086;
	s6 =	sadd.s32 @!p0 s3, s7;
	s7 =	simm.s32 @!p0 $0x108  }
0x21: {  	s3 =	sadd.s32 s3, s9;
	s6 =	sadd.s32 @!p0 $0x88, s6;
	s7 =	simm.s32 @p2 $0x1082  }
0x22: {  	[simem:s7], [sflag:s8] =	dma.local @!p0 [hbm:s6], $0xF7A  }
0x23: {  	s9 =	sor.u32 $0xD0000000, s2;
	s6 =	simm.s32 $0x108;
	_ =	swait.ge @!p0 [sflag:s8], $0x0  }
0x24: {  	s3 =	sadd.s32 $0x88, s3;
	s6 =	simm.s32 @!p1 $0x1082;
	[sflag:s4] =	ssyncset.s32 $0xFFFFF086  }
0x25: {  	[simem:s6], [sflag:s4] =	dma.local [hbm:s3], $0xF7A  }
0x26: {  	[smem:$0x3F99] =	sst s1;
	(tag) =	ssettag s2;
	_ =	strace s9  }
0x27: {  	s1 =	sld [smem:$0x3FA9]  }
0x28: {  	s2 =	sld [smem:$0x3FAA]  }
0x29: {  	s4 =	sld [smem:$0x3FAC]  }
0x2a: {  	p0 =	seq.s32 s5, $0x0;
	s5 =	sld [smem:$0x3FAD]  }
0x2b: {  	s6 =	sld [smem:$0x3FAE]  }
0x2c: {  	s7 =	sld [smem:$0x3FAF]  }
0x2d: {  	s3 =	simm.s32 $0x108;
	s8 =	sld [smem:$0x3FB0]  }
0x2e: {  	s3 =	simm.s32 @!p0 $0x1082;
	s9 =	sld [smem:$0x3FB1]  }
0x2f: {  	lr =	sadd.s32 s0, s3;
	s0 =	sld [smem:$0x3FA8]  }
0x30: {  	s3 =	sld [smem:$0x3FAB]  }
0x31: {  	[smem:$0x3FB4] =	sst s10  }
0x32: {  	s10 =	sld [smem:$0x3FB2];
	_ =	sdelay $0x3  }
0x33: {  	p0 =	seq.s32 s10, $0x1;
	s10 =	sld [smem:$0x3FB4];
	_ =	sdelay $0x3  }
0x34: {  	[smem:$0x3FB4] =	sst s10  }
0x35: {  	s10 =	sld [smem:$0x3FB3];
	_ =	sdelay $0x3  }
0x36: {  	p1 =	seq.s32 s10, $0x1;
	s10 =	sld [smem:$0x3FB4];
	_ =	sdelay $0x3  }
0x37: {  	[smem:$0x3FB4] =	sst s10  }
0x38: {  	s10 =	sld [smem:$0x3FB5]  }
0x39: {  	_ = 	snop;
	(pc) =	sbr.ind lr, $3  }
0x3a: {  	_ = 	snop  }
0x3b: {  	_ = 	snop  }
0x3c: {  	p2 =	seq.s32 s10, $0x1;
	s10 =	sld [smem:$0x3FB4]  }
0x3d: {  	_ =	shalt  }
0x3e: {  	_ =	shalt  }
0x3f: {  	_ =	shalt  }
0x40: {  	_ =	shalt  }
0x41: {  	_ =	shalt  }
0x42: {  	_ =	shalt  }
0x43: {  	_ =	shalt  }
0x44: {  	_ =	shalt  }
0x45: {  	_ =	shalt  }
0x46: {  	_ =	shalt  }
0x47: {  	_ =	shalt  }
0x48: {  	_ =	shalt  }
0x49: {  	_ =	shalt  }
0x4a: {  	_ =	shalt  }
0x4b: {  	_ =	shalt  }
0x4c: {  	_ =	shalt  }
0x4d: {  	_ =	shalt  }
0x4e: {  	_ =	shalt  }
0x4f: {  	_ =	shalt  }
0x50: {  	_ =	shalt  }
0x51: {  	_ =	shalt  }
0x52: {  	_ =	shalt  }
0x53: {  	_ =	shalt  }
0x54: {  	_ =	shalt  }
0x55: {  	_ =	shalt  }
0x56: {  	_ =	shalt  }
0x57: {  	_ =	shalt  }
0x58: {  	_ =	shalt  }
0x59: {  	_ =	shalt  }
0x5a: {  	_ =	shalt  }
0x5b: {  	_ =	shalt  }
0x5c: {  	_ =	shalt  }
0x5d: {  	_ =	shalt  }
0x5e: {  	_ =	shalt  }
0x5f: {  	_ =	shalt  }
0x60: {  	_ =	shalt  }
0x61: {  	_ =	shalt  }
0x62: {  	_ =	shalt  }
0x63: {  	_ =	shalt  }
0x64: {  	_ =	shalt  }
0x65: {  	_ =	shalt  }
0x66: {  	_ =	shalt  }
0x67: {  	_ =	shalt  }
0x68: {  	_ =	shalt  }
0x69: {  	_ =	shalt  }
0x6a: {  	_ =	shalt  }
0x6b: {  	_ =	shalt  }
0x6c: {  	_ =	shalt  }
0x6d: {  	_ =	shalt  }
0x6e: {  	_ =	shalt  }
0x6f: {  	_ =	shalt  }
0x70: {  	_ =	shalt  }
0x71: {  	_ =	shalt  }
0x72: {  	_ =	shalt  }
0x73: {  	_ =	shalt  }
0x74: {  	_ =	shalt  }
0x75: {  	_ =	shalt  }
0x76: {  	_ =	shalt  }
0x77: {  	_ =	shalt  }
0x78: {  	_ =	shalt  }
0x79: {  	_ =	shalt  }
0x7a: {  	_ =	shalt  }
0x7b: {  	_ =	shalt  }
0x7c: {  	_ =	shalt  }
0x7d: {  	_ =	shalt  }
0x7e: {  	_ =	shalt  }
0x7f: {  	_ =	shalt  }
0x80: {  	_ =	shalt  }
0x81: {  	_ =	shalt  }
0x82: {  	_ =	shalt  }
0x83: {  	_ =	shalt  }
0x84: {  	_ =	shalt  }
0x85: {  	_ =	shalt  }
0x86: {  	_ =	shalt  }
0x87: {  	_ =	shalt  }
.Lfunc_end0:
.L_simem_size_0:
called_computation.1_lowered:
.L_overlay_start_0:
0x88: {  	s2 =	sld [smem:$0x3FD9]  }
0x89: {  	s3 =	sld [smem:$0x3FFE];
	_ =	sdelay $0x1  }
0x8a: {  	s1 =	srdreg.scid  }
0x8b: {  	s0 =	sand.u32 $0x1, s1  }
0x8c: {  	s16 =	sshll.u32 s0, $0xA;
	s2 =	sadd.s32 s3, s2  }
0x8d: {  	s2 =	sadd.s32 s2, s16  }
0x8e: {  	[smem:$0x3FC0] =	sst s2  }
0x8f: {  	_ = 	snop  }
0x90: {  	(tm) =	ssettm $0x1  }
0x91: {  	s17 =	sld [smem:$0x3FFB];
	_ =	sdelay $0x3  }
0x92: {  	_ =	strace s17  }
0x93: {  	s2 =	sld [smem:$0x3FFC];
	_ =	sdelay $0x3  }
0x94: {  	_ =	strace s2  }
0x95: {  	s2 =	sld [smem:$0x3FFD];
	_ =	sdelay $0x3  }
0x96: {  	_ =	strace s2  }
0x97: {  	_ =	strace $0x8FFFFFFF  }
0x98: {  	s18 =	sld [smem:$0x3FDB];
	_ =	sdelay $0x1  }
0x99: {  	s19 =	simm.s32 $_scs_section_size  }
0x9a: {  	s4 =	simm.s32 $_size__tile_overlayer_lowered;
	s5 =	simm.s32 $_tile_overlayer_lowered  }
0x9b: {  	s22 =	simm.s32 $0x1BFF;
	s21 =	sshll.u32 s5, $0x1;
	s2 =	sadd.s32 s19, s18  }
0x9c: {  	s6 =	simm.s32 $0x0;
	s20 =	sshll.u32 s4, $0x1;
	s4 =	sadd.s32 s21, s2  }
0x9d: {  	[timem:s6], [sflag:s22] =	dma.local [hbm:s4], s20  }
0x9e: {  	_ =	swait.ge [sflag:s22], s20  }
0x9f: {  	s3 =	ssub.s32 $0x0, s20;
	[sflag:s22] =	ssyncset.done $0x0  }
0xa0: {  	[sflag:s22] =	ssyncadd.s32 s3;
	_ =	sdelay $0x1  }
0xa1: {  	s23 =	simm.s32 $0x1B8B  }
0xa2: {  	_ =	swait.ge [sflag:s23], $0x1  }
0xa3: {  	[sflag:s23] =	ssyncset.done $0x0  }
0xa4: {  	s25 =	simm.s32 $0x1B8E;
	s24 =	sld [smem:$0x3FFE];
	[sflag:s23] =	ssyncadd.s32 $0xFFFFFFFF  }
0xa5: {  	s26 =	simm.s32 $execute0_lowered;
	[smem:$0x3FD2] =	sst s25  }
0xa6: {  	s4 =	sshll.u32 s26, $0x1;
	_ =	strace $0x80000049;
	[dreg:$0x1] =	wrdreg $0xFFFFFFFF  }
0xa7: {  	s28 =	simm.s32 $_size_execute0_lowered;
	s2 =	sadd.s32 s2, s4;
	[dreg:$0x0] =	wrdreg $0x0  }
0xa8: {  	s4 =	sshll.u32 s28, $0x1;
	[dreg:$0x2] =	wrdreg s2  }
0xa9: {  	[dreg:$0x3] =	wrdreg s4  }
0xaa: {  	[dreg:$0x4] =	wrdreg $0xC0  }
0xab: {  	_ =	task [dreg:s6], $0x5FFFF  }
0xac: {  	[dreg:$0x1] =	wrdreg $0xFFFFFFFF  }
0xad: {  	[dreg:$0x0] =	wrdreg $0x60  }
0xae: {  	[dreg:$0x2] =	wrdreg s24  }
0xaf: {  	[dreg:$0x3] =	wrdreg $0x8C000  }
0xb0: {  	[dreg:$0x4] =	wrdreg $0x9  }
0xb1: {  	_ =	task.clear_ibuf [dreg:s6], $0x5FFFF;
	_ =	strace $0x90000049  }
0xb2: {  	s29 =	simm.s32 $0x9;
	_ =	strace $0x8000004B  }
0xb3: {  	_ =	swait.ge [sflag:s29], $0x1  }
0xb4: {  	[sflag:s29] =	ssyncadd.s32 $0xFFFFFFFF  }
0xb5: {  	_ =	strace $0x9000004B  }
0xb6: {  	_ =	sfence  }
0xb7: {  	s30 =	sld [smem:$0x0];
	_ =	sdelay $0x2  }
0xb8: {  	s31 =	sshll.u32 s1, $0xD;
	s1 =	sshrl.u32 s1, $0x2  }
0xb9: {  	s3 =	sand.u32 $0x4000, s31;
	s1 =	sadd.s32 s1, s30  }
0xba: {  	s0 =	sor.u32 s3, s0;
	s1 =	sshll.u32 s1, $0x11  }
0xbb: {  	s0 =	sor.u32 s1, s0  }
0xbc: {  	s0 =	sadd.s32 $0x8F2B, s0  }
0xbd: {  	[sflag:s0] =	ssyncadd.remote.s32 $0x1  }
0xbe: {  	_ =	sfence.sel $0xFFFF  }
0xbf: {  	[dreg:$0x0] =	wrdreg $0xFFFFFFFF;
	(pc) =	sbr.abs _section_cstart, $3  }
0xc0: {  	[dreg:$0x1] =	wrdreg $0xFFFFFFFF  }
0xc1: {  	_ =	task.clear_ibuf [dreg:s6], $0x2FFFF;
	_ =	strace $0x9FFFFFFF  }
0xc2: {  	(tm) =	ssettm $0x7FFFFFFF  }
0xc3: {  	_ =	shalt  }
tec
execute0_lowered:
.L_overlay_start_1:
0x0: {  	(tag) =	ssettag $0x1  }
0x1: {  	s0 =	rddreg [dreg:$0x0]  }
0x2: {  	s2 =	rddreg [dreg:$0x1];
	s3 =	simm.s32 $0x0  }
0x3: {  	s11 =	stileid.u32;
	s1 =	srdreg.scid;
	s28 =	simm.s32 $0x2  }
0x4: {  	s29 =	simm.s32 $0x0;
	[smem:$0x7FF] =	sst s3;
	s6 =	smul.u32 $0x14000, s11  }
0x5: {  	s1 =	sand.u32 $0x1, s1;
	s12 =	sadd.s32 $0x7400, s0;
	s9 =	smul.u32 $0x50000, s11  }
0x6: {  	s13 =	sadd.s32 $0x2400, s0;
	s4 =	sadd.s32 $0xAB600, s0;
	s22 =	smul.u32 $0x4E0, s11  }
0x7: {  	s5 =	sadd.s32 $0x84400, s0;
	s23 =	sshll.u32 s11, $0x6;
	s10 =	smul.u32 $0x2700, s11  }
0x8: {  	s25 =	sshll.u32 s11, $0x4;
	p1 =	sgt.u32 s11, $0x1;
	p2 =	slt.u32 s11, $0x2  }
0x9: {  	_ =	strace $0x8000004A;
	s7 =	smul.u32 $0x140000, s1;
	s19 =	ssub.s32 $0x2, s1  }
0xa: {  	p0 =	seq.s32 s1, $0x1;
	s14 =	sor.u32 $0x4E00, s25;
	s25 =	simm.s32 $0x4C00  }
0xb: {  	s8 =	sshrl.u32 s6, $0x3;
	s20 =	sshrl.u32 s19, $0x1;
	s21 =	sshrl.u32 s9, $0x2  }
0xc: {  	s24 =	sshrl.u32 s10, $0x3;
	s9 =	sadd.s32 s13, s22;
	s30 =	sadd.s32 s12, s14  }
0xd: {  	s31 =	sadd.s32 s13, s14;
	s14 =	simm.s32 $0x600;
	s6 =	sadd.s32 s6, s7  }
0xe: {  	s8 =	sadd.s32 s8, s0;
	s16 =	sadd.s32 s21, s2;
	[dreg:$0x6] =	wrdreg s30  }
0xf: {  	s7 =	sor.u32 $0x1C04, s23;
	s1 =	sadd.s32 $0x60, s24;
	[dreg:$0x7] =	wrdreg s31  }
0x10: {  	s23 =	simm.s32 $0x80;
	s24 =	simm.s32 $0xC00;
	s6 =	sshrl.u32 s6, $0x3  }
0x11: {  	s8 =	sadd.s32 $0xC400, s8;
	s26 =	sadd.s32 s12, s1;
	s1 =	sadd.s32 s13, s1  }
.Ltmp0:
0x12: {  	s13 =	sadd.s32 $0xC0, s9;
	[dreg:$0x3] =	wrdreg s8;
	(pc) =	sbr.rel .LBB2_1-.Ltmp0, $4  }
0x13: {  	s18 =	sshrl.u32 s16, $0x3;
	s0 =	sadd.s32 s6, s0;
	[dreg:$0x4] =	wrdreg s26  }
0x14: {  	s6 =	ssub.s32 s19, s20;
	s8 =	sadd.s32 s12, s22;
	[dreg:$0x5] =	wrdreg s1  }
0x15: {  	s19 =	simm.s32 $0x4;
	s26 =	simm.s32 $0x1;
	s0 =	sadd.s32 $0xD2800, s0  }
0x16: {  	s15 =	smax.u32 s6, $0x1;
	s17 =	sadd.s32 $0xC0, s8;
	[dreg:$0x8] =	wrdreg s0  }
.LBB2_8:
0x17: {  	s1 =	rddreg [dreg:$0x6]  }
0x18: {  	[tilespmem:s3], [sflag:$0x4] =	stream.linear.gather [hbm4b:s1+s3], $0x80, $0x38;
	[tilespmem:$0x1CC00] =	vst v63  }
0x19: {  	_ =	swait.ge [sflag:s19], $0x80  }
0x1a: {  	[sflag:s19] =	ssyncset.done $0x0  }
0x1b: {  	s6 =	simm.s32 $0x600;
	s31 =	rddreg [dreg:$0x7];
	[sflag:s19] =	ssyncadd.s32 $0xFFFFFF80  }
0x1c: {  	[tilespmem:s6], [sflag:$0x4] =	stream.linear.gather [hbm4b:s31+s3], $0x80, $0x38;
	[tilespmem:$0x1CC00] =	vst v63  }
0x1d: {  	_ =	swait.ge [sflag:s19], $0x80  }
0x1e: {  	[sflag:s19] =	ssyncset.done $0x0  }
0x1f: {  	[sflag:s19] =	ssyncadd.s32 $0xFFFFFF80  }
0x20: {  	[tilespmem:s24], [sflag:$0x1] =	stream.indirect.gather [hbm4b:s0+s23], $0x80, s3, s23, $0xb8;
	[tilespmem:$0x1CC00] =	vst v63  }
0x21: {  	_ =	swait.ge [sflag:s26], $0x4000  }
0x22: {  	[sflag:s26] =	ssyncset.done $0x0  }
0x23: {  	[sflag:s26] =	ssyncadd.s32 $0xFFFFC000  }
0x24: {  	[spmem:s2] =	stream.indirect.scatter.add.f32 [tilespmem:s24], [sflag:$0x4], $0x80, s6, s23, $0xb8;
	[tilespmem:$0x1CC00] =	vst v63  }
0x25: {  	_ =	swait.ge [sflag:s19], $0x4000  }
0x26: {  	[sflag:s19] =	ssyncset.done $0x0  }
0x27: {  	s14 =	simm.s32 $0x600;
	[sflag:s19] =	ssyncadd.s32 $0xFFFFC000  }
.LBB2_9:
0x28: {  	s29 =	sadd.s32 $0x1, s29  }
0x29: {  	[bflag:$0x0] =	sbarrier.arrive $0xFFFF;
	p3 =	sne.s32 s29, s15  }
.Ltmp1:
0x2a: {  	s0 =	rddreg [dreg:$0x8];
	(pc) =	sbr.rel @!p3 .LBB2_10-.Ltmp1, $4  }
0x2b: {  	[hbm:s0], [sflag:s7] =	dma.local [spmem:s18], $0x2800  }
0x2c: {  	_ =	swait.ge [sflag:s19], $0x2800  }
0x2d: {  	[sflag:s19] =	ssyncset.done $0x0  }
0x2e: {  	[sflag:s19] =	ssyncadd.s32 $0xFFFFD800  }
.LBB2_1:
0x2f: {  	s0 =	rddreg [dreg:$0x3]  }
0x30: {  	[spmem:s18], [sflag:s7] =	dma.local [hbm:s0], $0x2800  }
0x31: {  	_ =	swait.ge [sflag:s19], $0x2800  }
0x32: {  	[sflag:s19] =	ssyncset.done $0x0  }
0x33: {  	[sflag:s19] =	ssyncadd.s32 $0xFFFFD800  }
0x34: {  	[bflag:$0x0] =	sbarrier.arrive $0xFFFF  }
0x35: {  	[tilespmem:s3], [sflag:$0x4] =	stream.linear.gather [hbm4b:s8+s3], $0x300, $0x38;
	[tilespmem:$0x1CC00] =	vst v63  }
0x36: {  	_ =	swait.ge [sflag:s19], $0x300  }
0x37: {  	[sflag:s19] =	ssyncset.done $0x0  }
0x38: {  	[sflag:s19] =	ssyncadd.s32 $0xFFFFFD00  }
0x39: {  	[tilespmem:s14], [sflag:$0x4] =	stream.linear.gather [hbm4b:s9+s3], $0x300, $0x38;
	[tilespmem:$0x1CC00] =	vst v63  }
0x3a: {  	_ =	swait.ge [sflag:s19], $0x300  }
0x3b: {  	[sflag:s19] =	ssyncset.done $0x0  }
0x3c: {  	s1 =	simm.s32 $0x300;
	s22 =	rddreg [dreg:$0x4];
	[sflag:s19] =	ssyncadd.s32 $0xFFFFFD00  }
0x3d: {  	[tilespmem:s1], [sflag:$0x3] =	stream.linear.gather [hbm4b:s22+s3], $0x300, $0x38;
	[tilespmem:$0x1CC00] =	vst v63  }
.Ltmp2:
0x3e: {  	_ = 	snop;
	(pc) =	sbr.rel @!p0 .LBB2_2-.Ltmp2, $4  }
0x3f: {  	s1 =	simm.s32 $0x0  }
0x40: {  	s31 =	simm.s32 $0x900;
	s30 =	rddreg [dreg:$0x5];
	s6 =	sand.u32 $0x1, s1  }
0x41: {  	[tilespmem:s31], [sflag:$0x3] =	stream.linear.gather [hbm4b:s30+s3], $0x300, $0x38;
	[tilespmem:$0x1CC00] =	vst v63  }
0x42: {  	s0 =	smul.u32 $0x300, s6  }
0x43: {  	[tilespmem:s24], [sflag:$0x1] =	stream.indirect.gather [hbm4b:s5+s23], $0x80, s1, s23, $0xb8;
	[tilespmem:$0x1CC00] =	vst v63  }
0x44: {  	s21 =	sor.u32 $0x80, s0  }
0x45: {  	[tilespmem:s25], [sflag:$0x2] =	stream.indirect.gather [hbm4b:s5+s23], $0x80, s21, s23, $0xb8;
	[tilespmem:$0x1CC00] =	vst v63  }
0x46: {  	_ =	swait.ge [sflag:s26], $0x4000  }
0x47: {  	[sflag:s26] =	ssyncset.done $0x0  }
0x48: {  	s21 =	sadd.s32 $0x600, s0;
	[sflag:s26] =	ssyncadd.s32 $0xFFFFC000  }
0x49: {  	[spmem:s2] =	stream.indirect.scatter.add.f32 [tilespmem:s24], [sflag:$0x4], $0x80, s21, s23, $0xb8;
	[tilespmem:$0x1CC00] =	vst v63  }
0x4a: {  	_ =	swait.ge [sflag:s19], $0x4000  }
0x4b: {  	[sflag:s19] =	ssyncset.done $0x0  }
0x4c: {  	s22 =	sadd.s32 $0x100, s0;
	[sflag:s19] =	ssyncadd.s32 $0xFFFFC000  }
0x4d: {  	[tilespmem:s24], [sflag:$0x1] =	stream.indirect.gather [hbm4b:s5+s23], $0x80, s22, s23, $0xb8;
	[tilespmem:$0x1CC00] =	vst v63  }
0x4e: {  	_ =	swait.ge [sflag:s28], $0x4000  }
0x4f: {  	[sflag:s28] =	ssyncset.done $0x0  }
0x50: {  	s10 =	sadd.s32 $0x680, s0;
	[sflag:s28] =	ssyncadd.s32 $0xFFFFC000  }
0x51: {  	[spmem:s2] =	stream.indirect.scatter.add.f32 [tilespmem:s25], [sflag:$0x4], $0x80, s10, s23, $0xb8;
	[tilespmem:$0x1CC00] =	vst v63  }
0x52: {  	_ =	swait.ge [sflag:s19], $0x4000  }
0x53: {  	[sflag:s19] =	ssyncset.done $0x0  }
0x54: {  	s11 =	sadd.s32 $0x180, s0;
	[sflag:s19] =	ssyncadd.s32 $0xFFFFC000  }
0x55: {  	[tilespmem:s25], [sflag:$0x2] =	stream.indirect.gather [hbm4b:s5+s23], $0x80, s11, s23, $0xb8;
	[tilespmem:$0x1CC00] =	vst v63  }
0x56: {  	_ =	swait.ge [sflag:s26], $0x4000  }
0x57: {  	[sflag:s26] =	ssyncset.done $0x0  }
0x58: {  	s12 =	sadd.s32 $0x700, s0;
	[sflag:s26] =	ssyncadd.s32 $0xFFFFC000  }
0x59: {  	[spmem:s2] =	stream.indirect.scatter.add.f32 [tilespmem:s24], [sflag:$0x4], $0x80, s12, s23, $0xb8;
	[tilespmem:$0x1CC00] =	vst v63  }
0x5a: {  	_ =	swait.ge [sflag:s19], $0x4000  }
0x5b: {  	[sflag:s19] =	ssyncset.done $0x0  }
0x5c: {  	s16 =	sadd.s32 $0x200, s0;
	[sflag:s19] =	ssyncadd.s32 $0xFFFFC000  }
0x5d: {  	[tilespmem:s24], [sflag:$0x1] =	stream.indirect.gather [hbm4b:s5+s23], $0x80, s16, s23, $0xb8;
	[tilespmem:$0x1CC00] =	vst v63  }
0x5e: {  	_ =	swait.ge [sflag:s28], $0x4000  }
0x5f: {  	[sflag:s28] =	ssyncset.done $0x0  }
0x60: {  	s20 =	sadd.s32 $0x780, s0;
	[sflag:s28] =	ssyncadd.s32 $0xFFFFC000  }
0x61: {  	[spmem:s2] =	stream.indirect.scatter.add.f32 [tilespmem:s25], [sflag:$0x4], $0x80, s20, s23, $0xb8;
	[tilespmem:$0x1CC00] =	vst v63  }
0x62: {  	_ =	swait.ge [sflag:s19], $0x4000  }
0x63: {  	[sflag:s19] =	ssyncset.done $0x0  }
0x64: {  	s22 =	sadd.s32 $0x280, s0;
	[sflag:s19] =	ssyncadd.s32 $0xFFFFC000  }
0x65: {  	[tilespmem:s25], [sflag:$0x2] =	stream.indirect.gather [hbm4b:s5+s23], $0x80, s22, s23, $0xb8;
	[tilespmem:$0x1CC00] =	vst v63  }
0x66: {  	_ =	swait.ge [sflag:s26], $0x4000  }
0x67: {  	[sflag:s26] =	ssyncset.done $0x0  }
0x68: {  	s10 =	sor.u32 $0x800, s0;
	[sflag:s26] =	ssyncadd.s32 $0xFFFFC000  }
0x69: {  	[spmem:s2] =	stream.indirect.scatter.add.f32 [tilespmem:s24], [sflag:$0x4], $0x80, s10, s23, $0xb8;
	[tilespmem:$0x1CC00] =	vst v63  }
0x6a: {  	_ =	swait.ge [sflag:s19], $0x4000  }
0x6b: {  	p3 =	por $0x0, $0x0;
	[sflag:s19] =	ssyncset.done $0x0  }
0x6c: {  	s10 =	simm.s32 @!p3 $0x3;
	[sflag:s19] =	ssyncadd.s32 $0xFFFFC000  }
0x6d: {  	_ =	swait.ge @!p3 [sflag:s10], $0x300  }
0x6e: {  	s6 =	sxor.u32 @!p3 $0x1, s6;
	[sflag:s10] =	ssyncset.done @!p3 $0x0  }
0x6f: {  	s6 =	smul.u32 @!p3 $0xC00, s6;
	[sflag:s10] =	ssyncadd.s32 @!p3 $0xFFFFFD00  }
0x70: {  	_ =	swait.ge @!p3 [sflag:s10], $0x300  }
0x71: {  	s6 =	sshrl.u32 @!p3 s6, $0x2;
	[sflag:s10] =	ssyncset.done @!p3 $0x0  }
0x72: {  	s11 =	simm.s32 @!p3 $0xC00;
	[sflag:s10] =	ssyncadd.s32 @!p3 $0xFFFFFD00;
	s10 =	simm.s32 @!p3 $0x80  }
0x73: {  	[tilespmem:s11], [sflag:$0x1] =	stream.indirect.gather @!p3 [hbm4b:s5+s10], $0x80, s6, s10, $0xb8;
	[tilespmem:$0x1CC00] =	vst v63  }
0x74: {  	_ =	swait.ge [sflag:s28], $0x4000  }
0x75: {  	[sflag:s28] =	ssyncset.done $0x0  }
0x76: {  	s1 =	sadd.s32 $0x600, s22;
	[sflag:s28] =	ssyncadd.s32 $0xFFFFC000  }
0x77: {  	[spmem:s2] =	stream.indirect.scatter.add.f32 [tilespmem:s25], [sflag:$0x4], $0x80, s1, s23, $0xb8;
	[tilespmem:$0x1CC00] =	vst v63  }
0x78: {  	p4 =	por $0x0, $0x0;
	s30 =	simm.s32 $0x1;
	_ =	swait.ge [sflag:s19], $0x4000  }
0x79: {  	s31 =	sadd.s32 $0x60, s13;
	s12 =	simm.s32 $0x2;
	[sflag:s19] =	ssyncset.done $0x0  }
0x7a: {  	s22 =	sand.u32 $0x1, s30;
	s6 =	simm.s32 @!p4 $0x0;
	[sflag:s19] =	ssyncadd.s32 $0xFFFFC000  }
0x7b: {  	[tilespmem:s0], [sflag:$0x3] =	stream.linear.gather @!p4 [hbm4b:s17+s6], $0x300, $0x38;
	[tilespmem:$0x1CC00] =	vst v63  }
0x7c: {  	s16 =	smov.u32 s13;
	s1 =	sadd.s32 $0x60, s17;
	s0 =	smul.u32 $0x300, s22  }
.LBB2_6:
0x7d: {  	[tilespmem:s21], [sflag:$0x3] =	stream.linear.gather @!p4 [hbm4b:s16+s6], $0x300, $0x38;
	[tilespmem:$0x1CC00] =	vst v63  }
0x7e: {  	s6 =	smov.u32 s12;
	s12 =	sadd.s32 $0x1, s12;
	s10 =	sor.u32 $0x80, s0  }
0x7f: {  	[tilespmem:s25], [sflag:$0x2] =	stream.indirect.gather [hbm4b:s5+s23], $0x80, s10, s23, $0xb8;
	[tilespmem:$0x1CC00] =	vst v63  }
0x80: {  	s16 =	smov.u32 s31;
	p3 =	sne.s32 s12, $0xD;
	_ =	swait.ge [sflag:s26], $0x4000  }
0x81: {  	[sflag:s26] =	ssyncset.done $0x0  }
0x82: {  	s21 =	sadd.s32 $0x600, s0;
	[sflag:s26] =	ssyncadd.s32 $0xFFFFC000  }
0x83: {  	[spmem:s2] =	stream.indirect.scatter.add.f32 [tilespmem:s24], [sflag:$0x4], $0x80, s21, s23, $0xb8;
	[tilespmem:$0x1CC00] =	vst v63  }
0x84: {  	_ =	swait.ge [sflag:s19], $0x4000  }
0x85: {  	[sflag:s19] =	ssyncset.done $0x0  }
0x86: {  	s10 =	sadd.s32 $0x100, s0;
	[sflag:s19] =	ssyncadd.s32 $0xFFFFC000  }
0x87: {  	[tilespmem:s24], [sflag:$0x1] =	stream.indirect.gather [hbm4b:s5+s23], $0x80, s10, s23, $0xb8;
	[tilespmem:$0x1CC00] =	vst v63  }
0x88: {  	_ =	swait.ge [sflag:s28], $0x4000  }
0x89: {  	[sflag:s28] =	ssyncset.done $0x0  }
0x8a: {  	s10 =	sadd.s32 $0x680, s0;
	[sflag:s28] =	ssyncadd.s32 $0xFFFFC000  }
0x8b: {  	[spmem:s2] =	stream.indirect.scatter.add.f32 [tilespmem:s25], [sflag:$0x4], $0x80, s10, s23, $0xb8;
	[tilespmem:$0x1CC00] =	vst v63  }
0x8c: {  	_ =	swait.ge [sflag:s19], $0x4000  }
0x8d: {  	[sflag:s19] =	ssyncset.done $0x0  }
0x8e: {  	s10 =	sadd.s32 $0x180, s0;
	[sflag:s19] =	ssyncadd.s32 $0xFFFFC000  }
0x8f: {  	[tilespmem:s25], [sflag:$0x2] =	stream.indirect.gather [hbm4b:s5+s23], $0x80, s10, s23, $0xb8;
	[tilespmem:$0x1CC00] =	vst v63  }
0x90: {  	_ =	swait.ge [sflag:s26], $0x4000  }
0x91: {  	[sflag:s26] =	ssyncset.done $0x0  }
0x92: {  	s10 =	sadd.s32 $0x700, s0;
	[sflag:s26] =	ssyncadd.s32 $0xFFFFC000  }
0x93: {  	[spmem:s2] =	stream.indirect.scatter.add.f32 [tilespmem:s24], [sflag:$0x4], $0x80, s10, s23, $0xb8;
	[tilespmem:$0x1CC00] =	vst v63  }
0x94: {  	_ =	swait.ge [sflag:s19], $0x4000  }
0x95: {  	[sflag:s19] =	ssyncset.done $0x0  }
0x96: {  	s10 =	sadd.s32 $0x200, s0;
	[sflag:s19] =	ssyncadd.s32 $0xFFFFC000  }
0x97: {  	[tilespmem:s24], [sflag:$0x1] =	stream.indirect.gather [hbm4b:s5+s23], $0x80, s10, s23, $0xb8;
	[tilespmem:$0x1CC00] =	vst v63  }
0x98: {  	_ =	swait.ge [sflag:s28], $0x4000  }
0x99: {  	[sflag:s28] =	ssyncset.done $0x0  }
0x9a: {  	s10 =	sadd.s32 $0x780, s0;
	[sflag:s28] =	ssyncadd.s32 $0xFFFFC000  }
0x9b: {  	[spmem:s2] =	stream.indirect.scatter.add.f32 [tilespmem:s25], [sflag:$0x4], $0x80, s10, s23, $0xb8;
	[tilespmem:$0x1CC00] =	vst v63  }
0x9c: {  	_ =	swait.ge [sflag:s19], $0x4000  }
0x9d: {  	[sflag:s19] =	ssyncset.done $0x0  }
0x9e: {  	s10 =	sadd.s32 $0x280, s0;
	[sflag:s19] =	ssyncadd.s32 $0xFFFFC000  }
0x9f: {  	[tilespmem:s25], [sflag:$0x2] =	stream.indirect.gather [hbm4b:s5+s23], $0x80, s10, s23, $0xb8;
	[tilespmem:$0x1CC00] =	vst v63  }
0xa0: {  	_ =	swait.ge [sflag:s26], $0x4000  }
0xa1: {  	[sflag:s26] =	ssyncset.done $0x0  }
0xa2: {  	s11 =	sor.u32 $0x800, s0;
	[sflag:s26] =	ssyncadd.s32 $0xFFFFC000  }
0xa3: {  	[spmem:s2] =	stream.indirect.scatter.add.f32 [tilespmem:s24], [sflag:$0x4], $0x80, s11, s23, $0xb8;
	[tilespmem:$0x1CC00] =	vst v63  }
0xa4: {  	_ =	swait.ge [sflag:s19], $0x4000  }
0xa5: {  	p4 =	seq.s32 s30, $0xC;
	[sflag:s19] =	ssyncset.done $0x0  }
0xa6: {  	s20 =	simm.s32 @!p4 $0x3;
	s11 =	sxor.u32 @!p4 $0x1, s22;
	[sflag:s19] =	ssyncadd.s32 $0xFFFFC000  }
0xa7: {  	s11 =	smul.u32 @!p4 $0xC00, s11;
	_ =	swait.ge @!p4 [sflag:s20], $0x300  }
0xa8: {  	[sflag:s20] =	ssyncset.done @!p4 $0x0  }
0xa9: {  	[sflag:s20] =	ssyncadd.s32 @!p4 $0xFFFFFD00  }
0xaa: {  	_ =	swait.ge @!p4 [sflag:s20], $0x300  }
0xab: {  	s22 =	simm.s32 @!p4 $0xC00;
	[sflag:s20] =	ssyncset.done @!p4 $0x0  }
0xac: {  	s11 =	sshrl.u32 @!p4 s11, $0x2;
	[sflag:s20] =	ssyncadd.s32 @!p4 $0xFFFFFD00;
	s20 =	simm.s32 @!p4 $0x80  }
0xad: {  	[tilespmem:s22], [sflag:$0x1] =	stream.indirect.gather @!p4 [hbm4b:s5+s20], $0x80, s11, s20, $0xb8;
	[tilespmem:$0x1CC00] =	vst v63  }
0xae: {  	_ =	swait.ge [sflag:s28], $0x4000  }
0xaf: {  	[sflag:s28] =	ssyncset.done $0x0  }
0xb0: {  	s10 =	sadd.s32 $0x600, s10;
	[sflag:s28] =	ssyncadd.s32 $0xFFFFC000  }
0xb1: {  	[spmem:s2] =	stream.indirect.scatter.add.f32 [tilespmem:s25], [sflag:$0x4], $0x80, s10, s23, $0xb8;
	[tilespmem:$0x1CC00] =	vst v63  }
.Ltmp3:
0xb2: {  	_ =	swait.ge [sflag:s19], $0x4000;
	(pc) =	sbr.rel @p3 .LBB2_6-.Ltmp3, $4  }
0xb3: {  	p4 =	sgt.u32 s30, $0xA;
	s30 =	smov.u32 s6;
	[sflag:s19] =	ssyncset.done $0x0  }
0xb4: {  	s22 =	sand.u32 $0x1, s30;
	s6 =	simm.s32 @!p4 $0x0;
	[sflag:s19] =	ssyncadd.s32 $0xFFFFC000  }
0xb5: {  	[tilespmem:s0], [sflag:$0x3] =	stream.linear.gather @!p4 [hbm4b:s1+s6], $0x300, $0x38;
	[tilespmem:$0x1CC00] =	vst v63  }
0xb6: {  	s31 =	sadd.s32 $0x60, s31;
	s0 =	smul.u32 $0x300, s22;
	s1 =	sadd.s32 $0x60, s1  }
0xb7: {  	[tilespmem:s21], [sflag:$0x3] =	stream.linear.gather @!p4 [hbm4b:s16+s6], $0x300, $0x38;
	[tilespmem:$0x1CC00] =	vst v63  }
0xb8: {  	s20 =	sor.u32 $0x80, s0  }
0xb9: {  	[tilespmem:s25], [sflag:$0x2] =	stream.indirect.gather [hbm4b:s5+s23], $0x80, s20, s23, $0xb8;
	[tilespmem:$0x1CC00] =	vst v63  }
0xba: {  	_ =	swait.ge [sflag:s26], $0x4000  }
0xbb: {  	[sflag:s26] =	ssyncset.done $0x0  }
0xbc: {  	s6 =	sadd.s32 $0x600, s0;
	[sflag:s26] =	ssyncadd.s32 $0xFFFFC000  }
0xbd: {  	[spmem:s2] =	stream.indirect.scatter.add.f32 [tilespmem:s24], [sflag:$0x4], $0x80, s6, s23, $0xb8;
	[tilespmem:$0x1CC00] =	vst v63  }
0xbe: {  	_ =	swait.ge [sflag:s19], $0x4000  }
0xbf: {  	[sflag:s19] =	ssyncset.done $0x0  }
0xc0: {  	s10 =	sadd.s32 $0x100, s0;
	[sflag:s19] =	ssyncadd.s32 $0xFFFFC000  }
0xc1: {  	[tilespmem:s24], [sflag:$0x1] =	stream.indirect.gather [hbm4b:s5+s23], $0x80, s10, s23, $0xb8;
	[tilespmem:$0x1CC00] =	vst v63  }
0xc2: {  	_ =	swait.ge [sflag:s28], $0x4000  }
0xc3: {  	[sflag:s28] =	ssyncset.done $0x0  }
0xc4: {  	s21 =	sadd.s32 $0x680, s0;
	[sflag:s28] =	ssyncadd.s32 $0xFFFFC000  }
0xc5: {  	[spmem:s2] =	stream.indirect.scatter.add.f32 [tilespmem:s25], [sflag:$0x4], $0x80, s21, s23, $0xb8;
	[tilespmem:$0x1CC00] =	vst v63  }
0xc6: {  	_ =	swait.ge [sflag:s19], $0x4000  }
0xc7: {  	[sflag:s19] =	ssyncset.done $0x0  }
0xc8: {  	s11 =	sadd.s32 $0x180, s0;
	[sflag:s19] =	ssyncadd.s32 $0xFFFFC000  }
0xc9: {  	[tilespmem:s25], [sflag:$0x2] =	stream.indirect.gather [hbm4b:s5+s23], $0x80, s11, s23, $0xb8;
	[tilespmem:$0x1CC00] =	vst v63  }
0xca: {  	_ =	swait.ge [sflag:s26], $0x4000  }
0xcb: {  	[sflag:s26] =	ssyncset.done $0x0  }
0xcc: {  	s12 =	sadd.s32 $0x700, s0;
	[sflag:s26] =	ssyncadd.s32 $0xFFFFC000  }
0xcd: {  	[spmem:s2] =	stream.indirect.scatter.add.f32 [tilespmem:s24], [sflag:$0x4], $0x80, s12, s23, $0xb8;
	[tilespmem:$0x1CC00] =	vst v63  }
0xce: {  	_ =	swait.ge [sflag:s19], $0x4000  }
0xcf: {  	[sflag:s19] =	ssyncset.done $0x0  }
0xd0: {  	s16 =	sadd.s32 $0x200, s0;
	[sflag:s19] =	ssyncadd.s32 $0xFFFFC000  }
0xd1: {  	[tilespmem:s24], [sflag:$0x1] =	stream.indirect.gather [hbm4b:s5+s23], $0x80, s16, s23, $0xb8;
	[tilespmem:$0x1CC00] =	vst v63  }
0xd2: {  	_ =	swait.ge [sflag:s28], $0x4000  }
0xd3: {  	[sflag:s28] =	ssyncset.done $0x0  }
0xd4: {  	s20 =	sadd.s32 $0x780, s0;
	[sflag:s28] =	ssyncadd.s32 $0xFFFFC000  }
0xd5: {  	[spmem:s2] =	stream.indirect.scatter.add.f32 [tilespmem:s25], [sflag:$0x4], $0x80, s20, s23, $0xb8;
	[tilespmem:$0x1CC00] =	vst v63  }
0xd6: {  	_ =	swait.ge [sflag:s19], $0x4000  }
0xd7: {  	[sflag:s19] =	ssyncset.done $0x0  }
0xd8: {  	s21 =	sadd.s32 $0x280, s0;
	[sflag:s19] =	ssyncadd.s32 $0xFFFFC000  }
0xd9: {  	[tilespmem:s25], [sflag:$0x2] =	stream.indirect.gather [hbm4b:s5+s23], $0x80, s21, s23, $0xb8;
	[tilespmem:$0x1CC00] =	vst v63  }
0xda: {  	_ =	swait.ge [sflag:s26], $0x4000  }
0xdb: {  	[sflag:s26] =	ssyncset.done $0x0  }
0xdc: {  	s11 =	sor.u32 $0x800, s0;
	[sflag:s26] =	ssyncadd.s32 $0xFFFFC000  }
0xdd: {  	[spmem:s2] =	stream.indirect.scatter.add.f32 [tilespmem:s24], [sflag:$0x4], $0x80, s11, s23, $0xb8;
	[tilespmem:$0x1CC00] =	vst v63  }
0xde: {  	_ =	swait.ge [sflag:s19], $0x4000  }
0xdf: {  	p3 =	seq.s32 s30, $0xC;
	[sflag:s19] =	ssyncset.done $0x0  }
0xe0: {  	s11 =	simm.s32 @!p3 $0x3;
	[sflag:s19] =	ssyncadd.s32 $0xFFFFC000  }
0xe1: {  	_ =	swait.ge @!p3 [sflag:s11], $0x300  }
0xe2: {  	s12 =	sxor.u32 @!p3 $0x1, s22;
	[sflag:s11] =	ssyncset.done @!p3 $0x0  }
0xe3: {  	s12 =	smul.u32 @!p3 $0xC00, s12;
	[sflag:s11] =	ssyncadd.s32 @!p3 $0xFFFFFD00  }
0xe4: {  	_ =	swait.ge @!p3 [sflag:s11], $0x300  }
0xe5: {  	s12 =	sshrl.u32 @!p3 s12, $0x2;
	[sflag:s11] =	ssyncset.done @!p3 $0x0  }
0xe6: {  	s16 =	simm.s32 @!p3 $0xC00;
	[sflag:s11] =	ssyncadd.s32 @!p3 $0xFFFFFD00;
	s11 =	simm.s32 @!p3 $0x80  }
0xe7: {  	[tilespmem:s16], [sflag:$0x1] =	stream.indirect.gather @!p3 [hbm4b:s5+s11], $0x80, s12, s11, $0xb8;
	[tilespmem:$0x1CC00] =	vst v63  }
0xe8: {  	_ =	swait.ge [sflag:s28], $0x4000  }
0xe9: {  	[sflag:s28] =	ssyncset.done $0x0  }
0xea: {  	s10 =	sadd.s32 $0x600, s21;
	[sflag:s28] =	ssyncadd.s32 $0xFFFFC000  }
0xeb: {  	[spmem:s2] =	stream.indirect.scatter.add.f32 [tilespmem:s25], [sflag:$0x4], $0x80, s10, s23, $0xb8;
	[tilespmem:$0x1CC00] =	vst v63  }
0xec: {  	_ =	swait.ge [sflag:s19], $0x4000  }
.Ltmp4:
0xed: {  	p3 =	sgt.u32 s30, $0xA;
	[sflag:s19] =	ssyncset.done $0x0;
	(pc) =	sbr.rel @p1 .LBB2_9-.Ltmp4, $4  }
.Ltmp5:
0xee: {  	s10 =	simm.s32 @!p3 $0x0;
	[sflag:s19] =	ssyncadd.s32 $0xFFFFC000;
	(pc) =	sbr.rel @!p1 .LBB2_8-.Ltmp5, $4  }
0xef: {  	[tilespmem:s0], [sflag:$0x3] =	stream.linear.gather @!p3 [hbm4b:s1+s10], $0x300, $0x38;
	[tilespmem:$0x1CC00] =	vst v63  }
0xf0: {  	s0 =	smov.u32 s5  }
0xf1: {  	[tilespmem:s6], [sflag:$0x3] =	stream.linear.gather @!p3 [hbm4b:s31+s10], $0x300, $0x38;
	[tilespmem:$0x1CC00] =	vst v63  }
0xf2: {  	_ = 	snop  }
.LBB2_2:
0xf3: {  	[tilespmem:s24], [sflag:$0x1] =	stream.indirect.gather [hbm4b:s4+s23], $0x80, s1, s23, $0xb8;
	[tilespmem:$0x1CC00] =	vst v63  }
0xf4: {  	s21 =	sor.u32 $0x80, s0  }
0xf5: {  	[tilespmem:s25], [sflag:$0x2] =	stream.indirect.gather [hbm4b:s4+s23], $0x80, s21, s23, $0xb8;
	[tilespmem:$0x1CC00] =	vst v63  }
0xf6: {  	_ =	swait.ge [sflag:s26], $0x4000  }
0xf7: {  	[sflag:s26] =	ssyncset.done $0x0  }
0xf8: {  	s21 =	sadd.s32 $0x600, s0;
	[sflag:s26] =	ssyncadd.s32 $0xFFFFC000  }
0xf9: {  	[spmem:s2] =	stream.indirect.scatter.add.f32 [tilespmem:s24], [sflag:$0x4], $0x80, s21, s23, $0xb8;
	[tilespmem:$0x1CC00] =	vst v63  }
0xfa: {  	_ =	swait.ge [sflag:s19], $0x4000  }
0xfb: {  	[sflag:s19] =	ssyncset.done $0x0  }
0xfc: {  	s22 =	sadd.s32 $0x100, s0;
	[sflag:s19] =	ssyncadd.s32 $0xFFFFC000  }
0xfd: {  	[tilespmem:s24], [sflag:$0x1] =	stream.indirect.gather [hbm4b:s4+s23], $0x80, s22, s23, $0xb8;
	[tilespmem:$0x1CC00] =	vst v63  }
0xfe: {  	_ =	swait.ge [sflag:s28], $0x4000  }
0xff: {  	[sflag:s28] =	ssyncset.done $0x0  }
0x100: {  	s10 =	sadd.s32 $0x680, s0;
	[sflag:s28] =	ssyncadd.s32 $0xFFFFC000  }
0x101: {  	[spmem:s2] =	stream.indirect.scatter.add.f32 [tilespmem:s25], [sflag:$0x4], $0x80, s10, s23, $0xb8;
	[tilespmem:$0x1CC00] =	vst v63  }
0x102: {  	_ =	swait.ge [sflag:s19], $0x4000  }
0x103: {  	[sflag:s19] =	ssyncset.done $0x0  }
0x104: {  	s11 =	sadd.s32 $0x180, s0;
	[sflag:s19] =	ssyncadd.s32 $0xFFFFC000  }
0x105: {  	[tilespmem:s25], [sflag:$0x2] =	stream.indirect.gather [hbm4b:s4+s23], $0x80, s11, s23, $0xb8;
	[tilespmem:$0x1CC00] =	vst v63  }
0x106: {  	_ =	swait.ge [sflag:s26], $0x4000  }
0x107: {  	[sflag:s26] =	ssyncset.done $0x0  }
0x108: {  	s12 =	sadd.s32 $0x700, s0;
	[sflag:s26] =	ssyncadd.s32 $0xFFFFC000  }
0x109: {  	[spmem:s2] =	stream.indirect.scatter.add.f32 [tilespmem:s24], [sflag:$0x4], $0x80, s12, s23, $0xb8;
	[tilespmem:$0x1CC00] =	vst v63  }
0x10a: {  	_ =	swait.ge [sflag:s19], $0x4000  }
0x10b: {  	[sflag:s19] =	ssyncset.done $0x0  }
0x10c: {  	s16 =	sadd.s32 $0x200, s0;
	[sflag:s19] =	ssyncadd.s32 $0xFFFFC000  }
0x10d: {  	[tilespmem:s24], [sflag:$0x1] =	stream.indirect.gather [hbm4b:s4+s23], $0x80, s16, s23, $0xb8;
	[tilespmem:$0x1CC00] =	vst v63  }
0x10e: {  	_ =	swait.ge [sflag:s28], $0x4000  }
0x10f: {  	[sflag:s28] =	ssyncset.done $0x0  }
0x110: {  	s20 =	sadd.s32 $0x780, s0;
	[sflag:s28] =	ssyncadd.s32 $0xFFFFC000  }
0x111: {  	[spmem:s2] =	stream.indirect.scatter.add.f32 [tilespmem:s25], [sflag:$0x4], $0x80, s20, s23, $0xb8;
	[tilespmem:$0x1CC00] =	vst v63  }
0x112: {  	_ =	swait.ge [sflag:s19], $0x4000  }
0x113: {  	[sflag:s19] =	ssyncset.done $0x0  }
0x114: {  	s22 =	sadd.s32 $0x280, s0;
	[sflag:s19] =	ssyncadd.s32 $0xFFFFC000  }
0x115: {  	[tilespmem:s25], [sflag:$0x2] =	stream.indirect.gather [hbm4b:s4+s23], $0x80, s22, s23, $0xb8;
	[tilespmem:$0x1CC00] =	vst v63  }
0x116: {  	_ =	swait.ge [sflag:s26], $0x4000  }
0x117: {  	[sflag:s26] =	ssyncset.done $0x0  }
0x118: {  	s12 =	sor.u32 $0x800, s0;
	[sflag:s26] =	ssyncadd.s32 $0xFFFFC000  }
0x119: {  	[spmem:s2] =	stream.indirect.scatter.add.f32 [tilespmem:s24], [sflag:$0x4], $0x80, s12, s23, $0xb8;
	[tilespmem:$0x1CC00] =	vst v63  }
0x11a: {  	_ =	swait.ge [sflag:s19], $0x4000  }
0x11b: {  	p3 =	por $0x0, $0x0;
	[sflag:s19] =	ssyncset.done $0x0  }
0x11c: {  	s12 =	simm.s32 @!p3 $0x3;
	[sflag:s19] =	ssyncadd.s32 $0xFFFFC000  }
0x11d: {  	_ =	swait.ge @!p3 [sflag:s12], $0x300  }
0x11e: {  	s6 =	sxor.u32 @!p3 $0x1, s6;
	[sflag:s12] =	ssyncset.done @!p3 $0x0  }
0x11f: {  	s6 =	smul.u32 @!p3 $0xC00, s6;
	[sflag:s12] =	ssyncadd.s32 @!p3 $0xFFFFFD00  }
0x120: {  	_ =	swait.ge @!p3 [sflag:s12], $0x300  }
0x121: {  	s6 =	sshrl.u32 @!p3 s6, $0x2;
	[sflag:s12] =	ssyncset.done @!p3 $0x0  }
0x122: {  	s16 =	simm.s32 @!p3 $0xC00;
	[sflag:s12] =	ssyncadd.s32 @!p3 $0xFFFFFD00;
	s12 =	simm.s32 @!p3 $0x80  }
0x123: {  	[tilespmem:s16], [sflag:$0x1] =	stream.indirect.gather @!p3 [hbm4b:s4+s12], $0x80, s6, s12, $0xb8;
	[tilespmem:$0x1CC00] =	vst v63  }
0x124: {  	_ =	swait.ge [sflag:s28], $0x4000  }
0x125: {  	[sflag:s28] =	ssyncset.done $0x0  }
0x126: {  	s1 =	sadd.s32 $0x600, s22;
	[sflag:s28] =	ssyncadd.s32 $0xFFFFC000  }
0x127: {  	[spmem:s2] =	stream.indirect.scatter.add.f32 [tilespmem:s25], [sflag:$0x4], $0x80, s1, s23, $0xb8;
	[tilespmem:$0x1CC00] =	vst v63  }
0x128: {  	p4 =	por $0x0, $0x0;
	s30 =	simm.s32 $0x1;
	_ =	swait.ge [sflag:s19], $0x4000  }
0x129: {  	s31 =	sadd.s32 $0x60, s13;
	s22 =	sand.u32 $0x1, s30;
	[sflag:s19] =	ssyncset.done $0x0  }
0x12a: {  	s6 =	simm.s32 @!p4 $0x0;
	s12 =	simm.s32 $0x2;
	[sflag:s19] =	ssyncadd.s32 $0xFFFFC000  }
0x12b: {  	[tilespmem:s0], [sflag:$0x3] =	stream.linear.gather @!p4 [hbm4b:s17+s6], $0x300, $0x38;
	[tilespmem:$0x1CC00] =	vst v63  }
0x12c: {  	s16 =	smov.u32 s13;
	s1 =	sadd.s32 $0x60, s17;
	s0 =	smul.u32 $0x300, s22  }
.LBB2_3:
0x12d: {  	[tilespmem:s21], [sflag:$0x3] =	stream.linear.gather @!p4 [hbm4b:s16+s6], $0x300, $0x38;
	[tilespmem:$0x1CC00] =	vst v63  }
0x12e: {  	s6 =	smov.u32 s12;
	s12 =	sadd.s32 $0x1, s12;
	s16 =	sor.u32 $0x80, s0  }
0x12f: {  	[tilespmem:s25], [sflag:$0x2] =	stream.indirect.gather [hbm4b:s4+s23], $0x80, s16, s23, $0xb8;
	[tilespmem:$0x1CC00] =	vst v63  }
0x130: {  	p3 =	sne.s32 s12, $0xD;
	s16 =	smov.u32 s31;
	_ =	swait.ge [sflag:s26], $0x4000  }
0x131: {  	[sflag:s26] =	ssyncset.done $0x0  }
0x132: {  	s21 =	sadd.s32 $0x600, s0;
	[sflag:s26] =	ssyncadd.s32 $0xFFFFC000  }
0x133: {  	[spmem:s2] =	stream.indirect.scatter.add.f32 [tilespmem:s24], [sflag:$0x4], $0x80, s21, s23, $0xb8;
	[tilespmem:$0x1CC00] =	vst v63  }
0x134: {  	_ =	swait.ge [sflag:s19], $0x4000  }
0x135: {  	[sflag:s19] =	ssyncset.done $0x0  }
0x136: {  	s20 =	sadd.s32 $0x100, s0;
	[sflag:s19] =	ssyncadd.s32 $0xFFFFC000  }
0x137: {  	[tilespmem:s24], [sflag:$0x1] =	stream.indirect.gather [hbm4b:s4+s23], $0x80, s20, s23, $0xb8;
	[tilespmem:$0x1CC00] =	vst v63  }
0x138: {  	_ =	swait.ge [sflag:s28], $0x4000  }
0x139: {  	[sflag:s28] =	ssyncset.done $0x0  }
0x13a: {  	s20 =	sadd.s32 $0x680, s0;
	[sflag:s28] =	ssyncadd.s32 $0xFFFFC000  }
0x13b: {  	[spmem:s2] =	stream.indirect.scatter.add.f32 [tilespmem:s25], [sflag:$0x4], $0x80, s20, s23, $0xb8;
	[tilespmem:$0x1CC00] =	vst v63  }
0x13c: {  	_ =	swait.ge [sflag:s19], $0x4000  }
0x13d: {  	[sflag:s19] =	ssyncset.done $0x0  }
0x13e: {  	s20 =	sadd.s32 $0x180, s0;
	[sflag:s19] =	ssyncadd.s32 $0xFFFFC000  }
0x13f: {  	[tilespmem:s25], [sflag:$0x2] =	stream.indirect.gather [hbm4b:s4+s23], $0x80, s20, s23, $0xb8;
	[tilespmem:$0x1CC00] =	vst v63  }
0x140: {  	_ =	swait.ge [sflag:s26], $0x4000  }
0x141: {  	[sflag:s26] =	ssyncset.done $0x0  }
0x142: {  	s20 =	sadd.s32 $0x700, s0;
	[sflag:s26] =	ssyncadd.s32 $0xFFFFC000  }
0x143: {  	[spmem:s2] =	stream.indirect.scatter.add.f32 [tilespmem:s24], [sflag:$0x4], $0x80, s20, s23, $0xb8;
	[tilespmem:$0x1CC00] =	vst v63  }
0x144: {  	_ =	swait.ge [sflag:s19], $0x4000  }
0x145: {  	[sflag:s19] =	ssyncset.done $0x0  }
0x146: {  	s20 =	sadd.s32 $0x200, s0;
	[sflag:s19] =	ssyncadd.s32 $0xFFFFC000  }
0x147: {  	[tilespmem:s24], [sflag:$0x1] =	stream.indirect.gather [hbm4b:s4+s23], $0x80, s20, s23, $0xb8;
	[tilespmem:$0x1CC00] =	vst v63  }
0x148: {  	_ =	swait.ge [sflag:s28], $0x4000  }
0x149: {  	[sflag:s28] =	ssyncset.done $0x0  }
0x14a: {  	s20 =	sadd.s32 $0x780, s0;
	[sflag:s28] =	ssyncadd.s32 $0xFFFFC000  }
0x14b: {  	[spmem:s2] =	stream.indirect.scatter.add.f32 [tilespmem:s25], [sflag:$0x4], $0x80, s20, s23, $0xb8;
	[tilespmem:$0x1CC00] =	vst v63  }
0x14c: {  	_ =	swait.ge [sflag:s19], $0x4000  }
0x14d: {  	[sflag:s19] =	ssyncset.done $0x0  }
0x14e: {  	s20 =	sadd.s32 $0x280, s0;
	[sflag:s19] =	ssyncadd.s32 $0xFFFFC000  }
0x14f: {  	[tilespmem:s25], [sflag:$0x2] =	stream.indirect.gather [hbm4b:s4+s23], $0x80, s20, s23, $0xb8;
	[tilespmem:$0x1CC00] =	vst v63  }
0x150: {  	_ =	swait.ge [sflag:s26], $0x4000  }
0x151: {  	[sflag:s26] =	ssyncset.done $0x0  }
0x152: {  	s10 =	sor.u32 $0x800, s0;
	[sflag:s26] =	ssyncadd.s32 $0xFFFFC000  }
0x153: {  	[spmem:s2] =	stream.indirect.scatter.add.f32 [tilespmem:s24], [sflag:$0x4], $0x80, s10, s23, $0xb8;
	[tilespmem:$0x1CC00] =	vst v63  }
0x154: {  	_ =	swait.ge [sflag:s19], $0x4000  }
0x155: {  	p4 =	seq.s32 s30, $0xC;
	[sflag:s19] =	ssyncset.done $0x0  }
0x156: {  	s10 =	sxor.u32 @!p4 $0x1, s22;
	s22 =	simm.s32 @!p4 $0x3;
	[sflag:s19] =	ssyncadd.s32 $0xFFFFC000  }
0x157: {  	s10 =	smul.u32 @!p4 $0xC00, s10;
	_ =	swait.ge @!p4 [sflag:s22], $0x300  }
0x158: {  	[sflag:s22] =	ssyncset.done @!p4 $0x0  }
0x159: {  	[sflag:s22] =	ssyncadd.s32 @!p4 $0xFFFFFD00  }
0x15a: {  	_ =	swait.ge @!p4 [sflag:s22], $0x300  }
0x15b: {  	s11 =	simm.s32 @!p4 $0xC00;
	[sflag:s22] =	ssyncset.done @!p4 $0x0  }
0x15c: {  	s10 =	sshrl.u32 @!p4 s10, $0x2;
	[sflag:s22] =	ssyncadd.s32 @!p4 $0xFFFFFD00;
	s22 =	simm.s32 @!p4 $0x80  }
0x15d: {  	[tilespmem:s11], [sflag:$0x1] =	stream.indirect.gather @!p4 [hbm4b:s4+s22], $0x80, s10, s22, $0xb8;
	[tilespmem:$0x1CC00] =	vst v63  }
0x15e: {  	_ =	swait.ge [sflag:s28], $0x4000  }
0x15f: {  	[sflag:s28] =	ssyncset.done $0x0  }
0x160: {  	s10 =	sadd.s32 $0x600, s20;
	[sflag:s28] =	ssyncadd.s32 $0xFFFFC000  }
0x161: {  	[spmem:s2] =	stream.indirect.scatter.add.f32 [tilespmem:s25], [sflag:$0x4], $0x80, s10, s23, $0xb8;
	[tilespmem:$0x1CC00] =	vst v63  }
.Ltmp6:
0x162: {  	_ =	swait.ge [sflag:s19], $0x4000;
	(pc) =	sbr.rel @p3 .LBB2_3-.Ltmp6, $4  }
0x163: {  	p4 =	sgt.u32 s30, $0xA;
	s30 =	smov.u32 s6;
	[sflag:s19] =	ssyncset.done $0x0  }
0x164: {  	s22 =	sand.u32 $0x1, s30;
	s6 =	simm.s32 @!p4 $0x0;
	[sflag:s19] =	ssyncadd.s32 $0xFFFFC000  }
0x165: {  	[tilespmem:s0], [sflag:$0x3] =	stream.linear.gather @!p4 [hbm4b:s1+s6], $0x300, $0x38;
	[tilespmem:$0x1CC00] =	vst v63  }
0x166: {  	s31 =	sadd.s32 $0x60, s31;
	s0 =	smul.u32 $0x300, s22;
	s1 =	sadd.s32 $0x60, s1  }
0x167: {  	[tilespmem:s21], [sflag:$0x3] =	stream.linear.gather @!p4 [hbm4b:s16+s6], $0x300, $0x38;
	[tilespmem:$0x1CC00] =	vst v63  }
0x168: {  	s20 =	sor.u32 $0x80, s0  }
0x169: {  	[tilespmem:s25], [sflag:$0x2] =	stream.indirect.gather [hbm4b:s4+s23], $0x80, s20, s23, $0xb8;
	[tilespmem:$0x1CC00] =	vst v63  }
0x16a: {  	_ =	swait.ge [sflag:s26], $0x4000  }
0x16b: {  	[sflag:s26] =	ssyncset.done $0x0  }
0x16c: {  	s6 =	sadd.s32 $0x600, s0;
	[sflag:s26] =	ssyncadd.s32 $0xFFFFC000  }
0x16d: {  	[spmem:s2] =	stream.indirect.scatter.add.f32 [tilespmem:s24], [sflag:$0x4], $0x80, s6, s23, $0xb8;
	[tilespmem:$0x1CC00] =	vst v63  }
0x16e: {  	_ =	swait.ge [sflag:s19], $0x4000  }
0x16f: {  	[sflag:s19] =	ssyncset.done $0x0  }
0x170: {  	s10 =	sadd.s32 $0x100, s0;
	[sflag:s19] =	ssyncadd.s32 $0xFFFFC000  }
0x171: {  	[tilespmem:s24], [sflag:$0x1] =	stream.indirect.gather [hbm4b:s4+s23], $0x80, s10, s23, $0xb8;
	[tilespmem:$0x1CC00] =	vst v63  }
0x172: {  	_ =	swait.ge [sflag:s28], $0x4000  }
0x173: {  	[sflag:s28] =	ssyncset.done $0x0  }
0x174: {  	s21 =	sadd.s32 $0x680, s0;
	[sflag:s28] =	ssyncadd.s32 $0xFFFFC000  }
0x175: {  	[spmem:s2] =	stream.indirect.scatter.add.f32 [tilespmem:s25], [sflag:$0x4], $0x80, s21, s23, $0xb8;
	[tilespmem:$0x1CC00] =	vst v63  }
0x176: {  	_ =	swait.ge [sflag:s19], $0x4000  }
0x177: {  	[sflag:s19] =	ssyncset.done $0x0  }
0x178: {  	s11 =	sadd.s32 $0x180, s0;
	[sflag:s19] =	ssyncadd.s32 $0xFFFFC000  }
0x179: {  	[tilespmem:s25], [sflag:$0x2] =	stream.indirect.gather [hbm4b:s4+s23], $0x80, s11, s23, $0xb8;
	[tilespmem:$0x1CC00] =	vst v63  }
0x17a: {  	_ =	swait.ge [sflag:s26], $0x4000  }
0x17b: {  	[sflag:s26] =	ssyncset.done $0x0  }
0x17c: {  	s12 =	sadd.s32 $0x700, s0;
	[sflag:s26] =	ssyncadd.s32 $0xFFFFC000  }
0x17d: {  	[spmem:s2] =	stream.indirect.scatter.add.f32 [tilespmem:s24], [sflag:$0x4], $0x80, s12, s23, $0xb8;
	[tilespmem:$0x1CC00] =	vst v63  }
0x17e: {  	_ =	swait.ge [sflag:s19], $0x4000  }
0x17f: {  	[sflag:s19] =	ssyncset.done $0x0  }
0x180: {  	s16 =	sadd.s32 $0x200, s0;
	[sflag:s19] =	ssyncadd.s32 $0xFFFFC000  }
0x181: {  	[tilespmem:s24], [sflag:$0x1] =	stream.indirect.gather [hbm4b:s4+s23], $0x80, s16, s23, $0xb8;
	[tilespmem:$0x1CC00] =	vst v63  }
0x182: {  	_ =	swait.ge [sflag:s28], $0x4000  }
0x183: {  	[sflag:s28] =	ssyncset.done $0x0  }
0x184: {  	s20 =	sadd.s32 $0x780, s0;
	[sflag:s28] =	ssyncadd.s32 $0xFFFFC000  }
0x185: {  	[spmem:s2] =	stream.indirect.scatter.add.f32 [tilespmem:s25], [sflag:$0x4], $0x80, s20, s23, $0xb8;
	[tilespmem:$0x1CC00] =	vst v63  }
0x186: {  	_ =	swait.ge [sflag:s19], $0x4000  }
0x187: {  	[sflag:s19] =	ssyncset.done $0x0  }
0x188: {  	s21 =	sadd.s32 $0x280, s0;
	[sflag:s19] =	ssyncadd.s32 $0xFFFFC000  }
0x189: {  	[tilespmem:s25], [sflag:$0x2] =	stream.indirect.gather [hbm4b:s4+s23], $0x80, s21, s23, $0xb8;
	[tilespmem:$0x1CC00] =	vst v63  }
0x18a: {  	_ =	swait.ge [sflag:s26], $0x4000  }
0x18b: {  	[sflag:s26] =	ssyncset.done $0x0  }
0x18c: {  	s11 =	sor.u32 $0x800, s0;
	[sflag:s26] =	ssyncadd.s32 $0xFFFFC000  }
0x18d: {  	[spmem:s2] =	stream.indirect.scatter.add.f32 [tilespmem:s24], [sflag:$0x4], $0x80, s11, s23, $0xb8;
	[tilespmem:$0x1CC00] =	vst v63  }
0x18e: {  	_ =	swait.ge [sflag:s19], $0x4000  }
0x18f: {  	p3 =	seq.s32 s30, $0xC;
	[sflag:s19] =	ssyncset.done $0x0  }
0x190: {  	s11 =	simm.s32 @!p3 $0x3;
	[sflag:s19] =	ssyncadd.s32 $0xFFFFC000  }
0x191: {  	_ =	swait.ge @!p3 [sflag:s11], $0x300  }
0x192: {  	s12 =	sxor.u32 @!p3 $0x1, s22;
	[sflag:s11] =	ssyncset.done @!p3 $0x0  }
0x193: {  	s12 =	smul.u32 @!p3 $0xC00, s12;
	[sflag:s11] =	ssyncadd.s32 @!p3 $0xFFFFFD00  }
0x194: {  	_ =	swait.ge @!p3 [sflag:s11], $0x300  }
0x195: {  	s12 =	sshrl.u32 @!p3 s12, $0x2;
	[sflag:s11] =	ssyncset.done @!p3 $0x0  }
0x196: {  	s16 =	simm.s32 @!p3 $0xC00;
	[sflag:s11] =	ssyncadd.s32 @!p3 $0xFFFFFD00;
	s11 =	simm.s32 @!p3 $0x80  }
0x197: {  	[tilespmem:s16], [sflag:$0x1] =	stream.indirect.gather @!p3 [hbm4b:s4+s11], $0x80, s12, s11, $0xb8;
	[tilespmem:$0x1CC00] =	vst v63  }
0x198: {  	_ =	swait.ge [sflag:s28], $0x4000  }
0x199: {  	[sflag:s28] =	ssyncset.done $0x0  }
0x19a: {  	s10 =	sadd.s32 $0x600, s21;
	[sflag:s28] =	ssyncadd.s32 $0xFFFFC000  }
0x19b: {  	[spmem:s2] =	stream.indirect.scatter.add.f32 [tilespmem:s25], [sflag:$0x4], $0x80, s10, s23, $0xb8;
	[tilespmem:$0x1CC00] =	vst v63  }
0x19c: {  	_ =	swait.ge [sflag:s19], $0x4000  }
.Ltmp7:
0x19d: {  	p3 =	sgt.u32 s30, $0xA;
	[sflag:s19] =	ssyncset.done $0x0;
	(pc) =	sbr.rel @p2 .LBB2_8-.Ltmp7, $4  }
.Ltmp8:
0x19e: {  	s10 =	simm.s32 @!p3 $0x0;
	[sflag:s19] =	ssyncadd.s32 $0xFFFFC000;
	(pc) =	sbr.rel @!p2 .LBB2_9-.Ltmp8, $4  }
0x19f: {  	[tilespmem:s0], [sflag:$0x3] =	stream.linear.gather @!p3 [hbm4b:s1+s10], $0x300, $0x38;
	[tilespmem:$0x1CC00] =	vst v63  }
0x1a0: {  	s0 =	smov.u32 s4  }
0x1a1: {  	[tilespmem:s6], [sflag:$0x3] =	stream.linear.gather @!p3 [hbm4b:s31+s10], $0x300, $0x38;
	[tilespmem:$0x1CC00] =	vst v63  }
0x1a2: {  	_ = 	snop  }
.LBB2_10:
0x1a3: {  	_ =	sfence.sel $0x180000  }
0x1a4: {  	[bflag:$0x0] =	sbarrier.arrive $0xFFFF  }
0x1a5: {  	_ =	strace $0x9000004A  }
0x1a6: {  	s0 =	stileid.u32;
	[bflag:$0x2] =	sbarrier.arrive $0xFFFF  }
0x1a7: {  	p0 =	sne.s32 s0, $0x0;
	s0 =	rddreg [dreg:$0x2]  }
0x1a8: {  	s0 =	sadd.s32 @!p0 $0x100000, s0  }
0x1a9: {  	[sflag:s0] =	ssyncadd.tile.s32 @!p0 $0x1;
	_ =	shalt  }
.Lfunc_end2:
_tile_overlayer_lowered:
.L_overlay_start_2:
0x1aa: {  	(tag) =	ssettag $0x2  }
0x1ab: {  	s0 =	rddreg [dreg:$0x0];
	s2 =	stileid.u32  }
0x1ac: {  	s1 =	rddreg [dreg:$0x1];
	p0 =	sne.s32 s2, $0x0  }
0x1ad: {  	s3 =	rddreg [dreg:$0x2];
	[bflag:$0x3] =	sbarrier.arrive $0xFFFF;
	s2 =	simm.s32 @!p0 $0x1C04  }
0x1ae: {  	[timem:s3], [sflag:s2] =	dma.local @!p0 [hbm:s0], s1  }
0x1af: {  	s0 =	simm.s32 @!p0 $0x4  }
0x1b0: {  	_ =	swait.ge @!p0 [sflag:s0], s1  }
0x1b1: {  	s1 =	ssub.s32 @!p0 $0x0, s1;
	[sflag:s0] =	ssyncset.done @!p0 $0x0  }
0x1b2: {  	[sflag:s0] =	ssyncadd.s32 @!p0 s1  }
0x1b3: {  	[bflag:$0x3] =	sbarrier.arrive $0xFFFF  }
0x1b4: {  	_ =	shalt  }

</sc_bundles>
